<compile_context>
chip_gen: v7x
topology: tpu7x:2x2x1
jax: 0.10.2.dev20260603
libtpu: 0.0.44.dev20260713+nightly
codegen_flags: <defaults>
</compile_context>

<pallas_src>
import jax
import jax.numpy as jnp
from jax import lax
from jax.experimental import pallas as pl
from jax.experimental.pallas import tpu as pltpu
from jax.experimental.pallas import tpu_sc as plsc

BATCH = 4096
MAX_LEN = 200
WORD_DIM = 64
POS_DIM = 16
OUT_DIM = WORD_DIM + POS_DIM
NW = 32
BTILE = BATCH // NW
NSET = 4
NITER = MAX_LEN // NSET


def _out_slab(out_hbm, t, wid):
    return out_hbm.at[pl.ds(t * 10, 10), pl.ds(wid, 1), :]


def _sc_body(wt_hbm, pt_hbm, ww_hbm, wp_hbm, out_hbm,
             iw_all, ip_all,
             rw0, rp0, rw1, rp1, rw2, rp2, rw3, rp3,
             tb0, tb1,
             sg0, sg1, sg2, sg3, sw0, sw1):
    rws = (rw0, rw1, rw2, rw3)
    rps = (rp0, rp1, rp2, rp3)
    sgs = (sg0, sg1, sg2, sg3)
    tbs = (tb0, tb1)
    sws = (sw0, sw1)
    wid = lax.axis_index("s") * 2 + lax.axis_index("c")
    iota = lax.iota(jnp.int32, 16)
    zvec = jnp.zeros((16,), jnp.int32)
    cvecs = [iota + blk * 16 for blk in range(4)]
    fbases = [(iota + blk * 16) * BTILE for blk in range(5)]

    pltpu.sync_copy(wt_hbm.at[:, pl.ds(wid, 1)], iw_all)
    pltpu.sync_copy(pt_hbm.at[:, pl.ds(wid, 1)], ip_all)

    def _idx(all_ref, t):
        return all_ref.at[lax.shift_right_logical(t, 3), 0,
                          lax.bitwise_and(t, 7)]

    def fire_g(s, t):
        pltpu.async_copy(ww_hbm.at[_idx(iw_all, t)], rws[s], sgs[s])
        pltpu.async_copy(wp_hbm.at[_idx(ip_all, t)], rps[s], sgs[s])

    def wait_g(s, t):
        pltpu.make_async_copy(ww_hbm.at[_idx(iw_all, t)],
                              rws[s], sgs[s]).wait()
        pltpu.make_async_copy(wp_hbm.at[_idx(ip_all, t)],
                              rps[s], sgs[s]).wait()

    def wait_w(k, t):
        pltpu.make_async_copy(tbs[k], _out_slab(out_hbm, t, wid),
                              sws[k]).wait()

    def transpose(rw, rp, tb):
        @plsc.parallel_loop(0, BTILE, unroll=8)
        def _(b):
            bb = lax.bitwise_and(iota + b, BTILE - 1)
            for blk in range(5):
                if blk < 4:
                    v = plsc.load_gather(rw, [bb, cvecs[blk]])
                else:
                    v = plsc.load_gather(rp, [bb, iota])
                f = fbases[blk] + bb
                q = lax.shift_right_logical(f, 10)
                r = lax.bitwise_and(f, 1023)
                plsc.store_scatter(tb, [q, zvec, r], v)

    for s in range(NSET):
        fire_g(s, s)

    def body(i, carry):
        t0 = NSET * i
        for s in range(NSET):
            t = t0 + s
            k = s % 2
            wait_g(s, t)
            if s < 2:
                @pl.when(i > 0)
                def _():
                    wait_w(k, t)
            else:
                wait_w(k, t)
            transpose(rws[s], rps[s], tbs[k])
            pltpu.async_copy(tbs[k], _out_slab(out_hbm, t, wid), sws[k])

            @pl.when(i < NITER - 1)
            def _():
                fire_g(s, t + NSET)
        return carry

    lax.fori_loop(0, NITER, body, 0)
    wait_w(0, MAX_LEN - 2)
    wait_w(1, MAX_LEN - 1)


def kernel(word, pos, W_word, W_pos):
    wt = word.T.astype(jnp.int32).reshape(25, 8, NW, BTILE)
    wt = jnp.transpose(wt, (0, 2, 1, 3))
    pt = pos.T.astype(jnp.int32).reshape(25, 8, NW, BTILE)
    pt = jnp.transpose(pt, (0, 2, 1, 3))
    mesh = plsc.VectorSubcoreMesh(core_axis_name="c", subcore_axis_name="s")
    gather_set = [
        pltpu.VMEM((BTILE, WORD_DIM), jnp.float32),
        pltpu.VMEM((BTILE, POS_DIM), jnp.float32),
    ]
    out3 = pl.kernel(
        _sc_body,
        mesh=mesh,
        out_type=jax.ShapeDtypeStruct((MAX_LEN * 10, NW, 1024), jnp.float32),
        compiler_params=pltpu.CompilerParams(
            use_tc_tiling_on_sc=False, needs_layout_passes=False),
        scratch_types=[
            pltpu.VMEM((25, 1, 8, BTILE), jnp.int32),
            pltpu.VMEM((25, 1, 8, BTILE), jnp.int32),
        ] + gather_set * NSET + [
            pltpu.VMEM((10, 1, 1024), jnp.float32),
            pltpu.VMEM((10, 1, 1024), jnp.float32),
        ] + [pltpu.SemaphoreType.DMA] * (NSET + 2),
    )(wt, pt, W_word, W_pos)
    x = out3.reshape(MAX_LEN, 10, NW, 8, BTILE)
    x = jnp.transpose(x, (2, 4, 0, 1, 3))
    return x.reshape(BATCH, MAX_LEN, OUT_DIM)

# --- scband reference (transcript-rebuilt; emitter-appended) ---
"""Pipeline reference for scband-word-feature-22136261444339 (READ-ONLY COPY).

The authoritative reference and input builder live on the scoring server;
editing this copy changes nothing except your own understanding.
"""

import jax, jax.numpy as jnp
import numpy as np

BATCH = 4096
MAX_LEN = 200
WORD_VOCAB = 100000
POS_VOCAB = 1000
WORD_DIM = 64
POS_DIM = 16


def setup_inputs(seed: int = 0) -> dict:
    key = jax.random.key(seed)
    k1, k2, k3, k4 = jax.random.split(key, 4)
    word = jax.random.randint(k1, (BATCH, MAX_LEN), 0, WORD_VOCAB, dtype=jnp.int64 if jax.config.jax_enable_x64 else jnp.int32)
    pos = jax.random.randint(k2, (BATCH, MAX_LEN), 0, POS_VOCAB, dtype=jnp.int64 if jax.config.jax_enable_x64 else jnp.int32)
    W_word = jax.random.normal(k3, (WORD_VOCAB, WORD_DIM), dtype=jnp.float32) * 0.02
    W_pos = jax.random.normal(k4, (POS_VOCAB, POS_DIM), dtype=jnp.float32) * 0.02
    return {"word": word, "pos": pos, "W_word": W_word, "W_pos": W_pos}


def reference(word, pos, W_word, W_pos):
    # embedding lookup per feature (gather rows), then concat on last dim
    word_emb = jnp.take(W_word, word, axis=0)  # [bs, max_len, 64]
    pos_emb = jnp.take(W_pos, pos, axis=0)     # [bs, max_len, 16]
    embed_outputs = jnp.concatenate([word_emb, pos_emb], axis=2)  # [bs, max_len, 80]
    return embed_outputs

if __name__ == "__main__":
    import jax
    _d = setup_inputs()
    print(jax.jit(kernel)(*tuple(_d.values())))

</pallas_src>

<mosaic_0001>
#map = affine_map<(d0, d1) -> (0, 0, 0, 0)>
#map1 = affine_map<(d0, d1) -> (0, 0)>
#map2 = affine_map<(d0, d1) -> (0, 0, 0)>
module attributes {stable_mosaic.version = 14 : i64} {
  func.func @_sc_body(%arg0: i32, %arg1: i32, %arg2: memref<25x32x8x128xi32, #tpu.memory_space<hbm>>, %arg3: memref<25x32x8x128xi32, #tpu.memory_space<hbm>>, %arg4: memref<100000x64xf32, #tpu.memory_space<hbm>>, %arg5: memref<1000x16xf32, #tpu.memory_space<hbm>>, %arg6: memref<2000x32x1024xf32, #tpu.memory_space<hbm>>, %arg7: memref<25x1x8x128xi32, #tpu.memory_space<vmem>>, %arg8: memref<25x1x8x128xi32, #tpu.memory_space<vmem>>, %arg9: memref<128x64xf32, #tpu.memory_space<vmem>>, %arg10: memref<128x16xf32, #tpu.memory_space<vmem>>, %arg11: memref<128x64xf32, #tpu.memory_space<vmem>>, %arg12: memref<128x16xf32, #tpu.memory_space<vmem>>, %arg13: memref<128x64xf32, #tpu.memory_space<vmem>>, %arg14: memref<128x16xf32, #tpu.memory_space<vmem>>, %arg15: memref<128x64xf32, #tpu.memory_space<vmem>>, %arg16: memref<128x16xf32, #tpu.memory_space<vmem>>, %arg17: memref<10x1x1024xf32, #tpu.memory_space<vmem>>, %arg18: memref<10x1x1024xf32, #tpu.memory_space<vmem>>, %arg19: memref<!tpu.dma_semaphore, #tpu.memory_space<semaphore_mem>>, %arg20: memref<!tpu.dma_semaphore, #tpu.memory_space<semaphore_mem>>, %arg21: memref<!tpu.dma_semaphore, #tpu.memory_space<semaphore_mem>>, %arg22: memref<!tpu.dma_semaphore, #tpu.memory_space<semaphore_mem>>, %arg23: memref<!tpu.dma_semaphore, #tpu.memory_space<semaphore_mem>>, %arg24: memref<!tpu.dma_semaphore, #tpu.memory_space<semaphore_mem>>) attributes {dimension_semantics = [#tpu.dimension_semantics<core_parallel>, #tpu.dimension_semantics<subcore_parallel>], iteration_bounds = array<i64: 2, 16>, scalar_prefetch = 0 : i64, scratch_operands = 18 : i64, tpu.core_type = #tpu.core_type<sc_vector_subcore>, window_params = [{transform_indices = #map}, {transform_indices = #map}, {transform_indices = #map1}, {transform_indices = #map1}, {transform_indices = #map2}]} {
    %mul3A = arith.constant 2 : i32
    %mul3A_0 = arith.muli %arg1, %mul3A : i32
    %add3A = arith.addi %mul3A_0, %arg0 : i32
    %iota3A = tpu.iota {dimensions = array<i32: 0>} : vector<16xi32>
    %broadcast_in_dim3A = arith.constant 0 : i32
    %broadcast_in_dim3A_1 = vector.broadcast %broadcast_in_dim3A : i32 to vector<16xi32>
    %add3A_2 = arith.constant 0 : i32
    %add3A_3 = vector.broadcast %add3A_2 : i32 to vector<16xi32>
    %add3A_4 = arith.addi %iota3A, %add3A_3 : vector<16xi32>
    %add3A_5 = arith.constant 16 : i32
    %add3A_6 = vector.broadcast %add3A_5 : i32 to vector<16xi32>
    %add3A_7 = arith.addi %iota3A, %add3A_6 : vector<16xi32>
    %add3A_8 = arith.constant 32 : i32
    %add3A_9 = vector.broadcast %add3A_8 : i32 to vector<16xi32>
    %add3A_10 = arith.addi %iota3A, %add3A_9 : vector<16xi32>
    %add3A_11 = arith.constant 48 : i32
    %add3A_12 = vector.broadcast %add3A_11 : i32 to vector<16xi32>
    %add3A_13 = arith.addi %iota3A, %add3A_12 : vector<16xi32>
    %add3A_14 = arith.constant 0 : i32
    %add3A_15 = vector.broadcast %add3A_14 : i32 to vector<16xi32>
    %add3A_16 = arith.addi %iota3A, %add3A_15 : vector<16xi32>
    %mul3A_17 = arith.constant 128 : i32
    %mul3A_18 = vector.broadcast %mul3A_17 : i32 to vector<16xi32>
    %mul3A_19 = arith.muli %add3A_16, %mul3A_18 : vector<16xi32>
    %add3A_20 = arith.constant 16 : i32
    %add3A_21 = vector.broadcast %add3A_20 : i32 to vector<16xi32>
    %add3A_22 = arith.addi %iota3A, %add3A_21 : vector<16xi32>
    %mul3A_23 = arith.constant 128 : i32
    %mul3A_24 = vector.broadcast %mul3A_23 : i32 to vector<16xi32>
    %mul3A_25 = arith.muli %add3A_22, %mul3A_24 : vector<16xi32>
    %add3A_26 = arith.constant 32 : i32
    %add3A_27 = vector.broadcast %add3A_26 : i32 to vector<16xi32>
    %add3A_28 = arith.addi %iota3A, %add3A_27 : vector<16xi32>
    %mul3A_29 = arith.constant 128 : i32
    %mul3A_30 = vector.broadcast %mul3A_29 : i32 to vector<16xi32>
    %mul3A_31 = arith.muli %add3A_28, %mul3A_30 : vector<16xi32>
    %add3A_32 = arith.constant 48 : i32
    %add3A_33 = vector.broadcast %add3A_32 : i32 to vector<16xi32>
    %add3A_34 = arith.addi %iota3A, %add3A_33 : vector<16xi32>
    %mul3A_35 = arith.constant 128 : i32
    %mul3A_36 = vector.broadcast %mul3A_35 : i32 to vector<16xi32>
    %mul3A_37 = arith.muli %add3A_34, %mul3A_36 : vector<16xi32>
    %add3A_38 = arith.constant 64 : i32
    %add3A_39 = vector.broadcast %add3A_38 : i32 to vector<16xi32>
    %add3A_40 = arith.addi %iota3A, %add3A_39 : vector<16xi32>
    %mul3A_41 = arith.constant 128 : i32
    %mul3A_42 = vector.broadcast %mul3A_41 : i32 to vector<16xi32>
    %mul3A_43 = arith.muli %add3A_40, %mul3A_42 : vector<16xi32>
    "tpu.region"() ({
      %run_scoped3A = tpu.sem_alloc : memref<!tpu.dma_semaphore, #tpu.memory_space<semaphore_mem>>
      %dma_start3A_161 = arith.constant 0 : i32
      %dma_start3A_162 = arith.constant 0 : i32
      %dma_start3A_163 = arith.constant 0 : i32
      %dma_start3A_164 = tpu.memref_slice %arg2[%dma_start3A_161, %add3A, %dma_start3A_162, %dma_start3A_163] : memref<25x32x8x128xi32, #tpu.memory_space<hbm>> -> memref<25x1x8x128xi32, #tpu.memory_space<hbm>>
      %dma_start3A_165 = arith.constant 0 : i32
      %dma_start3A_166 = arith.constant 0 : i32
      %dma_start3A_167 = arith.constant 0 : i32
      %dma_start3A_168 = tpu.memref_slice %arg2[%dma_start3A_165, %add3A, %dma_start3A_166, %dma_start3A_167] : memref<25x32x8x128xi32, #tpu.memory_space<hbm>> -> memref<25x1x8x128xi32, #tpu.memory_space<hbm>>
      tpu.enqueue_dma source(%dma_start3A_168 : memref<25x1x8x128xi32, #tpu.memory_space<hbm>>) target(%arg7 : memref<25x1x8x128xi32, #tpu.memory_space<vmem>>) target_semaphore(%run_scoped3A : memref<!tpu.dma_semaphore, #tpu.memory_space<semaphore_mem>>)
      %dma_wait3A_169 = arith.constant 0 : i32
      %dma_wait3A_170 = arith.constant 0 : i32
      %dma_wait3A_171 = arith.constant 0 : i32
      %dma_wait3A_172 = tpu.memref_slice %arg2[%dma_wait3A_169, %add3A, %dma_wait3A_170, %dma_wait3A_171] : memref<25x32x8x128xi32, #tpu.memory_space<hbm>> -> memref<25x1x8x128xi32, #tpu.memory_space<hbm>>
      %dma_wait3A_173 = arith.constant 0 : i32
      %dma_wait3A_174 = arith.constant 0 : i32
      %dma_wait3A_175 = arith.constant 0 : i32
      %dma_wait3A_176 = tpu.memref_slice %arg2[%dma_wait3A_173, %add3A, %dma_wait3A_174, %dma_wait3A_175] : memref<25x32x8x128xi32, #tpu.memory_space<hbm>> -> memref<25x1x8x128xi32, #tpu.memory_space<hbm>>
      tpu.wait_dma2 semaphore(%run_scoped3A : memref<!tpu.dma_semaphore, #tpu.memory_space<semaphore_mem>>) src(%dma_wait3A_176 : memref<25x1x8x128xi32, #tpu.memory_space<hbm>>) dst(%arg7 : memref<25x1x8x128xi32, #tpu.memory_space<vmem>>)
      tpu.yield
    }) : () -> ()
    "tpu.region"() ({
      %run_scoped3A = tpu.sem_alloc : memref<!tpu.dma_semaphore, #tpu.memory_space<semaphore_mem>>
      %dma_start3A_161 = arith.constant 0 : i32
      %dma_start3A_162 = arith.constant 0 : i32
      %dma_start3A_163 = arith.constant 0 : i32
      %dma_start3A_164 = tpu.memref_slice %arg3[%dma_start3A_161, %add3A, %dma_start3A_162, %dma_start3A_163] : memref<25x32x8x128xi32, #tpu.memory_space<hbm>> -> memref<25x1x8x128xi32, #tpu.memory_space<hbm>>
      %dma_start3A_165 = arith.constant 0 : i32
      %dma_start3A_166 = arith.constant 0 : i32
      %dma_start3A_167 = arith.constant 0 : i32
      %dma_start3A_168 = tpu.memref_slice %arg3[%dma_start3A_165, %add3A, %dma_start3A_166, %dma_start3A_167] : memref<25x32x8x128xi32, #tpu.memory_space<hbm>> -> memref<25x1x8x128xi32, #tpu.memory_space<hbm>>
      tpu.enqueue_dma source(%dma_start3A_168 : memref<25x1x8x128xi32, #tpu.memory_space<hbm>>) target(%arg8 : memref<25x1x8x128xi32, #tpu.memory_space<vmem>>) target_semaphore(%run_scoped3A : memref<!tpu.dma_semaphore, #tpu.memory_space<semaphore_mem>>)
      %dma_wait3A_169 = arith.constant 0 : i32
      %dma_wait3A_170 = arith.constant 0 : i32
      %dma_wait3A_171 = arith.constant 0 : i32
      %dma_wait3A_172 = tpu.memref_slice %arg3[%dma_wait3A_169, %add3A, %dma_wait3A_170, %dma_wait3A_171] : memref<25x32x8x128xi32, #tpu.memory_space<hbm>> -> memref<25x1x8x128xi32, #tpu.memory_space<hbm>>
      %dma_wait3A_173 = arith.constant 0 : i32
      %dma_wait3A_174 = arith.constant 0 : i32
      %dma_wait3A_175 = arith.constant 0 : i32
      %dma_wait3A_176 = tpu.memref_slice %arg3[%dma_wait3A_173, %add3A, %dma_wait3A_174, %dma_wait3A_175] : memref<25x32x8x128xi32, #tpu.memory_space<hbm>> -> memref<25x1x8x128xi32, #tpu.memory_space<hbm>>
      tpu.wait_dma2 semaphore(%run_scoped3A : memref<!tpu.dma_semaphore, #tpu.memory_space<semaphore_mem>>) src(%dma_wait3A_176 : memref<25x1x8x128xi32, #tpu.memory_space<hbm>>) dst(%arg8 : memref<25x1x8x128xi32, #tpu.memory_space<vmem>>)
      tpu.yield
    }) : () -> ()
    %shift_right_logical3A = arith.constant 0 : i32
    %shift_right_logical3A_44 = arith.constant 3 : i32
    %shift_right_logical3A_45 = arith.shrui %shift_right_logical3A, %shift_right_logical3A_44 : i32
    %and3A = arith.constant 0 : i32
    %and3A_46 = arith.constant 7 : i32
    %and3A_47 = arith.andi %and3A, %and3A_46 : i32
    %dma_start3A = arith.constant 0 : i32
    %dma_start3A_48 = arith.constant 0 : i32
    %dma_start3A_49 = tpu.memref_slice %arg7[%shift_right_logical3A_45, %dma_start3A, %and3A_47, %dma_start3A_48] : memref<25x1x8x128xi32, #tpu.memory_space<vmem>> -> memref<1x1x1x128xi32, #tpu.memory_space<vmem>>
    %dma_start3A_50 = tpu.memref_squeeze %dma_start3A_49 : memref<1x1x1x128xi32, #tpu.memory_space<vmem>> -> memref<128xi32, #tpu.memory_space<vmem>>
    %dma_start3A_51 = arith.constant 0 : i32
    %dma_start3A_52 = arith.constant 0 : i32
    %dma_start3A_53 = tpu.memref_slice %arg4[%dma_start3A_51, %dma_start3A_52] : memref<100000x64xf32, #tpu.memory_space<hbm>> -> memref<100000x64xf32, #tpu.memory_space<hbm>>
    tpu.enqueue_indirect_dma source(%dma_start3A_53 : memref<100000x64xf32, #tpu.memory_space<hbm>>) target(%arg9 : memref<128x64xf32, #tpu.memory_space<vmem>>) offsets(%dma_start3A_50 : memref<128xi32, #tpu.memory_space<vmem>>) semaphore(%arg19 : memref<!tpu.dma_semaphore, #tpu.memory_space<semaphore_mem>>)
    %shift_right_logical3A_54 = arith.constant 0 : i32
    %shift_right_logical3A_55 = arith.constant 3 : i32
    %shift_right_logical3A_56 = arith.shrui %shift_right_logical3A_54, %shift_right_logical3A_55 : i32
    %and3A_57 = arith.constant 0 : i32
    %and3A_58 = arith.constant 7 : i32
    %and3A_59 = arith.andi %and3A_57, %and3A_58 : i32
    %dma_start3A_60 = arith.constant 0 : i32
    %dma_start3A_61 = arith.constant 0 : i32
    %dma_start3A_62 = tpu.memref_slice %arg8[%shift_right_logical3A_56, %dma_start3A_60, %and3A_59, %dma_start3A_61] : memref<25x1x8x128xi32, #tpu.memory_space<vmem>> -> memref<1x1x1x128xi32, #tpu.memory_space<vmem>>
    %dma_start3A_63 = tpu.memref_squeeze %dma_start3A_62 : memref<1x1x1x128xi32, #tpu.memory_space<vmem>> -> memref<128xi32, #tpu.memory_space<vmem>>
    %dma_start3A_64 = arith.constant 0 : i32
    %dma_start3A_65 = arith.constant 0 : i32
    %dma_start3A_66 = tpu.memref_slice %arg5[%dma_start3A_64, %dma_start3A_65] : memref<1000x16xf32, #tpu.memory_space<hbm>> -> memref<1000x16xf32, #tpu.memory_space<hbm>>
    tpu.enqueue_indirect_dma source(%dma_start3A_66 : memref<1000x16xf32, #tpu.memory_space<hbm>>) target(%arg10 : memref<128x16xf32, #tpu.memory_space<vmem>>) offsets(%dma_start3A_63 : memref<128xi32, #tpu.memory_space<vmem>>) semaphore(%arg19 : memref<!tpu.dma_semaphore, #tpu.memory_space<semaphore_mem>>)
    %shift_right_logical3A_67 = arith.constant 1 : i32
    %shift_right_logical3A_68 = arith.constant 3 : i32
    %shift_right_logical3A_69 = arith.shrui %shift_right_logical3A_67, %shift_right_logical3A_68 : i32
    %and3A_70 = arith.constant 1 : i32
    %and3A_71 = arith.constant 7 : i32
    %and3A_72 = arith.andi %and3A_70, %and3A_71 : i32
    %dma_start3A_73 = arith.constant 0 : i32
    %dma_start3A_74 = arith.constant 0 : i32
    %dma_start3A_75 = tpu.memref_slice %arg7[%shift_right_logical3A_69, %dma_start3A_73, %and3A_72, %dma_start3A_74] : memref<25x1x8x128xi32, #tpu.memory_space<vmem>> -> memref<1x1x1x128xi32, #tpu.memory_space<vmem>>
    %dma_start3A_76 = tpu.memref_squeeze %dma_start3A_75 : memref<1x1x1x128xi32, #tpu.memory_space<vmem>> -> memref<128xi32, #tpu.memory_space<vmem>>
    %dma_start3A_77 = arith.constant 0 : i32
    %dma_start3A_78 = arith.constant 0 : i32
    %dma_start3A_79 = tpu.memref_slice %arg4[%dma_start3A_77, %dma_start3A_78] : memref<100000x64xf32, #tpu.memory_space<hbm>> -> memref<100000x64xf32, #tpu.memory_space<hbm>>
    tpu.enqueue_indirect_dma source(%dma_start3A_79 : memref<100000x64xf32, #tpu.memory_space<hbm>>) target(%arg11 : memref<128x64xf32, #tpu.memory_space<vmem>>) offsets(%dma_start3A_76 : memref<128xi32, #tpu.memory_space<vmem>>) semaphore(%arg20 : memref<!tpu.dma_semaphore, #tpu.memory_space<semaphore_mem>>)
    %shift_right_logical3A_80 = arith.constant 1 : i32
    %shift_right_logical3A_81 = arith.constant 3 : i32
    %shift_right_logical3A_82 = arith.shrui %shift_right_logical3A_80, %shift_right_logical3A_81 : i32
    %and3A_83 = arith.constant 1 : i32
    %and3A_84 = arith.constant 7 : i32
    %and3A_85 = arith.andi %and3A_83, %and3A_84 : i32
    %dma_start3A_86 = arith.constant 0 : i32
    %dma_start3A_87 = arith.constant 0 : i32
    %dma_start3A_88 = tpu.memref_slice %arg8[%shift_right_logical3A_82, %dma_start3A_86, %and3A_85, %dma_start3A_87] : memref<25x1x8x128xi32, #tpu.memory_space<vmem>> -> memref<1x1x1x128xi32, #tpu.memory_space<vmem>>
    %dma_start3A_89 = tpu.memref_squeeze %dma_start3A_88 : memref<1x1x1x128xi32, #tpu.memory_space<vmem>> -> memref<128xi32, #tpu.memory_space<vmem>>
    %dma_start3A_90 = arith.constant 0 : i32
    %dma_start3A_91 = arith.constant 0 : i32
    %dma_start3A_92 = tpu.memref_slice %arg5[%dma_start3A_90, %dma_start3A_91] : memref<1000x16xf32, #tpu.memory_space<hbm>> -> memref<1000x16xf32, #tpu.memory_space<hbm>>
    tpu.enqueue_indirect_dma source(%dma_start3A_92 : memref<1000x16xf32, #tpu.memory_space<hbm>>) target(%arg12 : memref<128x16xf32, #tpu.memory_space<vmem>>) offsets(%dma_start3A_89 : memref<128xi32, #tpu.memory_space<vmem>>) semaphore(%arg20 : memref<!tpu.dma_semaphore, #tpu.memory_space<semaphore_mem>>)
    %shift_right_logical3A_93 = arith.constant 2 : i32
    %shift_right_logical3A_94 = arith.constant 3 : i32
    %shift_right_logical3A_95 = arith.shrui %shift_right_logical3A_93, %shift_right_logical3A_94 : i32
    %and3A_96 = arith.constant 2 : i32
    %and3A_97 = arith.constant 7 : i32
    %and3A_98 = arith.andi %and3A_96, %and3A_97 : i32
    %dma_start3A_99 = arith.constant 0 : i32
    %dma_start3A_100 = arith.constant 0 : i32
    %dma_start3A_101 = tpu.memref_slice %arg7[%shift_right_logical3A_95, %dma_start3A_99, %and3A_98, %dma_start3A_100] : memref<25x1x8x128xi32, #tpu.memory_space<vmem>> -> memref<1x1x1x128xi32, #tpu.memory_space<vmem>>
    %dma_start3A_102 = tpu.memref_squeeze %dma_start3A_101 : memref<1x1x1x128xi32, #tpu.memory_space<vmem>> -> memref<128xi32, #tpu.memory_space<vmem>>
    %dma_start3A_103 = arith.constant 0 : i32
    %dma_start3A_104 = arith.constant 0 : i32
    %dma_start3A_105 = tpu.memref_slice %arg4[%dma_start3A_103, %dma_start3A_104] : memref<100000x64xf32, #tpu.memory_space<hbm>> -> memref<100000x64xf32, #tpu.memory_space<hbm>>
    tpu.enqueue_indirect_dma source(%dma_start3A_105 : memref<100000x64xf32, #tpu.memory_space<hbm>>) target(%arg13 : memref<128x64xf32, #tpu.memory_space<vmem>>) offsets(%dma_start3A_102 : memref<128xi32, #tpu.memory_space<vmem>>) semaphore(%arg21 : memref<!tpu.dma_semaphore, #tpu.memory_space<semaphore_mem>>)
    %shift_right_logical3A_106 = arith.constant 2 : i32
    %shift_right_logical3A_107 = arith.constant 3 : i32
    %shift_right_logical3A_108 = arith.shrui %shift_right_logical3A_106, %shift_right_logical3A_107 : i32
    %and3A_109 = arith.constant 2 : i32
    %and3A_110 = arith.constant 7 : i32
    %and3A_111 = arith.andi %and3A_109, %and3A_110 : i32
    %dma_start3A_112 = arith.constant 0 : i32
    %dma_start3A_113 = arith.constant 0 : i32
    %dma_start3A_114 = tpu.memref_slice %arg8[%shift_right_logical3A_108, %dma_start3A_112, %and3A_111, %dma_start3A_113] : memref<25x1x8x128xi32, #tpu.memory_space<vmem>> -> memref<1x1x1x128xi32, #tpu.memory_space<vmem>>
    %dma_start3A_115 = tpu.memref_squeeze %dma_start3A_114 : memref<1x1x1x128xi32, #tpu.memory_space<vmem>> -> memref<128xi32, #tpu.memory_space<vmem>>
    %dma_start3A_116 = arith.constant 0 : i32
    %dma_start3A_117 = arith.constant 0 : i32
    %dma_start3A_118 = tpu.memref_slice %arg5[%dma_start3A_116, %dma_start3A_117] : memref<1000x16xf32, #tpu.memory_space<hbm>> -> memref<1000x16xf32, #tpu.memory_space<hbm>>
    tpu.enqueue_indirect_dma source(%dma_start3A_118 : memref<1000x16xf32, #tpu.memory_space<hbm>>) target(%arg14 : memref<128x16xf32, #tpu.memory_space<vmem>>) offsets(%dma_start3A_115 : memref<128xi32, #tpu.memory_space<vmem>>) semaphore(%arg21 : memref<!tpu.dma_semaphore, #tpu.memory_space<semaphore_mem>>)
    %shift_right_logical3A_119 = arith.constant 3 : i32
    %shift_right_logical3A_120 = arith.constant 3 : i32
    %shift_right_logical3A_121 = arith.shrui %shift_right_logical3A_119, %shift_right_logical3A_120 : i32
    %and3A_122 = arith.constant 3 : i32
    %and3A_123 = arith.constant 7 : i32
    %and3A_124 = arith.andi %and3A_122, %and3A_123 : i32
    %dma_start3A_125 = arith.constant 0 : i32
    %dma_start3A_126 = arith.constant 0 : i32
    %dma_start3A_127 = tpu.memref_slice %arg7[%shift_right_logical3A_121, %dma_start3A_125, %and3A_124, %dma_start3A_126] : memref<25x1x8x128xi32, #tpu.memory_space<vmem>> -> memref<1x1x1x128xi32, #tpu.memory_space<vmem>>
    %dma_start3A_128 = tpu.memref_squeeze %dma_start3A_127 : memref<1x1x1x128xi32, #tpu.memory_space<vmem>> -> memref<128xi32, #tpu.memory_space<vmem>>
    %dma_start3A_129 = arith.constant 0 : i32
    %dma_start3A_130 = arith.constant 0 : i32
    %dma_start3A_131 = tpu.memref_slice %arg4[%dma_start3A_129, %dma_start3A_130] : memref<100000x64xf32, #tpu.memory_space<hbm>> -> memref<100000x64xf32, #tpu.memory_space<hbm>>
    tpu.enqueue_indirect_dma source(%dma_start3A_131 : memref<100000x64xf32, #tpu.memory_space<hbm>>) target(%arg15 : memref<128x64xf32, #tpu.memory_space<vmem>>) offsets(%dma_start3A_128 : memref<128xi32, #tpu.memory_space<vmem>>) semaphore(%arg22 : memref<!tpu.dma_semaphore, #tpu.memory_space<semaphore_mem>>)
    %shift_right_logical3A_132 = arith.constant 3 : i32
    %shift_right_logical3A_133 = arith.constant 3 : i32
    %shift_right_logical3A_134 = arith.shrui %shift_right_logical3A_132, %shift_right_logical3A_133 : i32
    %and3A_135 = arith.constant 3 : i32
    %and3A_136 = arith.constant 7 : i32
    %and3A_137 = arith.andi %and3A_135, %and3A_136 : i32
    %dma_start3A_138 = arith.constant 0 : i32
    %dma_start3A_139 = arith.constant 0 : i32
    %dma_start3A_140 = tpu.memref_slice %arg8[%shift_right_logical3A_134, %dma_start3A_138, %and3A_137, %dma_start3A_139] : memref<25x1x8x128xi32, #tpu.memory_space<vmem>> -> memref<1x1x1x128xi32, #tpu.memory_space<vmem>>
    %dma_start3A_141 = tpu.memref_squeeze %dma_start3A_140 : memref<1x1x1x128xi32, #tpu.memory_space<vmem>> -> memref<128xi32, #tpu.memory_space<vmem>>
    %dma_start3A_142 = arith.constant 0 : i32
    %dma_start3A_143 = arith.constant 0 : i32
    %dma_start3A_144 = tpu.memref_slice %arg5[%dma_start3A_142, %dma_start3A_143] : memref<1000x16xf32, #tpu.memory_space<hbm>> -> memref<1000x16xf32, #tpu.memory_space<hbm>>
    tpu.enqueue_indirect_dma source(%dma_start3A_144 : memref<1000x16xf32, #tpu.memory_space<hbm>>) target(%arg16 : memref<128x16xf32, #tpu.memory_space<vmem>>) offsets(%dma_start3A_141 : memref<128xi32, #tpu.memory_space<vmem>>) semaphore(%arg22 : memref<!tpu.dma_semaphore, #tpu.memory_space<semaphore_mem>>)
    %scan3A = arith.constant 0 : i32
    %scan3A_145 = arith.constant 0 : i32
    %scan3A_146 = arith.constant 50 : i32
    %scan3A_147 = arith.addi %scan3A_145, %scan3A_146 : i32
    %scan3A_148 = arith.constant 1 : i32
    scf.for %scan3A_161 = %scan3A_145 to %scan3A_147 step %scan3A_148  : i32 {
      %mul3A_162 = arith.constant 4 : i32
      %mul3A_163 = arith.muli %mul3A_162, %scan3A_161 : i32
      %add3A_164 = arith.constant 0 : i32
      %add3A_165 = arith.addi %mul3A_163, %add3A_164 : i32
      %shift_right_logical3A_166 = arith.constant 3 : i32
      %shift_right_logical3A_167 = arith.shrui %add3A_165, %shift_right_logical3A_166 : i32
      %and3A_168 = arith.constant 7 : i32
      %and3A_169 = arith.andi %add3A_165, %and3A_168 : i32
      %dma_wait3A_170 = arith.constant 0 : i32
      %dma_wait3A_171 = arith.constant 0 : i32
      %dma_wait3A_172 = tpu.memref_slice %arg7[%shift_right_logical3A_167, %dma_wait3A_170, %and3A_169, %dma_wait3A_171] : memref<25x1x8x128xi32, #tpu.memory_space<vmem>> -> memref<1x1x1x128xi32, #tpu.memory_space<vmem>>
      %dma_wait3A_173 = tpu.memref_squeeze %dma_wait3A_172 : memref<1x1x1x128xi32, #tpu.memory_space<vmem>> -> memref<128xi32, #tpu.memory_space<vmem>>
      %dma_wait3A_174 = arith.constant 0 : i32
      %dma_wait3A_175 = arith.constant 0 : i32
      %dma_wait3A_176 = tpu.memref_slice %arg4[%dma_wait3A_174, %dma_wait3A_175] : memref<100000x64xf32, #tpu.memory_space<hbm>> -> memref<100000x64xf32, #tpu.memory_space<hbm>>
      tpu.wait_indirect_dma semaphore(%arg19 : memref<!tpu.dma_semaphore, #tpu.memory_space<semaphore_mem>>) src(%dma_wait3A_176 : memref<100000x64xf32, #tpu.memory_space<hbm>>) dst(%arg9 : memref<128x64xf32, #tpu.memory_space<vmem>>)
      %shift_right_logical3A_177 = arith.constant 3 : i32
      %shift_right_logical3A_178 = arith.shrui %add3A_165, %shift_right_logical3A_177 : i32
      %and3A_179 = arith.constant 7 : i32
      %and3A_180 = arith.andi %add3A_165, %and3A_179 : i32
      %dma_wait3A_181 = arith.constant 0 : i32
      %dma_wait3A_182 = arith.constant 0 : i32
      %dma_wait3A_183 = tpu.memref_slice %arg8[%shift_right_logical3A_178, %dma_wait3A_181, %and3A_180, %dma_wait3A_182] : memref<25x1x8x128xi32, #tpu.memory_space<vmem>> -> memref<1x1x1x128xi32, #tpu.memory_space<vmem>>
      %dma_wait3A_184 = tpu.memref_squeeze %dma_wait3A_183 : memref<1x1x1x128xi32, #tpu.memory_space<vmem>> -> memref<128xi32, #tpu.memory_space<vmem>>
      %dma_wait3A_185 = arith.constant 0 : i32
      %dma_wait3A_186 = arith.constant 0 : i32
      %dma_wait3A_187 = tpu.memref_slice %arg5[%dma_wait3A_185, %dma_wait3A_186] : memref<1000x16xf32, #tpu.memory_space<hbm>> -> memref<1000x16xf32, #tpu.memory_space<hbm>>
      tpu.wait_indirect_dma semaphore(%arg19 : memref<!tpu.dma_semaphore, #tpu.memory_space<semaphore_mem>>) src(%dma_wait3A_187 : memref<1000x16xf32, #tpu.memory_space<hbm>>) dst(%arg10 : memref<128x16xf32, #tpu.memory_space<vmem>>)
      %gt3A = arith.constant 0 : i32
      %gt3A_188 = arith.cmpi sgt, %scan3A_161, %gt3A : i32
      %convert_element_type3A = arith.extui %gt3A_188 : i1 to i32
      %cond3A = arith.constant 0 : i32
      %cond3A_189 = arith.cmpi ne, %convert_element_type3A, %cond3A : i32
      scf.if %cond3A_189 {
        %mul3A_333 = arith.constant 10 : i32
        %mul3A_334 = arith.muli %add3A_165, %mul3A_333 : i32
        %dma_wait3A_335 = arith.constant 0 : i32
        %dma_wait3A_336 = tpu.memref_slice %arg6[%mul3A_334, %add3A, %dma_wait3A_335] : memref<2000x32x1024xf32, #tpu.memory_space<hbm>> -> memref<10x1x1024xf32, #tpu.memory_space<hbm>>
        %dma_wait3A_337 = arith.constant 0 : i32
        %dma_wait3A_338 = tpu.memref_slice %arg6[%mul3A_334, %add3A, %dma_wait3A_337] : memref<2000x32x1024xf32, #tpu.memory_space<hbm>> -> memref<10x1x1024xf32, #tpu.memory_space<hbm>>
        tpu.wait_dma2 semaphore(%arg23 : memref<!tpu.dma_semaphore, #tpu.memory_space<semaphore_mem>>) src(%arg17 : memref<10x1x1024xf32, #tpu.memory_space<vmem>>) dst(%dma_wait3A_338 : memref<10x1x1024xf32, #tpu.memory_space<hbm>>)
      } else {
      }
      %parallel_loop3A = arith.constant 0 : i32
      %parallel_loop3A_190 = arith.constant 128 : i32
      %parallel_loop3A_191 = arith.constant 1 : i32
      scf.for %parallel_loop3A_333 = %parallel_loop3A to %parallel_loop3A_190 step %parallel_loop3A_191  : i32 {
        %parallel_loop3A_334 = vector.broadcast %parallel_loop3A_333 : i32 to vector<16xi32>
        %parallel_loop3A_335 = arith.addi %iota3A, %parallel_loop3A_334 : vector<16xi32>
        %parallel_loop3A_336 = arith.constant 127 : i32
        %parallel_loop3A_337 = vector.broadcast %parallel_loop3A_336 : i32 to vector<16xi32>
        %parallel_loop3A_338 = arith.andi %parallel_loop3A_335, %parallel_loop3A_337 : vector<16xi32>
        %parallel_loop3A_339 = tpu.vector_load_idx %arg9[%parallel_loop3A_338, %add3A_4] : memref<128x64xf32, #tpu.memory_space<vmem>>[vector<16xi32>, vector<16xi32>], vector<16xf32>,
        %parallel_loop3A_340 = arith.addi %mul3A_19, %parallel_loop3A_338 : vector<16xi32>
        %parallel_loop3A_341 = arith.constant 10 : i32
        %parallel_loop3A_342 = vector.broadcast %parallel_loop3A_341 : i32 to vector<16xi32>
        %parallel_loop3A_343 = arith.shrui %parallel_loop3A_340, %parallel_loop3A_342 : vector<16xi32>
        %parallel_loop3A_344 = arith.constant 1023 : i32
        %parallel_loop3A_345 = vector.broadcast %parallel_loop3A_344 : i32 to vector<16xi32>
        %parallel_loop3A_346 = arith.andi %parallel_loop3A_340, %parallel_loop3A_345 : vector<16xi32>
        tpu.vector_store_idx %arg17[%parallel_loop3A_343, %broadcast_in_dim3A_1, %parallel_loop3A_346], %parallel_loop3A_339 : memref<10x1x1024xf32, #tpu.memory_space<vmem>>[vector<16xi32>, vector<16xi32>, vector<16xi32>], vector<16xf32>,
        %parallel_loop3A_347 = tpu.vector_load_idx %arg9[%parallel_loop3A_338, %add3A_7] : memref<128x64xf32, #tpu.memory_space<vmem>>[vector<16xi32>, vector<16xi32>], vector<16xf32>,
        %parallel_loop3A_348 = arith.addi %mul3A_25, %parallel_loop3A_338 : vector<16xi32>
        %parallel_loop3A_349 = arith.constant 10 : i32
        %parallel_loop3A_350 = vector.broadcast %parallel_loop3A_349 : i32 to vector<16xi32>
        %parallel_loop3A_351 = arith.shrui %parallel_loop3A_348, %parallel_loop3A_350 : vector<16xi32>
        %parallel_loop3A_352 = arith.constant 1023 : i32
        %parallel_loop3A_353 = vector.broadcast %parallel_loop3A_352 : i32 to vector<16xi32>
        %parallel_loop3A_354 = arith.andi %parallel_loop3A_348, %parallel_loop3A_353 : vector<16xi32>
        tpu.vector_store_idx %arg17[%parallel_loop3A_351, %broadcast_in_dim3A_1, %parallel_loop3A_354], %parallel_loop3A_347 : memref<10x1x1024xf32, #tpu.memory_space<vmem>>[vector<16xi32>, vector<16xi32>, vector<16xi32>], vector<16xf32>,
        %parallel_loop3A_355 = tpu.vector_load_idx %arg9[%parallel_loop3A_338, %add3A_10] : memref<128x64xf32, #tpu.memory_space<vmem>>[vector<16xi32>, vector<16xi32>], vector<16xf32>,
        %parallel_loop3A_356 = arith.addi %mul3A_31, %parallel_loop3A_338 : vector<16xi32>
        %parallel_loop3A_357 = arith.constant 10 : i32
        %parallel_loop3A_358 = vector.broadcast %parallel_loop3A_357 : i32 to vector<16xi32>
        %parallel_loop3A_359 = arith.shrui %parallel_loop3A_356, %parallel_loop3A_358 : vector<16xi32>
        %parallel_loop3A_360 = arith.constant 1023 : i32
        %parallel_loop3A_361 = vector.broadcast %parallel_loop3A_360 : i32 to vector<16xi32>
        %parallel_loop3A_362 = arith.andi %parallel_loop3A_356, %parallel_loop3A_361 : vector<16xi32>
        tpu.vector_store_idx %arg17[%parallel_loop3A_359, %broadcast_in_dim3A_1, %parallel_loop3A_362], %parallel_loop3A_355 : memref<10x1x1024xf32, #tpu.memory_space<vmem>>[vector<16xi32>, vector<16xi32>, vector<16xi32>], vector<16xf32>,
        %parallel_loop3A_363 = tpu.vector_load_idx %arg9[%parallel_loop3A_338, %add3A_13] : memref<128x64xf32, #tpu.memory_space<vmem>>[vector<16xi32>, vector<16xi32>], vector<16xf32>,
        %parallel_loop3A_364 = arith.addi %mul3A_37, %parallel_loop3A_338 : vector<16xi32>
        %parallel_loop3A_365 = arith.constant 10 : i32
        %parallel_loop3A_366 = vector.broadcast %parallel_loop3A_365 : i32 to vector<16xi32>
        %parallel_loop3A_367 = arith.shrui %parallel_loop3A_364, %parallel_loop3A_366 : vector<16xi32>
        %parallel_loop3A_368 = arith.constant 1023 : i32
        %parallel_loop3A_369 = vector.broadcast %parallel_loop3A_368 : i32 to vector<16xi32>
        %parallel_loop3A_370 = arith.andi %parallel_loop3A_364, %parallel_loop3A_369 : vector<16xi32>
        tpu.vector_store_idx %arg17[%parallel_loop3A_367, %broadcast_in_dim3A_1, %parallel_loop3A_370], %parallel_loop3A_363 : memref<10x1x1024xf32, #tpu.memory_space<vmem>>[vector<16xi32>, vector<16xi32>, vector<16xi32>], vector<16xf32>,
        %parallel_loop3A_371 = tpu.vector_load_idx %arg10[%parallel_loop3A_338, %iota3A] : memref<128x16xf32, #tpu.memory_space<vmem>>[vector<16xi32>, vector<16xi32>], vector<16xf32>,
        %parallel_loop3A_372 = arith.addi %mul3A_43, %parallel_loop3A_338 : vector<16xi32>
        %parallel_loop3A_373 = arith.constant 10 : i32
        %parallel_loop3A_374 = vector.broadcast %parallel_loop3A_373 : i32 to vector<16xi32>
        %parallel_loop3A_375 = arith.shrui %parallel_loop3A_372, %parallel_loop3A_374 : vector<16xi32>
        %parallel_loop3A_376 = arith.constant 1023 : i32
        %parallel_loop3A_377 = vector.broadcast %parallel_loop3A_376 : i32 to vector<16xi32>
        %parallel_loop3A_378 = arith.andi %parallel_loop3A_372, %parallel_loop3A_377 : vector<16xi32>
        tpu.vector_store_idx %arg17[%parallel_loop3A_375, %broadcast_in_dim3A_1, %parallel_loop3A_378], %parallel_loop3A_371 : memref<10x1x1024xf32, #tpu.memory_space<vmem>>[vector<16xi32>, vector<16xi32>, vector<16xi32>], vector<16xf32>,
      } {sc.loop_unroll_factor = 8 : i64, sc.parallel_access}
      %mul3A_192 = arith.constant 10 : i32
      %mul3A_193 = arith.muli %add3A_165, %mul3A_192 : i32
      %dma_start3A_194 = arith.constant 0 : i32
      %dma_start3A_195 = tpu.memref_slice %arg6[%mul3A_193, %add3A, %dma_start3A_194] : memref<2000x32x1024xf32, #tpu.memory_space<hbm>> -> memref<10x1x1024xf32, #tpu.memory_space<hbm>>
      %dma_start3A_196 = arith.constant 0 : i32
      %dma_start3A_197 = tpu.memref_slice %arg6[%mul3A_193, %add3A, %dma_start3A_196] : memref<2000x32x1024xf32, #tpu.memory_space<hbm>> -> memref<10x1x1024xf32, #tpu.memory_space<hbm>>
      tpu.enqueue_dma source(%arg17 : memref<10x1x1024xf32, #tpu.memory_space<vmem>>) target(%dma_start3A_197 : memref<10x1x1024xf32, #tpu.memory_space<hbm>>) target_semaphore(%arg23 : memref<!tpu.dma_semaphore, #tpu.memory_space<semaphore_mem>>)
      %lt3A = arith.constant 49 : i32
      %lt3A_198 = arith.cmpi slt, %scan3A_161, %lt3A : i32
      %convert_element_type3A_199 = arith.extui %lt3A_198 : i1 to i32
      %cond3A_200 = arith.constant 0 : i32
      %cond3A_201 = arith.cmpi ne, %convert_element_type3A_199, %cond3A_200 : i32
      scf.if %cond3A_201 {
        %add3A_333 = arith.constant 4 : i32
        %add3A_334 = arith.addi %add3A_165, %add3A_333 : i32
        %shift_right_logical3A_335 = arith.constant 3 : i32
        %shift_right_logical3A_336 = arith.shrui %add3A_334, %shift_right_logical3A_335 : i32
        %and3A_337 = arith.constant 7 : i32
        %and3A_338 = arith.andi %add3A_334, %and3A_337 : i32
        %dma_start3A_339 = arith.constant 0 : i32
        %dma_start3A_340 = arith.constant 0 : i32
        %dma_start3A_341 = tpu.memref_slice %arg7[%shift_right_logical3A_336, %dma_start3A_339, %and3A_338, %dma_start3A_340] : memref<25x1x8x128xi32, #tpu.memory_space<vmem>> -> memref<1x1x1x128xi32, #tpu.memory_space<vmem>>
        %dma_start3A_342 = tpu.memref_squeeze %dma_start3A_341 : memref<1x1x1x128xi32, #tpu.memory_space<vmem>> -> memref<128xi32, #tpu.memory_space<vmem>>
        %dma_start3A_343 = arith.constant 0 : i32
        %dma_start3A_344 = arith.constant 0 : i32
        %dma_start3A_345 = tpu.memref_slice %arg4[%dma_start3A_343, %dma_start3A_344] : memref<100000x64xf32, #tpu.memory_space<hbm>> -> memref<100000x64xf32, #tpu.memory_space<hbm>>
        tpu.enqueue_indirect_dma source(%dma_start3A_345 : memref<100000x64xf32, #tpu.memory_space<hbm>>) target(%arg9 : memref<128x64xf32, #tpu.memory_space<vmem>>) offsets(%dma_start3A_342 : memref<128xi32, #tpu.memory_space<vmem>>) semaphore(%arg19 : memref<!tpu.dma_semaphore, #tpu.memory_space<semaphore_mem>>)
        %shift_right_logical3A_346 = arith.constant 3 : i32
        %shift_right_logical3A_347 = arith.shrui %add3A_334, %shift_right_logical3A_346 : i32
        %and3A_348 = arith.constant 7 : i32
        %and3A_349 = arith.andi %add3A_334, %and3A_348 : i32
        %dma_start3A_350 = arith.constant 0 : i32
        %dma_start3A_351 = arith.constant 0 : i32
        %dma_start3A_352 = tpu.memref_slice %arg8[%shift_right_logical3A_347, %dma_start3A_350, %and3A_349, %dma_start3A_351] : memref<25x1x8x128xi32, #tpu.memory_space<vmem>> -> memref<1x1x1x128xi32, #tpu.memory_space<vmem>>
        %dma_start3A_353 = tpu.memref_squeeze %dma_start3A_352 : memref<1x1x1x128xi32, #tpu.memory_space<vmem>> -> memref<128xi32, #tpu.memory_space<vmem>>
        %dma_start3A_354 = arith.constant 0 : i32
        %dma_start3A_355 = arith.constant 0 : i32
        %dma_start3A_356 = tpu.memref_slice %arg5[%dma_start3A_354, %dma_start3A_355] : memref<1000x16xf32, #tpu.memory_space<hbm>> -> memref<1000x16xf32, #tpu.memory_space<hbm>>
        tpu.enqueue_indirect_dma source(%dma_start3A_356 : memref<1000x16xf32, #tpu.memory_space<hbm>>) target(%arg10 : memref<128x16xf32, #tpu.memory_space<vmem>>) offsets(%dma_start3A_353 : memref<128xi32, #tpu.memory_space<vmem>>) semaphore(%arg19 : memref<!tpu.dma_semaphore, #tpu.memory_space<semaphore_mem>>)
      } else {
      }
      %add3A_202 = arith.constant 1 : i32
      %add3A_203 = arith.addi %mul3A_163, %add3A_202 : i32
      %shift_right_logical3A_204 = arith.constant 3 : i32
      %shift_right_logical3A_205 = arith.shrui %add3A_203, %shift_right_logical3A_204 : i32
      %and3A_206 = arith.constant 7 : i32
      %and3A_207 = arith.andi %add3A_203, %and3A_206 : i32
      %dma_wait3A_208 = arith.constant 0 : i32
      %dma_wait3A_209 = arith.constant 0 : i32
      %dma_wait3A_210 = tpu.memref_slice %arg7[%shift_right_logical3A_205, %dma_wait3A_208, %and3A_207, %dma_wait3A_209] : memref<25x1x8x128xi32, #tpu.memory_space<vmem>> -> memref<1x1x1x128xi32, #tpu.memory_space<vmem>>
      %dma_wait3A_211 = tpu.memref_squeeze %dma_wait3A_210 : memref<1x1x1x128xi32, #tpu.memory_space<vmem>> -> memref<128xi32, #tpu.memory_space<vmem>>
      %dma_wait3A_212 = arith.constant 0 : i32
      %dma_wait3A_213 = arith.constant 0 : i32
      %dma_wait3A_214 = tpu.memref_slice %arg4[%dma_wait3A_212, %dma_wait3A_213] : memref<100000x64xf32, #tpu.memory_space<hbm>> -> memref<100000x64xf32, #tpu.memory_space<hbm>>
      tpu.wait_indirect_dma semaphore(%arg20 : memref<!tpu.dma_semaphore, #tpu.memory_space<semaphore_mem>>) src(%dma_wait3A_214 : memref<100000x64xf32, #tpu.memory_space<hbm>>) dst(%arg11 : memref<128x64xf32, #tpu.memory_space<vmem>>)
      %shift_right_logical3A_215 = arith.constant 3 : i32
      %shift_right_logical3A_216 = arith.shrui %add3A_203, %shift_right_logical3A_215 : i32
      %and3A_217 = arith.constant 7 : i32
      %and3A_218 = arith.andi %add3A_203, %and3A_217 : i32
      %dma_wait3A_219 = arith.constant 0 : i32
      %dma_wait3A_220 = arith.constant 0 : i32
      %dma_wait3A_221 = tpu.memref_slice %arg8[%shift_right_logical3A_216, %dma_wait3A_219, %and3A_218, %dma_wait3A_220] : memref<25x1x8x128xi32, #tpu.memory_space<vmem>> -> memref<1x1x1x128xi32, #tpu.memory_space<vmem>>
      %dma_wait3A_222 = tpu.memref_squeeze %dma_wait3A_221 : memref<1x1x1x128xi32, #tpu.memory_space<vmem>> -> memref<128xi32, #tpu.memory_space<vmem>>
      %dma_wait3A_223 = arith.constant 0 : i32
      %dma_wait3A_224 = arith.constant 0 : i32
      %dma_wait3A_225 = tpu.memref_slice %arg5[%dma_wait3A_223, %dma_wait3A_224] : memref<1000x16xf32, #tpu.memory_space<hbm>> -> memref<1000x16xf32, #tpu.memory_space<hbm>>
      tpu.wait_indirect_dma semaphore(%arg20 : memref<!tpu.dma_semaphore, #tpu.memory_space<semaphore_mem>>) src(%dma_wait3A_225 : memref<1000x16xf32, #tpu.memory_space<hbm>>) dst(%arg12 : memref<128x16xf32, #tpu.memory_space<vmem>>)
      %gt3A_226 = arith.constant 0 : i32
      %gt3A_227 = arith.cmpi sgt, %scan3A_161, %gt3A_226 : i32
      %convert_element_type3A_228 = arith.extui %gt3A_227 : i1 to i32
      %cond3A_229 = arith.constant 0 : i32
      %cond3A_230 = arith.cmpi ne, %convert_element_type3A_228, %cond3A_229 : i32
      scf.if %cond3A_230 {
        %mul3A_333 = arith.constant 10 : i32
        %mul3A_334 = arith.muli %add3A_203, %mul3A_333 : i32
        %dma_wait3A_335 = arith.constant 0 : i32
        %dma_wait3A_336 = tpu.memref_slice %arg6[%mul3A_334, %add3A, %dma_wait3A_335] : memref<2000x32x1024xf32, #tpu.memory_space<hbm>> -> memref<10x1x1024xf32, #tpu.memory_space<hbm>>
        %dma_wait3A_337 = arith.constant 0 : i32
        %dma_wait3A_338 = tpu.memref_slice %arg6[%mul3A_334, %add3A, %dma_wait3A_337] : memref<2000x32x1024xf32, #tpu.memory_space<hbm>> -> memref<10x1x1024xf32, #tpu.memory_space<hbm>>
        tpu.wait_dma2 semaphore(%arg24 : memref<!tpu.dma_semaphore, #tpu.memory_space<semaphore_mem>>) src(%arg18 : memref<10x1x1024xf32, #tpu.memory_space<vmem>>) dst(%dma_wait3A_338 : memref<10x1x1024xf32, #tpu.memory_space<hbm>>)
      } else {
      }
      %parallel_loop3A_231 = arith.constant 0 : i32
      %parallel_loop3A_232 = arith.constant 128 : i32
      %parallel_loop3A_233 = arith.constant 1 : i32
      scf.for %parallel_loop3A_333 = %parallel_loop3A_231 to %parallel_loop3A_232 step %parallel_loop3A_233  : i32 {
        %parallel_loop3A_334 = vector.broadcast %parallel_loop3A_333 : i32 to vector<16xi32>
        %parallel_loop3A_335 = arith.addi %iota3A, %parallel_loop3A_334 : vector<16xi32>
        %parallel_loop3A_336 = arith.constant 127 : i32
        %parallel_loop3A_337 = vector.broadcast %parallel_loop3A_336 : i32 to vector<16xi32>
        %parallel_loop3A_338 = arith.andi %parallel_loop3A_335, %parallel_loop3A_337 : vector<16xi32>
        %parallel_loop3A_339 = tpu.vector_load_idx %arg11[%parallel_loop3A_338, %add3A_4] : memref<128x64xf32, #tpu.memory_space<vmem>>[vector<16xi32>, vector<16xi32>], vector<16xf32>,
        %parallel_loop3A_340 = arith.addi %mul3A_19, %parallel_loop3A_338 : vector<16xi32>
        %parallel_loop3A_341 = arith.constant 10 : i32
        %parallel_loop3A_342 = vector.broadcast %parallel_loop3A_341 : i32 to vector<16xi32>
        %parallel_loop3A_343 = arith.shrui %parallel_loop3A_340, %parallel_loop3A_342 : vector<16xi32>
        %parallel_loop3A_344 = arith.constant 1023 : i32
        %parallel_loop3A_345 = vector.broadcast %parallel_loop3A_344 : i32 to vector<16xi32>
        %parallel_loop3A_346 = arith.andi %parallel_loop3A_340, %parallel_loop3A_345 : vector<16xi32>
        tpu.vector_store_idx %arg18[%parallel_loop3A_343, %broadcast_in_dim3A_1, %parallel_loop3A_346], %parallel_loop3A_339 : memref<10x1x1024xf32, #tpu.memory_space<vmem>>[vector<16xi32>, vector<16xi32>, vector<16xi32>], vector<16xf32>,
        %parallel_loop3A_347 = tpu.vector_load_idx %arg11[%parallel_loop3A_338, %add3A_7] : memref<128x64xf32, #tpu.memory_space<vmem>>[vector<16xi32>, vector<16xi32>], vector<16xf32>,
        %parallel_loop3A_348 = arith.addi %mul3A_25, %parallel_loop3A_338 : vector<16xi32>
        %parallel_loop3A_349 = arith.constant 10 : i32
        %parallel_loop3A_350 = vector.broadcast %parallel_loop3A_349 : i32 to vector<16xi32>
        %parallel_loop3A_351 = arith.shrui %parallel_loop3A_348, %parallel_loop3A_350 : vector<16xi32>
        %parallel_loop3A_352 = arith.constant 1023 : i32
        %parallel_loop3A_353 = vector.broadcast %parallel_loop3A_352 : i32 to vector<16xi32>
        %parallel_loop3A_354 = arith.andi %parallel_loop3A_348, %parallel_loop3A_353 : vector<16xi32>
        tpu.vector_store_idx %arg18[%parallel_loop3A_351, %broadcast_in_dim3A_1, %parallel_loop3A_354], %parallel_loop3A_347 : memref<10x1x1024xf32, #tpu.memory_space<vmem>>[vector<16xi32>, vector<16xi32>, vector<16xi32>], vector<16xf32>,
        %parallel_loop3A_355 = tpu.vector_load_idx %arg11[%parallel_loop3A_338, %add3A_10] : memref<128x64xf32, #tpu.memory_space<vmem>>[vector<16xi32>, vector<16xi32>], vector<16xf32>,
        %parallel_loop3A_356 = arith.addi %mul3A_31, %parallel_loop3A_338 : vector<16xi32>
        %parallel_loop3A_357 = arith.constant 10 : i32
        %parallel_loop3A_358 = vector.broadcast %parallel_loop3A_357 : i32 to vector<16xi32>
        %parallel_loop3A_359 = arith.shrui %parallel_loop3A_356, %parallel_loop3A_358 : vector<16xi32>
        %parallel_loop3A_360 = arith.constant 1023 : i32
        %parallel_loop3A_361 = vector.broadcast %parallel_loop3A_360 : i32 to vector<16xi32>
        %parallel_loop3A_362 = arith.andi %parallel_loop3A_356, %parallel_loop3A_361 : vector<16xi32>
        tpu.vector_store_idx %arg18[%parallel_loop3A_359, %broadcast_in_dim3A_1, %parallel_loop3A_362], %parallel_loop3A_355 : memref<10x1x1024xf32, #tpu.memory_space<vmem>>[vector<16xi32>, vector<16xi32>, vector<16xi32>], vector<16xf32>,
        %parallel_loop3A_363 = tpu.vector_load_idx %arg11[%parallel_loop3A_338, %add3A_13] : memref<128x64xf32, #tpu.memory_space<vmem>>[vector<16xi32>, vector<16xi32>], vector<16xf32>,
        %parallel_loop3A_364 = arith.addi %mul3A_37, %parallel_loop3A_338 : vector<16xi32>
        %parallel_loop3A_365 = arith.constant 10 : i32
        %parallel_loop3A_366 = vector.broadcast %parallel_loop3A_365 : i32 to vector<16xi32>
        %parallel_loop3A_367 = arith.shrui %parallel_loop3A_364, %parallel_loop3A_366 : vector<16xi32>
        %parallel_loop3A_368 = arith.constant 1023 : i32
        %parallel_loop3A_369 = vector.broadcast %parallel_loop3A_368 : i32 to vector<16xi32>
        %parallel_loop3A_370 = arith.andi %parallel_loop3A_364, %parallel_loop3A_369 : vector<16xi32>
        tpu.vector_store_idx %arg18[%parallel_loop3A_367, %broadcast_in_dim3A_1, %parallel_loop3A_370], %parallel_loop3A_363 : memref<10x1x1024xf32, #tpu.memory_space<vmem>>[vector<16xi32>, vector<16xi32>, vector<16xi32>], vector<16xf32>,
        %parallel_loop3A_371 = tpu.vector_load_idx %arg12[%parallel_loop3A_338, %iota3A] : memref<128x16xf32, #tpu.memory_space<vmem>>[vector<16xi32>, vector<16xi32>], vector<16xf32>,
        %parallel_loop3A_372 = arith.addi %mul3A_43, %parallel_loop3A_338 : vector<16xi32>
        %parallel_loop3A_373 = arith.constant 10 : i32
        %parallel_loop3A_374 = vector.broadcast %parallel_loop3A_373 : i32 to vector<16xi32>
        %parallel_loop3A_375 = arith.shrui %parallel_loop3A_372, %parallel_loop3A_374 : vector<16xi32>
        %parallel_loop3A_376 = arith.constant 1023 : i32
        %parallel_loop3A_377 = vector.broadcast %parallel_loop3A_376 : i32 to vector<16xi32>
        %parallel_loop3A_378 = arith.andi %parallel_loop3A_372, %parallel_loop3A_377 : vector<16xi32>
        tpu.vector_store_idx %arg18[%parallel_loop3A_375, %broadcast_in_dim3A_1, %parallel_loop3A_378], %parallel_loop3A_371 : memref<10x1x1024xf32, #tpu.memory_space<vmem>>[vector<16xi32>, vector<16xi32>, vector<16xi32>], vector<16xf32>,
      } {sc.loop_unroll_factor = 8 : i64, sc.parallel_access}
      %mul3A_234 = arith.constant 10 : i32
      %mul3A_235 = arith.muli %add3A_203, %mul3A_234 : i32
      %dma_start3A_236 = arith.constant 0 : i32
      %dma_start3A_237 = tpu.memref_slice %arg6[%mul3A_235, %add3A, %dma_start3A_236] : memref<2000x32x1024xf32, #tpu.memory_space<hbm>> -> memref<10x1x1024xf32, #tpu.memory_space<hbm>>
      %dma_start3A_238 = arith.constant 0 : i32
      %dma_start3A_239 = tpu.memref_slice %arg6[%mul3A_235, %add3A, %dma_start3A_238] : memref<2000x32x1024xf32, #tpu.memory_space<hbm>> -> memref<10x1x1024xf32, #tpu.memory_space<hbm>>
      tpu.enqueue_dma source(%arg18 : memref<10x1x1024xf32, #tpu.memory_space<vmem>>) target(%dma_start3A_239 : memref<10x1x1024xf32, #tpu.memory_space<hbm>>) target_semaphore(%arg24 : memref<!tpu.dma_semaphore, #tpu.memory_space<semaphore_mem>>)
      %lt3A_240 = arith.constant 49 : i32
      %lt3A_241 = arith.cmpi slt, %scan3A_161, %lt3A_240 : i32
      %convert_element_type3A_242 = arith.extui %lt3A_241 : i1 to i32
      %cond3A_243 = arith.constant 0 : i32
      %cond3A_244 = arith.cmpi ne, %convert_element_type3A_242, %cond3A_243 : i32
      scf.if %cond3A_244 {
        %add3A_333 = arith.constant 4 : i32
        %add3A_334 = arith.addi %add3A_203, %add3A_333 : i32
        %shift_right_logical3A_335 = arith.constant 3 : i32
        %shift_right_logical3A_336 = arith.shrui %add3A_334, %shift_right_logical3A_335 : i32
        %and3A_337 = arith.constant 7 : i32
        %and3A_338 = arith.andi %add3A_334, %and3A_337 : i32
        %dma_start3A_339 = arith.constant 0 : i32
        %dma_start3A_340 = arith.constant 0 : i32
        %dma_start3A_341 = tpu.memref_slice %arg7[%shift_right_logical3A_336, %dma_start3A_339, %and3A_338, %dma_start3A_340] : memref<25x1x8x128xi32, #tpu.memory_space<vmem>> -> memref<1x1x1x128xi32, #tpu.memory_space<vmem>>
        %dma_start3A_342 = tpu.memref_squeeze %dma_start3A_341 : memref<1x1x1x128xi32, #tpu.memory_space<vmem>> -> memref<128xi32, #tpu.memory_space<vmem>>
        %dma_start3A_343 = arith.constant 0 : i32
        %dma_start3A_344 = arith.constant 0 : i32
        %dma_start3A_345 = tpu.memref_slice %arg4[%dma_start3A_343, %dma_start3A_344] : memref<100000x64xf32, #tpu.memory_space<hbm>> -> memref<100000x64xf32, #tpu.memory_space<hbm>>
        tpu.enqueue_indirect_dma source(%dma_start3A_345 : memref<100000x64xf32, #tpu.memory_space<hbm>>) target(%arg11 : memref<128x64xf32, #tpu.memory_space<vmem>>) offsets(%dma_start3A_342 : memref<128xi32, #tpu.memory_space<vmem>>) semaphore(%arg20 : memref<!tpu.dma_semaphore, #tpu.memory_space<semaphore_mem>>)
        %shift_right_logical3A_346 = arith.constant 3 : i32
        %shift_right_logical3A_347 = arith.shrui %add3A_334, %shift_right_logical3A_346 : i32
        %and3A_348 = arith.constant 7 : i32
        %and3A_349 = arith.andi %add3A_334, %and3A_348 : i32
        %dma_start3A_350 = arith.constant 0 : i32
        %dma_start3A_351 = arith.constant 0 : i32
        %dma_start3A_352 = tpu.memref_slice %arg8[%shift_right_logical3A_347, %dma_start3A_350, %and3A_349, %dma_start3A_351] : memref<25x1x8x128xi32, #tpu.memory_space<vmem>> -> memref<1x1x1x128xi32, #tpu.memory_space<vmem>>
        %dma_start3A_353 = tpu.memref_squeeze %dma_start3A_352 : memref<1x1x1x128xi32, #tpu.memory_space<vmem>> -> memref<128xi32, #tpu.memory_space<vmem>>
        %dma_start3A_354 = arith.constant 0 : i32
        %dma_start3A_355 = arith.constant 0 : i32
        %dma_start3A_356 = tpu.memref_slice %arg5[%dma_start3A_354, %dma_start3A_355] : memref<1000x16xf32, #tpu.memory_space<hbm>> -> memref<1000x16xf32, #tpu.memory_space<hbm>>
        tpu.enqueue_indirect_dma source(%dma_start3A_356 : memref<1000x16xf32, #tpu.memory_space<hbm>>) target(%arg12 : memref<128x16xf32, #tpu.memory_space<vmem>>) offsets(%dma_start3A_353 : memref<128xi32, #tpu.memory_space<vmem>>) semaphore(%arg20 : memref<!tpu.dma_semaphore, #tpu.memory_space<semaphore_mem>>)
      } else {
      }
      %add3A_245 = arith.constant 2 : i32
      %add3A_246 = arith.addi %mul3A_163, %add3A_245 : i32
      %shift_right_logical3A_247 = arith.constant 3 : i32
      %shift_right_logical3A_248 = arith.shrui %add3A_246, %shift_right_logical3A_247 : i32
      %and3A_249 = arith.constant 7 : i32
      %and3A_250 = arith.andi %add3A_246, %and3A_249 : i32
      %dma_wait3A_251 = arith.constant 0 : i32
      %dma_wait3A_252 = arith.constant 0 : i32
      %dma_wait3A_253 = tpu.memref_slice %arg7[%shift_right_logical3A_248, %dma_wait3A_251, %and3A_250, %dma_wait3A_252] : memref<25x1x8x128xi32, #tpu.memory_space<vmem>> -> memref<1x1x1x128xi32, #tpu.memory_space<vmem>>
      %dma_wait3A_254 = tpu.memref_squeeze %dma_wait3A_253 : memref<1x1x1x128xi32, #tpu.memory_space<vmem>> -> memref<128xi32, #tpu.memory_space<vmem>>
      %dma_wait3A_255 = arith.constant 0 : i32
      %dma_wait3A_256 = arith.constant 0 : i32
      %dma_wait3A_257 = tpu.memref_slice %arg4[%dma_wait3A_255, %dma_wait3A_256] : memref<100000x64xf32, #tpu.memory_space<hbm>> -> memref<100000x64xf32, #tpu.memory_space<hbm>>
      tpu.wait_indirect_dma semaphore(%arg21 : memref<!tpu.dma_semaphore, #tpu.memory_space<semaphore_mem>>) src(%dma_wait3A_257 : memref<100000x64xf32, #tpu.memory_space<hbm>>) dst(%arg13 : memref<128x64xf32, #tpu.memory_space<vmem>>)
      %shift_right_logical3A_258 = arith.constant 3 : i32
      %shift_right_logical3A_259 = arith.shrui %add3A_246, %shift_right_logical3A_258 : i32
      %and3A_260 = arith.constant 7 : i32
      %and3A_261 = arith.andi %add3A_246, %and3A_260 : i32
      %dma_wait3A_262 = arith.constant 0 : i32
      %dma_wait3A_263 = arith.constant 0 : i32
      %dma_wait3A_264 = tpu.memref_slice %arg8[%shift_right_logical3A_259, %dma_wait3A_262, %and3A_261, %dma_wait3A_263] : memref<25x1x8x128xi32, #tpu.memory_space<vmem>> -> memref<1x1x1x128xi32, #tpu.memory_space<vmem>>
      %dma_wait3A_265 = tpu.memref_squeeze %dma_wait3A_264 : memref<1x1x1x128xi32, #tpu.memory_space<vmem>> -> memref<128xi32, #tpu.memory_space<vmem>>
      %dma_wait3A_266 = arith.constant 0 : i32
      %dma_wait3A_267 = arith.constant 0 : i32
      %dma_wait3A_268 = tpu.memref_slice %arg5[%dma_wait3A_266, %dma_wait3A_267] : memref<1000x16xf32, #tpu.memory_space<hbm>> -> memref<1000x16xf32, #tpu.memory_space<hbm>>
      tpu.wait_indirect_dma semaphore(%arg21 : memref<!tpu.dma_semaphore, #tpu.memory_space<semaphore_mem>>) src(%dma_wait3A_268 : memref<1000x16xf32, #tpu.memory_space<hbm>>) dst(%arg14 : memref<128x16xf32, #tpu.memory_space<vmem>>)
      %mul3A_269 = arith.constant 10 : i32
      %mul3A_270 = arith.muli %add3A_246, %mul3A_269 : i32
      %dma_wait3A_271 = arith.constant 0 : i32
      %dma_wait3A_272 = tpu.memref_slice %arg6[%mul3A_270, %add3A, %dma_wait3A_271] : memref<2000x32x1024xf32, #tpu.memory_space<hbm>> -> memref<10x1x1024xf32, #tpu.memory_space<hbm>>
      %dma_wait3A_273 = arith.constant 0 : i32
      %dma_wait3A_274 = tpu.memref_slice %arg6[%mul3A_270, %add3A, %dma_wait3A_273] : memref<2000x32x1024xf32, #tpu.memory_space<hbm>> -> memref<10x1x1024xf32, #tpu.memory_space<hbm>>
      tpu.wait_dma2 semaphore(%arg23 : memref<!tpu.dma_semaphore, #tpu.memory_space<semaphore_mem>>) src(%arg17 : memref<10x1x1024xf32, #tpu.memory_space<vmem>>) dst(%dma_wait3A_274 : memref<10x1x1024xf32, #tpu.memory_space<hbm>>)
      %parallel_loop3A_275 = arith.constant 0 : i32
      %parallel_loop3A_276 = arith.constant 128 : i32
      %parallel_loop3A_277 = arith.constant 1 : i32
      scf.for %parallel_loop3A_333 = %parallel_loop3A_275 to %parallel_loop3A_276 step %parallel_loop3A_277  : i32 {
        %parallel_loop3A_334 = vector.broadcast %parallel_loop3A_333 : i32 to vector<16xi32>
        %parallel_loop3A_335 = arith.addi %iota3A, %parallel_loop3A_334 : vector<16xi32>
        %parallel_loop3A_336 = arith.constant 127 : i32
        %parallel_loop3A_337 = vector.broadcast %parallel_loop3A_336 : i32 to vector<16xi32>
        %parallel_loop3A_338 = arith.andi %parallel_loop3A_335, %parallel_loop3A_337 : vector<16xi32>
        %parallel_loop3A_339 = tpu.vector_load_idx %arg13[%parallel_loop3A_338, %add3A_4] : memref<128x64xf32, #tpu.memory_space<vmem>>[vector<16xi32>, vector<16xi32>], vector<16xf32>,
        %parallel_loop3A_340 = arith.addi %mul3A_19, %parallel_loop3A_338 : vector<16xi32>
        %parallel_loop3A_341 = arith.constant 10 : i32
        %parallel_loop3A_342 = vector.broadcast %parallel_loop3A_341 : i32 to vector<16xi32>
        %parallel_loop3A_343 = arith.shrui %parallel_loop3A_340, %parallel_loop3A_342 : vector<16xi32>
        %parallel_loop3A_344 = arith.constant 1023 : i32
        %parallel_loop3A_345 = vector.broadcast %parallel_loop3A_344 : i32 to vector<16xi32>
        %parallel_loop3A_346 = arith.andi %parallel_loop3A_340, %parallel_loop3A_345 : vector<16xi32>
        tpu.vector_store_idx %arg17[%parallel_loop3A_343, %broadcast_in_dim3A_1, %parallel_loop3A_346], %parallel_loop3A_339 : memref<10x1x1024xf32, #tpu.memory_space<vmem>>[vector<16xi32>, vector<16xi32>, vector<16xi32>], vector<16xf32>,
        %parallel_loop3A_347 = tpu.vector_load_idx %arg13[%parallel_loop3A_338, %add3A_7] : memref<128x64xf32, #tpu.memory_space<vmem>>[vector<16xi32>, vector<16xi32>], vector<16xf32>,
        %parallel_loop3A_348 = arith.addi %mul3A_25, %parallel_loop3A_338 : vector<16xi32>
        %parallel_loop3A_349 = arith.constant 10 : i32
        %parallel_loop3A_350 = vector.broadcast %parallel_loop3A_349 : i32 to vector<16xi32>
        %parallel_loop3A_351 = arith.shrui %parallel_loop3A_348, %parallel_loop3A_350 : vector<16xi32>
        %parallel_loop3A_352 = arith.constant 1023 : i32
        %parallel_loop3A_353 = vector.broadcast %parallel_loop3A_352 : i32 to vector<16xi32>
        %parallel_loop3A_354 = arith.andi %parallel_loop3A_348, %parallel_loop3A_353 : vector<16xi32>
        tpu.vector_store_idx %arg17[%parallel_loop3A_351, %broadcast_in_dim3A_1, %parallel_loop3A_354], %parallel_loop3A_347 : memref<10x1x1024xf32, #tpu.memory_space<vmem>>[vector<16xi32>, vector<16xi32>, vector<16xi32>], vector<16xf32>,
        %parallel_loop3A_355 = tpu.vector_load_idx %arg13[%parallel_loop3A_338, %add3A_10] : memref<128x64xf32, #tpu.memory_space<vmem>>[vector<16xi32>, vector<16xi32>], vector<16xf32>,
        %parallel_loop3A_356 = arith.addi %mul3A_31, %parallel_loop3A_338 : vector<16xi32>
        %parallel_loop3A_357 = arith.constant 10 : i32
        %parallel_loop3A_358 = vector.broadcast %parallel_loop3A_357 : i32 to vector<16xi32>
        %parallel_loop3A_359 = arith.shrui %parallel_loop3A_356, %parallel_loop3A_358 : vector<16xi32>
        %parallel_loop3A_360 = arith.constant 1023 : i32
        %parallel_loop3A_361 = vector.broadcast %parallel_loop3A_360 : i32 to vector<16xi32>
        %parallel_loop3A_362 = arith.andi %parallel_loop3A_356, %parallel_loop3A_361 : vector<16xi32>
        tpu.vector_store_idx %arg17[%parallel_loop3A_359, %broadcast_in_dim3A_1, %parallel_loop3A_362], %parallel_loop3A_355 : memref<10x1x1024xf32, #tpu.memory_space<vmem>>[vector<16xi32>, vector<16xi32>, vector<16xi32>], vector<16xf32>,
        %parallel_loop3A_363 = tpu.vector_load_idx %arg13[%parallel_loop3A_338, %add3A_13] : memref<128x64xf32, #tpu.memory_space<vmem>>[vector<16xi32>, vector<16xi32>], vector<16xf32>,
        %parallel_loop3A_364 = arith.addi %mul3A_37, %parallel_loop3A_338 : vector<16xi32>
        %parallel_loop3A_365 = arith.constant 10 : i32
        %parallel_loop3A_366 = vector.broadcast %parallel_loop3A_365 : i32 to vector<16xi32>
        %parallel_loop3A_367 = arith.shrui %parallel_loop3A_364, %parallel_loop3A_366 : vector<16xi32>
        %parallel_loop3A_368 = arith.constant 1023 : i32
        %parallel_loop3A_369 = vector.broadcast %parallel_loop3A_368 : i32 to vector<16xi32>
        %parallel_loop3A_370 = arith.andi %parallel_loop3A_364, %parallel_loop3A_369 : vector<16xi32>
        tpu.vector_store_idx %arg17[%parallel_loop3A_367, %broadcast_in_dim3A_1, %parallel_loop3A_370], %parallel_loop3A_363 : memref<10x1x1024xf32, #tpu.memory_space<vmem>>[vector<16xi32>, vector<16xi32>, vector<16xi32>], vector<16xf32>,
        %parallel_loop3A_371 = tpu.vector_load_idx %arg14[%parallel_loop3A_338, %iota3A] : memref<128x16xf32, #tpu.memory_space<vmem>>[vector<16xi32>, vector<16xi32>], vector<16xf32>,
        %parallel_loop3A_372 = arith.addi %mul3A_43, %parallel_loop3A_338 : vector<16xi32>
        %parallel_loop3A_373 = arith.constant 10 : i32
        %parallel_loop3A_374 = vector.broadcast %parallel_loop3A_373 : i32 to vector<16xi32>
        %parallel_loop3A_375 = arith.shrui %parallel_loop3A_372, %parallel_loop3A_374 : vector<16xi32>
        %parallel_loop3A_376 = arith.constant 1023 : i32
        %parallel_loop3A_377 = vector.broadcast %parallel_loop3A_376 : i32 to vector<16xi32>
        %parallel_loop3A_378 = arith.andi %parallel_loop3A_372, %parallel_loop3A_377 : vector<16xi32>
        tpu.vector_store_idx %arg17[%parallel_loop3A_375, %broadcast_in_dim3A_1, %parallel_loop3A_378], %parallel_loop3A_371 : memref<10x1x1024xf32, #tpu.memory_space<vmem>>[vector<16xi32>, vector<16xi32>, vector<16xi32>], vector<16xf32>,
      } {sc.loop_unroll_factor = 8 : i64, sc.parallel_access}
      %mul3A_278 = arith.constant 10 : i32
      %mul3A_279 = arith.muli %add3A_246, %mul3A_278 : i32
      %dma_start3A_280 = arith.constant 0 : i32
      %dma_start3A_281 = tpu.memref_slice %arg6[%mul3A_279, %add3A, %dma_start3A_280] : memref<2000x32x1024xf32, #tpu.memory_space<hbm>> -> memref<10x1x1024xf32, #tpu.memory_space<hbm>>
      %dma_start3A_282 = arith.constant 0 : i32
      %dma_start3A_283 = tpu.memref_slice %arg6[%mul3A_279, %add3A, %dma_start3A_282] : memref<2000x32x1024xf32, #tpu.memory_space<hbm>> -> memref<10x1x1024xf32, #tpu.memory_space<hbm>>
      tpu.enqueue_dma source(%arg17 : memref<10x1x1024xf32, #tpu.memory_space<vmem>>) target(%dma_start3A_283 : memref<10x1x1024xf32, #tpu.memory_space<hbm>>) target_semaphore(%arg23 : memref<!tpu.dma_semaphore, #tpu.memory_space<semaphore_mem>>)
      %lt3A_284 = arith.constant 49 : i32
      %lt3A_285 = arith.cmpi slt, %scan3A_161, %lt3A_284 : i32
      %convert_element_type3A_286 = arith.extui %lt3A_285 : i1 to i32
      %cond3A_287 = arith.constant 0 : i32
      %cond3A_288 = arith.cmpi ne, %convert_element_type3A_286, %cond3A_287 : i32
      scf.if %cond3A_288 {
        %add3A_333 = arith.constant 4 : i32
        %add3A_334 = arith.addi %add3A_246, %add3A_333 : i32
        %shift_right_logical3A_335 = arith.constant 3 : i32
        %shift_right_logical3A_336 = arith.shrui %add3A_334, %shift_right_logical3A_335 : i32
        %and3A_337 = arith.constant 7 : i32
        %and3A_338 = arith.andi %add3A_334, %and3A_337 : i32
        %dma_start3A_339 = arith.constant 0 : i32
        %dma_start3A_340 = arith.constant 0 : i32
        %dma_start3A_341 = tpu.memref_slice %arg7[%shift_right_logical3A_336, %dma_start3A_339, %and3A_338, %dma_start3A_340] : memref<25x1x8x128xi32, #tpu.memory_space<vmem>> -> memref<1x1x1x128xi32, #tpu.memory_space<vmem>>
        %dma_start3A_342 = tpu.memref_squeeze %dma_start3A_341 : memref<1x1x1x128xi32, #tpu.memory_space<vmem>> -> memref<128xi32, #tpu.memory_space<vmem>>
        %dma_start3A_343 = arith.constant 0 : i32
        %dma_start3A_344 = arith.constant 0 : i32
        %dma_start3A_345 = tpu.memref_slice %arg4[%dma_start3A_343, %dma_start3A_344] : memref<100000x64xf32, #tpu.memory_space<hbm>> -> memref<100000x64xf32, #tpu.memory_space<hbm>>
        tpu.enqueue_indirect_dma source(%dma_start3A_345 : memref<100000x64xf32, #tpu.memory_space<hbm>>) target(%arg13 : memref<128x64xf32, #tpu.memory_space<vmem>>) offsets(%dma_start3A_342 : memref<128xi32, #tpu.memory_space<vmem>>) semaphore(%arg21 : memref<!tpu.dma_semaphore, #tpu.memory_space<semaphore_mem>>)
        %shift_right_logical3A_346 = arith.constant 3 : i32
        %shift_right_logical3A_347 = arith.shrui %add3A_334, %shift_right_logical3A_346 : i32
        %and3A_348 = arith.constant 7 : i32
        %and3A_349 = arith.andi %add3A_334, %and3A_348 : i32
        %dma_start3A_350 = arith.constant 0 : i32
        %dma_start3A_351 = arith.constant 0 : i32
        %dma_start3A_352 = tpu.memref_slice %arg8[%shift_right_logical3A_347, %dma_start3A_350, %and3A_349, %dma_start3A_351] : memref<25x1x8x128xi32, #tpu.memory_space<vmem>> -> memref<1x1x1x128xi32, #tpu.memory_space<vmem>>
        %dma_start3A_353 = tpu.memref_squeeze %dma_start3A_352 : memref<1x1x1x128xi32, #tpu.memory_space<vmem>> -> memref<128xi32, #tpu.memory_space<vmem>>
        %dma_start3A_354 = arith.constant 0 : i32
        %dma_start3A_355 = arith.constant 0 : i32
        %dma_start3A_356 = tpu.memref_slice %arg5[%dma_start3A_354, %dma_start3A_355] : memref<1000x16xf32, #tpu.memory_space<hbm>> -> memref<1000x16xf32, #tpu.memory_space<hbm>>
        tpu.enqueue_indirect_dma source(%dma_start3A_356 : memref<1000x16xf32, #tpu.memory_space<hbm>>) target(%arg14 : memref<128x16xf32, #tpu.memory_space<vmem>>) offsets(%dma_start3A_353 : memref<128xi32, #tpu.memory_space<vmem>>) semaphore(%arg21 : memref<!tpu.dma_semaphore, #tpu.memory_space<semaphore_mem>>)
      } else {
      }
      %add3A_289 = arith.constant 3 : i32
      %add3A_290 = arith.addi %mul3A_163, %add3A_289 : i32
      %shift_right_logical3A_291 = arith.constant 3 : i32
      %shift_right_logical3A_292 = arith.shrui %add3A_290, %shift_right_logical3A_291 : i32
      %and3A_293 = arith.constant 7 : i32
      %and3A_294 = arith.andi %add3A_290, %and3A_293 : i32
      %dma_wait3A_295 = arith.constant 0 : i32
      %dma_wait3A_296 = arith.constant 0 : i32
      %dma_wait3A_297 = tpu.memref_slice %arg7[%shift_right_logical3A_292, %dma_wait3A_295, %and3A_294, %dma_wait3A_296] : memref<25x1x8x128xi32, #tpu.memory_space<vmem>> -> memref<1x1x1x128xi32, #tpu.memory_space<vmem>>
      %dma_wait3A_298 = tpu.memref_squeeze %dma_wait3A_297 : memref<1x1x1x128xi32, #tpu.memory_space<vmem>> -> memref<128xi32, #tpu.memory_space<vmem>>
      %dma_wait3A_299 = arith.constant 0 : i32
      %dma_wait3A_300 = arith.constant 0 : i32
      %dma_wait3A_301 = tpu.memref_slice %arg4[%dma_wait3A_299, %dma_wait3A_300] : memref<100000x64xf32, #tpu.memory_space<hbm>> -> memref<100000x64xf32, #tpu.memory_space<hbm>>
      tpu.wait_indirect_dma semaphore(%arg22 : memref<!tpu.dma_semaphore, #tpu.memory_space<semaphore_mem>>) src(%dma_wait3A_301 : memref<100000x64xf32, #tpu.memory_space<hbm>>) dst(%arg15 : memref<128x64xf32, #tpu.memory_space<vmem>>)
      %shift_right_logical3A_302 = arith.constant 3 : i32
      %shift_right_logical3A_303 = arith.shrui %add3A_290, %shift_right_logical3A_302 : i32
      %and3A_304 = arith.constant 7 : i32
      %and3A_305 = arith.andi %add3A_290, %and3A_304 : i32
      %dma_wait3A_306 = arith.constant 0 : i32
      %dma_wait3A_307 = arith.constant 0 : i32
      %dma_wait3A_308 = tpu.memref_slice %arg8[%shift_right_logical3A_303, %dma_wait3A_306, %and3A_305, %dma_wait3A_307] : memref<25x1x8x128xi32, #tpu.memory_space<vmem>> -> memref<1x1x1x128xi32, #tpu.memory_space<vmem>>
      %dma_wait3A_309 = tpu.memref_squeeze %dma_wait3A_308 : memref<1x1x1x128xi32, #tpu.memory_space<vmem>> -> memref<128xi32, #tpu.memory_space<vmem>>
      %dma_wait3A_310 = arith.constant 0 : i32
      %dma_wait3A_311 = arith.constant 0 : i32
      %dma_wait3A_312 = tpu.memref_slice %arg5[%dma_wait3A_310, %dma_wait3A_311] : memref<1000x16xf32, #tpu.memory_space<hbm>> -> memref<1000x16xf32, #tpu.memory_space<hbm>>
      tpu.wait_indirect_dma semaphore(%arg22 : memref<!tpu.dma_semaphore, #tpu.memory_space<semaphore_mem>>) src(%dma_wait3A_312 : memref<1000x16xf32, #tpu.memory_space<hbm>>) dst(%arg16 : memref<128x16xf32, #tpu.memory_space<vmem>>)
      %mul3A_313 = arith.constant 10 : i32
      %mul3A_314 = arith.muli %add3A_290, %mul3A_313 : i32
      %dma_wait3A_315 = arith.constant 0 : i32
      %dma_wait3A_316 = tpu.memref_slice %arg6[%mul3A_314, %add3A, %dma_wait3A_315] : memref<2000x32x1024xf32, #tpu.memory_space<hbm>> -> memref<10x1x1024xf32, #tpu.memory_space<hbm>>
      %dma_wait3A_317 = arith.constant 0 : i32
      %dma_wait3A_318 = tpu.memref_slice %arg6[%mul3A_314, %add3A, %dma_wait3A_317] : memref<2000x32x1024xf32, #tpu.memory_space<hbm>> -> memref<10x1x1024xf32, #tpu.memory_space<hbm>>
      tpu.wait_dma2 semaphore(%arg24 : memref<!tpu.dma_semaphore, #tpu.memory_space<semaphore_mem>>) src(%arg18 : memref<10x1x1024xf32, #tpu.memory_space<vmem>>) dst(%dma_wait3A_318 : memref<10x1x1024xf32, #tpu.memory_space<hbm>>)
      %parallel_loop3A_319 = arith.constant 0 : i32
      %parallel_loop3A_320 = arith.constant 128 : i32
      %parallel_loop3A_321 = arith.constant 1 : i32
      scf.for %parallel_loop3A_333 = %parallel_loop3A_319 to %parallel_loop3A_320 step %parallel_loop3A_321  : i32 {
        %parallel_loop3A_334 = vector.broadcast %parallel_loop3A_333 : i32 to vector<16xi32>
        %parallel_loop3A_335 = arith.addi %iota3A, %parallel_loop3A_334 : vector<16xi32>
        %parallel_loop3A_336 = arith.constant 127 : i32
        %parallel_loop3A_337 = vector.broadcast %parallel_loop3A_336 : i32 to vector<16xi32>
        %parallel_loop3A_338 = arith.andi %parallel_loop3A_335, %parallel_loop3A_337 : vector<16xi32>
        %parallel_loop3A_339 = tpu.vector_load_idx %arg15[%parallel_loop3A_338, %add3A_4] : memref<128x64xf32, #tpu.memory_space<vmem>>[vector<16xi32>, vector<16xi32>], vector<16xf32>,
        %parallel_loop3A_340 = arith.addi %mul3A_19, %parallel_loop3A_338 : vector<16xi32>
        %parallel_loop3A_341 = arith.constant 10 : i32
        %parallel_loop3A_342 = vector.broadcast %parallel_loop3A_341 : i32 to vector<16xi32>
        %parallel_loop3A_343 = arith.shrui %parallel_loop3A_340, %parallel_loop3A_342 : vector<16xi32>
        %parallel_loop3A_344 = arith.constant 1023 : i32
        %parallel_loop3A_345 = vector.broadcast %parallel_loop3A_344 : i32 to vector<16xi32>
        %parallel_loop3A_346 = arith.andi %parallel_loop3A_340, %parallel_loop3A_345 : vector<16xi32>
        tpu.vector_store_idx %arg18[%parallel_loop3A_343, %broadcast_in_dim3A_1, %parallel_loop3A_346], %parallel_loop3A_339 : memref<10x1x1024xf32, #tpu.memory_space<vmem>>[vector<16xi32>, vector<16xi32>, vector<16xi32>], vector<16xf32>,
        %parallel_loop3A_347 = tpu.vector_load_idx %arg15[%parallel_loop3A_338, %add3A_7] : memref<128x64xf32, #tpu.memory_space<vmem>>[vector<16xi32>, vector<16xi32>], vector<16xf32>,
        %parallel_loop3A_348 = arith.addi %mul3A_25, %parallel_loop3A_338 : vector<16xi32>
        %parallel_loop3A_349 = arith.constant 10 : i32
        %parallel_loop3A_350 = vector.broadcast %parallel_loop3A_349 : i32 to vector<16xi32>
        %parallel_loop3A_351 = arith.shrui %parallel_loop3A_348, %parallel_loop3A_350 : vector<16xi32>
        %parallel_loop3A_352 = arith.constant 1023 : i32
        %parallel_loop3A_353 = vector.broadcast %parallel_loop3A_352 : i32 to vector<16xi32>
        %parallel_loop3A_354 = arith.andi %parallel_loop3A_348, %parallel_loop3A_353 : vector<16xi32>
        tpu.vector_store_idx %arg18[%parallel_loop3A_351, %broadcast_in_dim3A_1, %parallel_loop3A_354], %parallel_loop3A_347 : memref<10x1x1024xf32, #tpu.memory_space<vmem>>[vector<16xi32>, vector<16xi32>, vector<16xi32>], vector<16xf32>,
        %parallel_loop3A_355 = tpu.vector_load_idx %arg15[%parallel_loop3A_338, %add3A_10] : memref<128x64xf32, #tpu.memory_space<vmem>>[vector<16xi32>, vector<16xi32>], vector<16xf32>,
        %parallel_loop3A_356 = arith.addi %mul3A_31, %parallel_loop3A_338 : vector<16xi32>
        %parallel_loop3A_357 = arith.constant 10 : i32
        %parallel_loop3A_358 = vector.broadcast %parallel_loop3A_357 : i32 to vector<16xi32>
        %parallel_loop3A_359 = arith.shrui %parallel_loop3A_356, %parallel_loop3A_358 : vector<16xi32>
        %parallel_loop3A_360 = arith.constant 1023 : i32
        %parallel_loop3A_361 = vector.broadcast %parallel_loop3A_360 : i32 to vector<16xi32>
        %parallel_loop3A_362 = arith.andi %parallel_loop3A_356, %parallel_loop3A_361 : vector<16xi32>
        tpu.vector_store_idx %arg18[%parallel_loop3A_359, %broadcast_in_dim3A_1, %parallel_loop3A_362], %parallel_loop3A_355 : memref<10x1x1024xf32, #tpu.memory_space<vmem>>[vector<16xi32>, vector<16xi32>, vector<16xi32>], vector<16xf32>,
        %parallel_loop3A_363 = tpu.vector_load_idx %arg15[%parallel_loop3A_338, %add3A_13] : memref<128x64xf32, #tpu.memory_space<vmem>>[vector<16xi32>, vector<16xi32>], vector<16xf32>,
        %parallel_loop3A_364 = arith.addi %mul3A_37, %parallel_loop3A_338 : vector<16xi32>
        %parallel_loop3A_365 = arith.constant 10 : i32
        %parallel_loop3A_366 = vector.broadcast %parallel_loop3A_365 : i32 to vector<16xi32>
        %parallel_loop3A_367 = arith.shrui %parallel_loop3A_364, %parallel_loop3A_366 : vector<16xi32>
        %parallel_loop3A_368 = arith.constant 1023 : i32
        %parallel_loop3A_369 = vector.broadcast %parallel_loop3A_368 : i32 to vector<16xi32>
        %parallel_loop3A_370 = arith.andi %parallel_loop3A_364, %parallel_loop3A_369 : vector<16xi32>
        tpu.vector_store_idx %arg18[%parallel_loop3A_367, %broadcast_in_dim3A_1, %parallel_loop3A_370], %parallel_loop3A_363 : memref<10x1x1024xf32, #tpu.memory_space<vmem>>[vector<16xi32>, vector<16xi32>, vector<16xi32>], vector<16xf32>,
        %parallel_loop3A_371 = tpu.vector_load_idx %arg16[%parallel_loop3A_338, %iota3A] : memref<128x16xf32, #tpu.memory_space<vmem>>[vector<16xi32>, vector<16xi32>], vector<16xf32>,
        %parallel_loop3A_372 = arith.addi %mul3A_43, %parallel_loop3A_338 : vector<16xi32>
        %parallel_loop3A_373 = arith.constant 10 : i32
        %parallel_loop3A_374 = vector.broadcast %parallel_loop3A_373 : i32 to vector<16xi32>
        %parallel_loop3A_375 = arith.shrui %parallel_loop3A_372, %parallel_loop3A_374 : vector<16xi32>
        %parallel_loop3A_376 = arith.constant 1023 : i32
        %parallel_loop3A_377 = vector.broadcast %parallel_loop3A_376 : i32 to vector<16xi32>
        %parallel_loop3A_378 = arith.andi %parallel_loop3A_372, %parallel_loop3A_377 : vector<16xi32>
        tpu.vector_store_idx %arg18[%parallel_loop3A_375, %broadcast_in_dim3A_1, %parallel_loop3A_378], %parallel_loop3A_371 : memref<10x1x1024xf32, #tpu.memory_space<vmem>>[vector<16xi32>, vector<16xi32>, vector<16xi32>], vector<16xf32>,
      } {sc.loop_unroll_factor = 8 : i64, sc.parallel_access}
      %mul3A_322 = arith.constant 10 : i32
      %mul3A_323 = arith.muli %add3A_290, %mul3A_322 : i32
      %dma_start3A_324 = arith.constant 0 : i32
      %dma_start3A_325 = tpu.memref_slice %arg6[%mul3A_323, %add3A, %dma_start3A_324] : memref<2000x32x1024xf32, #tpu.memory_space<hbm>> -> memref<10x1x1024xf32, #tpu.memory_space<hbm>>
      %dma_start3A_326 = arith.constant 0 : i32
      %dma_start3A_327 = tpu.memref_slice %arg6[%mul3A_323, %add3A, %dma_start3A_326] : memref<2000x32x1024xf32, #tpu.memory_space<hbm>> -> memref<10x1x1024xf32, #tpu.memory_space<hbm>>
      tpu.enqueue_dma source(%arg18 : memref<10x1x1024xf32, #tpu.memory_space<vmem>>) target(%dma_start3A_327 : memref<10x1x1024xf32, #tpu.memory_space<hbm>>) target_semaphore(%arg24 : memref<!tpu.dma_semaphore, #tpu.memory_space<semaphore_mem>>)
      %lt3A_328 = arith.constant 49 : i32
      %lt3A_329 = arith.cmpi slt, %scan3A_161, %lt3A_328 : i32
      %convert_element_type3A_330 = arith.extui %lt3A_329 : i1 to i32
      %cond3A_331 = arith.constant 0 : i32
      %cond3A_332 = arith.cmpi ne, %convert_element_type3A_330, %cond3A_331 : i32
      scf.if %cond3A_332 {
        %add3A_333 = arith.constant 4 : i32
        %add3A_334 = arith.addi %add3A_290, %add3A_333 : i32
        %shift_right_logical3A_335 = arith.constant 3 : i32
        %shift_right_logical3A_336 = arith.shrui %add3A_334, %shift_right_logical3A_335 : i32
        %and3A_337 = arith.constant 7 : i32
        %and3A_338 = arith.andi %add3A_334, %and3A_337 : i32
        %dma_start3A_339 = arith.constant 0 : i32
        %dma_start3A_340 = arith.constant 0 : i32
        %dma_start3A_341 = tpu.memref_slice %arg7[%shift_right_logical3A_336, %dma_start3A_339, %and3A_338, %dma_start3A_340] : memref<25x1x8x128xi32, #tpu.memory_space<vmem>> -> memref<1x1x1x128xi32, #tpu.memory_space<vmem>>
        %dma_start3A_342 = tpu.memref_squeeze %dma_start3A_341 : memref<1x1x1x128xi32, #tpu.memory_space<vmem>> -> memref<128xi32, #tpu.memory_space<vmem>>
        %dma_start3A_343 = arith.constant 0 : i32
        %dma_start3A_344 = arith.constant 0 : i32
        %dma_start3A_345 = tpu.memref_slice %arg4[%dma_start3A_343, %dma_start3A_344] : memref<100000x64xf32, #tpu.memory_space<hbm>> -> memref<100000x64xf32, #tpu.memory_space<hbm>>
        tpu.enqueue_indirect_dma source(%dma_start3A_345 : memref<100000x64xf32, #tpu.memory_space<hbm>>) target(%arg15 : memref<128x64xf32, #tpu.memory_space<vmem>>) offsets(%dma_start3A_342 : memref<128xi32, #tpu.memory_space<vmem>>) semaphore(%arg22 : memref<!tpu.dma_semaphore, #tpu.memory_space<semaphore_mem>>)
        %shift_right_logical3A_346 = arith.constant 3 : i32
        %shift_right_logical3A_347 = arith.shrui %add3A_334, %shift_right_logical3A_346 : i32
        %and3A_348 = arith.constant 7 : i32
        %and3A_349 = arith.andi %add3A_334, %and3A_348 : i32
        %dma_start3A_350 = arith.constant 0 : i32
        %dma_start3A_351 = arith.constant 0 : i32
        %dma_start3A_352 = tpu.memref_slice %arg8[%shift_right_logical3A_347, %dma_start3A_350, %and3A_349, %dma_start3A_351] : memref<25x1x8x128xi32, #tpu.memory_space<vmem>> -> memref<1x1x1x128xi32, #tpu.memory_space<vmem>>
        %dma_start3A_353 = tpu.memref_squeeze %dma_start3A_352 : memref<1x1x1x128xi32, #tpu.memory_space<vmem>> -> memref<128xi32, #tpu.memory_space<vmem>>
        %dma_start3A_354 = arith.constant 0 : i32
        %dma_start3A_355 = arith.constant 0 : i32
        %dma_start3A_356 = tpu.memref_slice %arg5[%dma_start3A_354, %dma_start3A_355] : memref<1000x16xf32, #tpu.memory_space<hbm>> -> memref<1000x16xf32, #tpu.memory_space<hbm>>
        tpu.enqueue_indirect_dma source(%dma_start3A_356 : memref<1000x16xf32, #tpu.memory_space<hbm>>) target(%arg16 : memref<128x16xf32, #tpu.memory_space<vmem>>) offsets(%dma_start3A_353 : memref<128xi32, #tpu.memory_space<vmem>>) semaphore(%arg22 : memref<!tpu.dma_semaphore, #tpu.memory_space<semaphore_mem>>)
      } else {
      }
    }
    %scan3A_149 = arith.constant 50 : i32
    %dma_wait3A = arith.constant 1980 : i32
    %dma_wait3A_150 = arith.constant 0 : i32
    %dma_wait3A_151 = tpu.memref_slice %arg6[%dma_wait3A, %add3A, %dma_wait3A_150] : memref<2000x32x1024xf32, #tpu.memory_space<hbm>> -> memref<10x1x1024xf32, #tpu.memory_space<hbm>>
    %dma_wait3A_152 = arith.constant 1980 : i32
    %dma_wait3A_153 = arith.constant 0 : i32
    %dma_wait3A_154 = tpu.memref_slice %arg6[%dma_wait3A_152, %add3A, %dma_wait3A_153] : memref<2000x32x1024xf32, #tpu.memory_space<hbm>> -> memref<10x1x1024xf32, #tpu.memory_space<hbm>>
    tpu.wait_dma2 semaphore(%arg23 : memref<!tpu.dma_semaphore, #tpu.memory_space<semaphore_mem>>) src(%arg17 : memref<10x1x1024xf32, #tpu.memory_space<vmem>>) dst(%dma_wait3A_154 : memref<10x1x1024xf32, #tpu.memory_space<hbm>>)
    %dma_wait3A_155 = arith.constant 1990 : i32
    %dma_wait3A_156 = arith.constant 0 : i32
    %dma_wait3A_157 = tpu.memref_slice %arg6[%dma_wait3A_155, %add3A, %dma_wait3A_156] : memref<2000x32x1024xf32, #tpu.memory_space<hbm>> -> memref<10x1x1024xf32, #tpu.memory_space<hbm>>
    %dma_wait3A_158 = arith.constant 1990 : i32
    %dma_wait3A_159 = arith.constant 0 : i32
    %dma_wait3A_160 = tpu.memref_slice %arg6[%dma_wait3A_158, %add3A, %dma_wait3A_159] : memref<2000x32x1024xf32, #tpu.memory_space<hbm>> -> memref<10x1x1024xf32, #tpu.memory_space<hbm>>
    tpu.wait_dma2 semaphore(%arg24 : memref<!tpu.dma_semaphore, #tpu.memory_space<semaphore_mem>>) src(%arg18 : memref<10x1x1024xf32, #tpu.memory_space<vmem>>) dst(%dma_wait3A_160 : memref<10x1x1024xf32, #tpu.memory_space<hbm>>)
    return
  }
}

</mosaic_0001>

<sc_bundles>
// kernel: kernel.3.cloned.1.call-start
scs
__scs_entry_jumppad:
0x0: {  	(pc) =	sbr.rel $0x88, $3  }
0x1: {  	(tag) =	ssettag $0x0;
	lr =	simm.s32 $0x1  }
0x2: {  	[smem:$0x3F9D] =	sst lr;
	_ =	strace $0xD0000000  }
0x3: {  	_ = 	snop  }
0x4: {  	_ = 	snop  }
0x5: {  	_ = 	snop  }
0x6: {  	_ = 	snop  }
0x7: {  	_ = 	snop  }
__scs_overlays_trampoline_lowered:
0x8: {  	[smem:$0x3FAC] =	sst s0  }
0x9: {  	[smem:$0x3FAD] =	sst s1  }
0xa: {  	[smem:$0x3FAE] =	sst s2  }
0xb: {  	[smem:$0x3FAF] =	sst s3  }
0xc: {  	[smem:$0x3FB0] =	sst s4  }
0xd: {  	[smem:$0x3FB1] =	sst s5  }
0xe: {  	[smem:$0x3FB2] =	sst s6  }
0xf: {  	[smem:$0x3FB3] =	sst s7  }
0x10: {  	[smem:$0x3FB4] =	sst s8  }
0x11: {  	[smem:$0x3FB5] =	sst s9;
	s0 =	simm.s32 @!p0 $0x0  }
0x12: {  	s1 =	sld [smem:$0x3F9B];
	s0 =	simm.s32 @p0 $0x1  }
0x13: {  	[smem:$0x3FB6] =	sst s0;
	s0 =	simm.s32 @!p1 $0x0  }
0x14: {  	s2 =	sld [smem:$0x3F9A];
	s0 =	simm.s32 @p1 $0x1  }
0x15: {  	[smem:$0x3FB7] =	sst s0;
	s0 =	simm.s32 @!p2 $0x0  }
0x16: {  	s3 =	sld [smem:$0x3FDB];
	s0 =	simm.s32 @p2 $0x1  }
0x17: {  	s4 =	simm.s32 $0x1BF5;
	[smem:$0x3FB9] =	sst s0  }
0x18: {  	s0 =	sld [smem:$0x3F9C];
	_ =	swait.ge [sflag:s4], $0x0  }
0x19: {  	s7 =	sld [smem:$0x3F9D]  }
0x1a: {  	s8 =	sadd.s32 $0xFFFFE003, lr  }
0x1b: {  	s9 =	sadd.s32 $0xFFFFFEF7, lr;
	s5 =	simm.s32 $0xFFFFFFFF;
	p2 =	slt.u32 s8, $0xFFFFF086  }
0x1c: {  	p1 =	slt.u32 s9, $0xF7A;
	s5 =	simm.s32 @!p2 $0x0  }
0x1d: {  	s5 =	simm.s32 @p1 $0x1;
	p0 =	seq.s32 s7, s2  }
0x1e: {  	s7 =	smul.u32 @!p0 $0xF7A, s2;
	p2 =	seq.s32 @!p0 s5, $0x0  }
0x1f: {  	s9 =	smul.u32 $0xF7A, s1;
	s8 =	simm.s32 @!p0 $0x1BF5;
	p2 =	por !p2, p0  }
0x20: {  	[sflag:s8] =	ssyncset.s32 @!p0 $0xFFFFF086;
	s6 =	sadd.s32 @!p0 s3, s7;
	s7 =	simm.s32 @!p0 $0x108  }
0x21: {  	s3 =	sadd.s32 s3, s9;
	s6 =	sadd.s32 @!p0 $0x88, s6;
	s7 =	simm.s32 @p2 $0x1082  }
0x22: {  	[simem:s7], [sflag:s8] =	dma.local @!p0 [hbm:s6], $0xF7A  }
0x23: {  	s9 =	sor.u32 $0xD0000000, s2;
	s6 =	simm.s32 $0x108;
	_ =	swait.ge @!p0 [sflag:s8], $0x0  }
0x24: {  	s3 =	sadd.s32 $0x88, s3;
	s6 =	simm.s32 @!p1 $0x1082;
	[sflag:s4] =	ssyncset.s32 $0xFFFFF086  }
0x25: {  	[simem:s6], [sflag:s4] =	dma.local [hbm:s3], $0xF7A  }
0x26: {  	[smem:$0x3F9D] =	sst s1;
	(tag) =	ssettag s2;
	_ =	strace s9  }
0x27: {  	s1 =	sld [smem:$0x3FAD]  }
0x28: {  	s2 =	sld [smem:$0x3FAE]  }
0x29: {  	s4 =	sld [smem:$0x3FB0]  }
0x2a: {  	p0 =	seq.s32 s5, $0x0;
	s5 =	sld [smem:$0x3FB1]  }
0x2b: {  	s6 =	sld [smem:$0x3FB2]  }
0x2c: {  	s7 =	sld [smem:$0x3FB3]  }
0x2d: {  	s3 =	simm.s32 $0x108;
	s8 =	sld [smem:$0x3FB4]  }
0x2e: {  	s3 =	simm.s32 @!p0 $0x1082;
	s9 =	sld [smem:$0x3FB5]  }
0x2f: {  	lr =	sadd.s32 s0, s3;
	s0 =	sld [smem:$0x3FAC]  }
0x30: {  	s3 =	sld [smem:$0x3FAF]  }
0x31: {  	[smem:$0x3FB8] =	sst s10  }
0x32: {  	s10 =	sld [smem:$0x3FB6];
	_ =	sdelay $0x3  }
0x33: {  	p0 =	seq.s32 s10, $0x1;
	s10 =	sld [smem:$0x3FB8];
	_ =	sdelay $0x3  }
0x34: {  	[smem:$0x3FB8] =	sst s10  }
0x35: {  	s10 =	sld [smem:$0x3FB7];
	_ =	sdelay $0x3  }
0x36: {  	p1 =	seq.s32 s10, $0x1;
	s10 =	sld [smem:$0x3FB8];
	_ =	sdelay $0x3  }
0x37: {  	[smem:$0x3FB8] =	sst s10  }
0x38: {  	s10 =	sld [smem:$0x3FB9]  }
0x39: {  	_ = 	snop;
	(pc) =	sbr.ind lr, $3  }
0x3a: {  	_ = 	snop  }
0x3b: {  	_ = 	snop  }
0x3c: {  	p2 =	seq.s32 s10, $0x1;
	s10 =	sld [smem:$0x3FB8]  }
0x3d: {  	_ =	shalt  }
0x3e: {  	_ =	shalt  }
0x3f: {  	_ =	shalt  }
0x40: {  	_ =	shalt  }
0x41: {  	_ =	shalt  }
0x42: {  	_ =	shalt  }
0x43: {  	_ =	shalt  }
0x44: {  	_ =	shalt  }
0x45: {  	_ =	shalt  }
0x46: {  	_ =	shalt  }
0x47: {  	_ =	shalt  }
0x48: {  	_ =	shalt  }
0x49: {  	_ =	shalt  }
0x4a: {  	_ =	shalt  }
0x4b: {  	_ =	shalt  }
0x4c: {  	_ =	shalt  }
0x4d: {  	_ =	shalt  }
0x4e: {  	_ =	shalt  }
0x4f: {  	_ =	shalt  }
0x50: {  	_ =	shalt  }
0x51: {  	_ =	shalt  }
0x52: {  	_ =	shalt  }
0x53: {  	_ =	shalt  }
0x54: {  	_ =	shalt  }
0x55: {  	_ =	shalt  }
0x56: {  	_ =	shalt  }
0x57: {  	_ =	shalt  }
0x58: {  	_ =	shalt  }
0x59: {  	_ =	shalt  }
0x5a: {  	_ =	shalt  }
0x5b: {  	_ =	shalt  }
0x5c: {  	_ =	shalt  }
0x5d: {  	_ =	shalt  }
0x5e: {  	_ =	shalt  }
0x5f: {  	_ =	shalt  }
0x60: {  	_ =	shalt  }
0x61: {  	_ =	shalt  }
0x62: {  	_ =	shalt  }
0x63: {  	_ =	shalt  }
0x64: {  	_ =	shalt  }
0x65: {  	_ =	shalt  }
0x66: {  	_ =	shalt  }
0x67: {  	_ =	shalt  }
0x68: {  	_ =	shalt  }
0x69: {  	_ =	shalt  }
0x6a: {  	_ =	shalt  }
0x6b: {  	_ =	shalt  }
0x6c: {  	_ =	shalt  }
0x6d: {  	_ =	shalt  }
0x6e: {  	_ =	shalt  }
0x6f: {  	_ =	shalt  }
0x70: {  	_ =	shalt  }
0x71: {  	_ =	shalt  }
0x72: {  	_ =	shalt  }
0x73: {  	_ =	shalt  }
0x74: {  	_ =	shalt  }
0x75: {  	_ =	shalt  }
0x76: {  	_ =	shalt  }
0x77: {  	_ =	shalt  }
0x78: {  	_ =	shalt  }
0x79: {  	_ =	shalt  }
0x7a: {  	_ =	shalt  }
0x7b: {  	_ =	shalt  }
0x7c: {  	_ =	shalt  }
0x7d: {  	_ =	shalt  }
0x7e: {  	_ =	shalt  }
0x7f: {  	_ =	shalt  }
0x80: {  	_ =	shalt  }
0x81: {  	_ =	shalt  }
0x82: {  	_ =	shalt  }
0x83: {  	_ =	shalt  }
0x84: {  	_ =	shalt  }
0x85: {  	_ =	shalt  }
0x86: {  	_ =	shalt  }
0x87: {  	_ =	shalt  }
.Lfunc_end0:
.L_simem_size_0:
called_computation_lowered:
.L_overlay_start_0:
0x88: {  	s2 =	sld [smem:$0x3FD9]  }
0x89: {  	s3 =	sld [smem:$0x3FFE];
	_ =	sdelay $0x1  }
0x8a: {  	s1 =	srdreg.scid  }
0x8b: {  	s0 =	sand.u32 $0x1, s1  }
0x8c: {  	s17 =	sshll.u32 s0, $0xA;
	s2 =	sadd.s32 s3, s2  }
0x8d: {  	s2 =	sadd.s32 s2, s17  }
0x8e: {  	[smem:$0x3FC4] =	sst s2  }
0x8f: {  	_ = 	snop  }
0x90: {  	s2 =	sld [smem:$0x3FC9]  }
0x91: {  	s18 =	sld [smem:$0x3FC8]  }
0x92: {  	s4 =	sld [smem:$0x3FD0];
	(tm) =	ssettm $0x1  }
0x93: {  	s5 =	sld [smem:$0x3FFB];
	_ =	sdelay $0x3  }
0x94: {  	_ =	strace s5  }
0x95: {  	s5 =	sld [smem:$0x3FFC];
	_ =	sdelay $0x3  }
0x96: {  	_ =	strace s5  }
0x97: {  	s5 =	sld [smem:$0x3FFD];
	_ =	sdelay $0x3  }
0x98: {  	_ =	strace s5  }
0x99: {  	_ =	strace $0x8FFFFFFF  }
0x9a: {  	s19 =	sld [smem:$0x3FDB];
	_ =	sdelay $0x1  }
0x9b: {  	s6 =	simm.s32 $_scs_section_size  }
0x9c: {  	s7 =	simm.s32 $_size__tile_overlayer_lowered;
	s8 =	simm.s32 $_tile_overlayer_lowered  }
0x9d: {  	s22 =	simm.s32 $0x1BFF;
	s21 =	sshll.u32 s8, $0x1;
	s5 =	sadd.s32 s6, s19  }
0x9e: {  	s9 =	simm.s32 $0x0;
	s20 =	sshll.u32 s7, $0x1;
	s7 =	sadd.s32 s21, s5  }
0x9f: {  	[timem:s9], [sflag:s22] =	dma.local [hbm:s7], s20  }
0xa0: {  	_ =	swait.ge [sflag:s22], s20  }
0xa1: {  	s6 =	ssub.s32 $0x0, s20;
	[sflag:s22] =	ssyncset.done $0x0  }
0xa2: {  	[sflag:s22] =	ssyncadd.s32 s6;
	_ =	sdelay $0x1  }
0xa3: {  	s23 =	simm.s32 $0x1B8B  }
0xa4: {  	_ =	swait.ge [sflag:s23], $0x1  }
0xa5: {  	[sflag:s23] =	ssyncset.done $0x0  }
0xa6: {  	s25 =	simm.s32 $0x1B8E;
	s24 =	sld [smem:$0x3FFE];
	[sflag:s23] =	ssyncadd.s32 $0xFFFFFFFF  }
0xa7: {  	s26 =	simm.s32 $execute0_lowered;
	[smem:$0x3FD2] =	sst s25  }
0xa8: {  	s7 =	sshll.u32 s26, $0x1;
	_ =	strace $0x80000046;
	[dreg:$0x1] =	wrdreg $0xFFFFFFFF  }
0xa9: {  	s28 =	simm.s32 $_size_execute0_lowered;
	s5 =	sadd.s32 s5, s7;
	[dreg:$0x0] =	wrdreg $0x0  }
0xaa: {  	s7 =	sshll.u32 s28, $0x1;
	[dreg:$0x2] =	wrdreg s5  }
0xab: {  	[dreg:$0x3] =	wrdreg s7  }
0xac: {  	[dreg:$0x4] =	wrdreg $0xC0  }
0xad: {  	_ =	task [dreg:s9], $0x5FFFF  }
0xae: {  	[dreg:$0x1] =	wrdreg $0xFFFFFFFF  }
0xaf: {  	[dreg:$0x0] =	wrdreg $0x60  }
0xb0: {  	[dreg:$0x2] =	wrdreg s2  }
0xb1: {  	[dreg:$0x3] =	wrdreg s18  }
0xb2: {  	[dreg:$0x4] =	wrdreg s24  }
0xb3: {  	[dreg:$0x5] =	wrdreg s4  }
0xb4: {  	[dreg:$0x6] =	wrdreg $0x9  }
0xb5: {  	_ =	task.clear_ibuf [dreg:s9], $0x7FFFF;
	_ =	strace $0x90000046  }
0xb6: {  	s29 =	simm.s32 $0x9;
	_ =	strace $0x80000048  }
0xb7: {  	_ =	swait.ge [sflag:s29], $0x1  }
0xb8: {  	[sflag:s29] =	ssyncadd.s32 $0xFFFFFFFF  }
0xb9: {  	_ =	strace $0x90000048  }
0xba: {  	_ =	sfence  }
0xbb: {  	s30 =	sld [smem:$0x0];
	_ =	sdelay $0x2  }
0xbc: {  	s31 =	sshll.u32 s1, $0xD;
	s1 =	sshrl.u32 s1, $0x2  }
0xbd: {  	s3 =	sand.u32 $0x4000, s31;
	s1 =	sadd.s32 s1, s30  }
0xbe: {  	s0 =	sor.u32 s3, s0;
	s1 =	sshll.u32 s1, $0x11  }
0xbf: {  	s0 =	sor.u32 s1, s0  }
0xc0: {  	s0 =	sadd.s32 $0x8F2B, s0  }
0xc1: {  	[sflag:s0] =	ssyncadd.remote.s32 $0x1  }
0xc2: {  	_ =	sfence.sel $0xFFFF  }
0xc3: {  	[dreg:$0x0] =	wrdreg $0xFFFFFFFF;
	(pc) =	sbr.abs _section_cstart, $3  }
0xc4: {  	[dreg:$0x1] =	wrdreg $0xFFFFFFFF  }
0xc5: {  	_ =	task.clear_ibuf [dreg:s9], $0x2FFFF;
	_ =	strace $0x9FFFFFFF  }
0xc6: {  	(tm) =	ssettm $0x7FFFFFFF  }
0xc7: {  	_ =	shalt  }
tec
execute0_lowered:
.L_overlay_start_1:
0x0: {  	(tag) =	ssettag $0x1  }
0x1: {  	v1 =	vimm.s32 $0x76543210;
	v0 =	vlaneseq.u32  }
0x2: {  	v3 =	vimm.s32 $0xC07;
	vm14 =	vcmask $0x300;
	vm0 =	vcmask $0x1F00  }
0x3: {  	vm13 =	vcmask $0x704;
	vm12 =	vcmask $0xB08;
	vm3 =	vcmask $0x2320  }
0x4: {  	vm11 =	vcmask $0xF0C;
	vm10 =	vcmask $0x1310;
	vm4 =	vcmask $0x2724  }
0x5: {  	vm9 =	vcmask $0x1714;
	vm8 =	vcmask $0x1B18;
	vm5 =	vcmask $0x2B28  }
0x6: {  	vm7 =	vcmask $0x1F1C;
	vm6 =	vcmask $0x2F2C;
	vm2 =	vcmask $0x3330  }
0x7: {  	vm15 =	vcmask $0x3734;
	vm1 =	vcmask $0x3B38;
	v7 =	vimm.s32 $0x1C07  }
0x8: {  	v8 =	vimm.s32 $0x2407;
	v1 =	vunpack.c.l.s4.s8 v1;
	v2 =	vand.u32 $0x7, v0  }
0x9: {  	v3 =	vsel vm14, $0x800, v3;
	v7 =	vsel vm14, $0x1800, v7;
	v8 =	vsel vm14, $0x2000, v8  }
0xa: {  	v9 =	vshrl.u32 v0, $0x3;
	v3 =	vsel vm13, $0x801, v3;
	v12 =	vmul.u32 $0x80, v2  }
0xb: {  	v7 =	vsel vm13, $0x1801, v7;
	v8 =	vsel vm13, $0x2001, v8;
	v1 =	vunpack.c.0.s8.s32 v1  }
0xc: {  	v3 =	vsel vm12, $0x802, v3;
	v7 =	vsel vm12, $0x1802, v7;
	v8 =	vsel vm12, $0x2002, v8  }
0xd: {  	v3 =	vsel vm11, $0x803, v3;
	v7 =	vsel vm11, $0x1803, v7;
	v8 =	vsel vm11, $0x2003, v8  }
0xe: {  	v1 =	vnsel vm0, $0x407, v1;
	v3 =	vsel vm10, $0x804, v3;
	v7 =	vsel vm10, $0x1804, v7  }
0xf: {  	v8 =	vsel vm10, $0x2004, v8;
	v1 =	vsel vm3, $0x400, v1;
	v3 =	vsel vm9, $0x805, v3  }
0x10: {  	v7 =	vsel vm9, $0x1805, v7;
	v8 =	vsel vm9, $0x2005, v8;
	v1 =	vsel vm4, $0x401, v1  }
0x11: {  	v3 =	vsel vm8, $0x806, v3;
	v7 =	vsel vm8, $0x1806, v7;
	v1 =	vsel vm5, $0x402, v1  }
0x12: {  	v8 =	vsel vm8, $0x2006, v8;
	v3 =	vsel vm7, $0x807, v3;
	v1 =	vsel vm6, $0x403, v1  }
0x13: {  	v7 =	vsel vm7, $0x1807, v7;
	v8 =	vsel vm7, $0x2007, v8;
	v4 =	vsel vm2, $0x404, v1  }
0x14: {  	s0 =	rddreg [dreg:$0x0];
	v3 =	vsel vm3, $0xC00, v3;
	v2 =	vsel vm15, $0x405, v4;
	v4 =	vimm.s32 $0x1407  }
0x15: {  	s2 =	rddreg [dreg:$0x1];
	v7 =	vsel vm3, $0x1C00, v7;
	v8 =	vsel vm3, $0x2400, v8;
	v4 =	vsel vm14, $0x1000, v4  }
0x16: {  	s3 =	rddreg [dreg:$0x2];
	v3 =	vsel vm4, $0xC01, v3;
	v7 =	vsel vm4, $0x1C01, v7;
	v6 =	vsel vm13, $0x1001, v4  }
0x17: {  	s1 =	rddreg [dreg:$0x3];
	s4 =	simm.s32 $0x0;
	s20 =	srdreg.scid;
	v8 =	vsel vm4, $0x2401, v8;
	v1 =	vmul.u32 $0x400, v9;
	v6 =	vsel vm12, $0x1002, v6  }
0x18: {  	s6 =	stileid.u32;
	s13 =	simm.s32 $0x400;
	s14 =	simm.s32 $0x8000;
	v3 =	vsel vm5, $0xC02, v3;
	v7 =	vsel vm5, $0x1C02, v7;
	v6 =	vsel vm11, $0x1003, v6  }
0x19: {  	s18 =	simm.s32 $0xC800;
	s19 =	simm.s32 $0xE800;
	s29 =	simm.s32 $0x14000;
	v8 =	vsel vm5, $0x2402, v8;
	v3 =	vsel vm6, $0xC03, v3;
	v6 =	vsel vm10, $0x1004, v6  }
0x1a: {  	s31 =	simm.s32 $0x16000;
	s30 =	simm.s32 $0x4;
	[smem:$0x7FF] =	sst s4;
	v25 =	vsel vm1, $0x406, v2;
	v7 =	vsel vm6, $0x1C03, v7;
	v6 =	vsel vm9, $0x1005, v6  }
0x1b: {  	s4 =	sand.u32 $0x1, s20;
	s6 =	sshll.u32 s6, $0xB;
	_ =	strace $0x80000047;
	v8 =	vsel vm6, $0x2403, v8;
	v5 =	vsel vm2, $0xC04, v3;
	v6 =	vsel vm8, $0x1006, v6  }
0x1c: {  	s20 =	simm.s32 $0xF000;
	s5 =	ssub.s32 $0x2, s4;
	s7 =	sshll.u32 s4, $0xA;
	[tilespmem:$0x1FFF0] =	vst v1;
	v10 =	vsel vm2, $0x1C04, v7;
	v11 =	vsel vm2, $0x2404, v8;
	v6 =	vsel vm7, $0x1007, v6  }
0x1d: {  	s4 =	sadd.s32 $0xC00, s3;
	s8 =	sshrl.u32 s5, $0x1;
	s7 =	sor.u32 s7, s6;
	v8 =	vor.u32 $0x30, v0;
	[tilespmem:$0x1FFE0] =	vst v25;
	v9 =	vsel vm15, $0x1C05, v10;
	v6 =	vsel vm3, $0x1400, v6  }
0x1e: {  	s6 =	sadd.s32 $0x400, s3;
	s3 =	simm.s32 $0x16800;
	s21 =	ssub.s32 s5, s8;
	v10 =	vsel vm15, $0x2405, v11;
	v11 =	vor.u32 $0x2000, v1;
	[tilespmem:$0x1FFB0] =	vst v8;
	v6 =	vsel vm4, $0x1401, v6  }
0x1f: {  	s22 =	sshrl.u32 s7, $0x3;
	s24 =	sor.u32 $0x50000, s7;
	[dreg:$0x5] =	wrdreg s7;
	v7 =	vsel vm1, $0x2406, v10;
	v10 =	vor.u32 $0x1000, v1;
	[tilespmem:$0x1FFA0] =	vst v11;
	v6 =	vsel vm5, $0x1402, v6  }
0x20: {  	s25 =	sor.u32 $0xA0000, s7;
	s26 =	sor.u32 $0xF0000, s7;
	[dreg:$0x8] =	wrdreg s24;
	v5 =	vsel vm15, $0xC05, v5;
	[tilespmem:$0x1FF50] =	vst v10;
	v6 =	vsel vm6, $0x1403, v6  }
0x21: {  	s7 =	simm.s32 $0x0;
	s0 =	sadd.s32 s0, s22;
	[dreg:$0x9] =	wrdreg s25;
	v2 =	vsel vm1, $0xC06, v5;
	[tilespmem:$0x1FF70] =	vst v7;
	v6 =	vsel vm2, $0x1404, v6  }
.Ltmp0:
0x22: {  	s23 =	sadd.s32 s2, s22;
	[dreg:$0xa] =	wrdreg s26;
	v10 =	vor.u32 $0x1800, v1;
	[tilespmem:$0x1FFC0] =	vst v2;
	v6 =	vsel vm15, $0x1405, v6;
	(pc) =	sbr.rel .LBB2_1-.Ltmp0, $4  }
0x23: {  	s28 =	smax.u32 s21, $0x1;
	s22 =	simm.s32 $0x11000;
	s24 =	simm.s32 $0x11800;
	[tilespmem:$0x1FF80] =	vst v10;
	v4 =	vsel vm1, $0x1406, v6;
	v6 =	vsel vm1, $0x1C06, v9  }
0x24: {  	s26 =	simm.s32 $0x13800;
	s21 =	simm.s32 $0x2;
	[dreg:$0x6] =	wrdreg s0;
	v9 =	vor.u32 $0x800, v1;
	[tilespmem:$0x1FF60] =	vst v6  }
0x25: {  	s25 =	simm.s32 $0x3;
	s2 =	simm.s32 $0x6;
	[dreg:$0x7] =	wrdreg s23;
	[tilespmem:$0x1FF90] =	vst v9  }
0x26: {  	[dreg:$0xb] =	wrdreg s28;
	s0 =	simm.s32 $0x1;
	s23 =	simm.s32 $0x19000;
	v3 =	vor.u32 $0x10, v0;
	v5 =	vor.u32 $0x20, v0;
	[tilespmem:$0x1FFD0] =	vst v4  }
.LBB2_12:
0x27: {  	s5 =	simm.s32 $0x5  }
0x28: {  	_ =	swait.ge [sflag:s5], $0x2800  }
0x29: {  	[sflag:s5] =	ssyncset.done $0x0  }
0x2a: {  	[sflag:s5] =	ssyncadd.s32 $0xFFFFD800  }
0x2b: {  	_ =	swait.ge [sflag:s2], $0x2800  }
0x2c: {  	s7 =	rddreg [dreg:$0xc]  }
0x2d: {  	s28 =	rddreg [dreg:$0xb];
	s7 =	sadd.s32 $0x1, s7  }
0x2e: {  	p0 =	sne.s32 s7, s28  }
.Ltmp1:
0x2f: {  	_ = 	snop;
	(pc) =	sbr.rel @!p0 .LBB2_13-.Ltmp1, $4  }
0x30: {  	_ = 	snop  }
0x31: {  	v6 =	vld [tilespmem:$0x1FF60]  }
0x32: {  	v25 =	vmov v26;
	[sflag:s2] =	ssyncset.done $0x0;
	v7 =	vld [tilespmem:$0x1FF70]  }
0x33: {  	v2 =	vmovc v27;
	v4 =	vmovc v45;
	v12 =	vmov v3;
	v3 =	vmov v5;
	v5 =	vmov v31;
	v10 =	vld [tilespmem:$0x1FF80];
	[sflag:s2] =	ssyncadd.s32 $0xFFFFD800  }
.LBB2_1:
0x34: {  	[dreg:$0xc] =	wrdreg s7  }
0x35: {  	s5 =	simm.s32 $0x0;
	s9 =	rddreg [dreg:$0x6];
	s8 =	simm.s32 $0x7  }
0x36: {  	[tilespmem:s5], [sflag:$0x7] =	stream.strided.gather [hbm4b:s9+s13], $0x6400, s14, s13, $0x38;
	[tilespmem:$0x1B800] =	vst v63  }
0x37: {  	_ =	swait.ge [sflag:s8], $0x6400  }
0x38: {  	[sflag:s8] =	ssyncset.done $0x0  }
0x39: {  	s9 =	simm.s32 $0x6400;
	s10 =	rddreg [dreg:$0x7];
	[sflag:s8] =	ssyncadd.s32 $0xFFFF9C00  }
0x3a: {  	[tilespmem:s9], [sflag:$0x7] =	stream.strided.gather [hbm4b:s10+s13], $0x6400, s14, s13, $0x38;
	[tilespmem:$0x1B800] =	vst v63  }
0x3b: {  	_ =	swait.ge [sflag:s8], $0x6400  }
0x3c: {  	[sflag:s8] =	ssyncset.done $0x0  }
0x3d: {  	s11 =	simm.s32 $0x80;
	[sflag:s8] =	ssyncadd.s32 $0xFFFF9C00  }
0x3e: {  	[tilespmem:s18], [sflag:$0x1] =	stream.indirect.gather [hbm4b:s4+s11], $0x40, s5, s11, $0xb8;
	[tilespmem:$0x1B800] =	vst v63  }
0x3f: {  	_ = 	snop  }
0x40: {  	[tilespmem:s19], [sflag:$0x1] =	stream.indirect.gather [hbm4b:s6+s11], $0x10, s9, s11, $0xb8;
	[tilespmem:$0x1B800] =	vst v63  }
0x41: {  	_ = 	snop  }
0x42: {  	[tilespmem:s20], [sflag:$0x2] =	stream.indirect.gather [hbm4b:s4+s11], $0x40, s11, s11, $0xb8;
	[tilespmem:$0x1B800] =	vst v63  }
0x43: {  	s12 =	simm.s32 $0x6480  }
0x44: {  	[tilespmem:s22], [sflag:$0x2] =	stream.indirect.gather [hbm4b:s6+s11], $0x10, s12, s11, $0xb8;
	[tilespmem:$0x1B800] =	vst v63  }
0x45: {  	s15 =	simm.s32 $0x100  }
0x46: {  	[tilespmem:s24], [sflag:$0x3] =	stream.indirect.gather [hbm4b:s4+s11], $0x40, s15, s11, $0xb8;
	[tilespmem:$0x1B800] =	vst v63  }
0x47: {  	s16 =	simm.s32 $0x6500  }
0x48: {  	[tilespmem:s26], [sflag:$0x3] =	stream.indirect.gather [hbm4b:s6+s11], $0x10, s16, s11, $0xb8;
	[tilespmem:$0x1B800] =	vst v63  }
0x49: {  	s17 =	simm.s32 $0x180  }
0x4a: {  	[tilespmem:s29], [sflag:$0x4] =	stream.indirect.gather [hbm4b:s4+s11], $0x40, s17, s11, $0xb8;
	[tilespmem:$0x1B800] =	vst v63  }
0x4b: {  	s28 =	simm.s32 $0x6580;
	s7 =	simm.s32 $0x0  }
0x4c: {  	[tilespmem:s31], [sflag:$0x4] =	stream.indirect.gather [hbm4b:s6+s11], $0x10, s28, s11, $0xb8;
	[tilespmem:$0x1B800] =	vst v63  }
.LBB2_2:
0x4d: {  	s5 =	simm.s32 $0x0  }
0x4e: {  	s8 =	simm.s32 $0x7;
	s11 =	simm.s32 $0x4;
	s12 =	simm.s32 $0x5;
	v15 =	vadd.s32 s5, v0  }
0x4f: {  	s16 =	simm.s32 $0x1;
	s15 =	simm.s32 $0x2;
	v16 =	vadd.s32 s8, v0;
	v18 =	vadd.s32 s11, v0;
	v19 =	vadd.s32 s12, v0  }
0x50: {  	s17 =	simm.s32 $0x3;
	s28 =	simm.s32 $0x6;
	v20 =	vadd.s32 s16, v0;
	v21 =	vadd.s32 s15, v0;
	v17 =	vand.u32 $0x7F, v15  }
0x51: {  	v24 =	vadd.s32 s17, v0;
	v41 =	vadd.s32 s28, v0;
	v15 =	vor.u32 v12, v17  }
0x52: {  	v34 =	vand.u32 $0x7, v19;
	v29 =	vand.u32 $0x7F, v20;
	v39 =	vand.u32 $0x3F8, v15  }
0x53: {  	v33 =	vand.u32 $0x7F, v21;
	v23 =	vand.u32 $0x7, v16;
	v7 =	vor.u32 v7, v39  }
0x54: {  	v36 =	vand.u32 $0x7F, v16;
	v42 =	vand.u32 $0x7F, v24;
	v6 =	vor.u32 v6, v39;
	[tilespmem:$0x1FF00] =	vst v7  }
0x55: {  	v31 =	vand.u32 $0x7, v18;
	v24 =	vand.u32 $0x7, v24;
	v18 =	vand.u32 $0x7F, v18;
	[tilespmem:$0x1FF10] =	vst v6  }
0x56: {  	v21 =	vand.u32 $0x7, v21;
	v19 =	vand.u32 $0x7F, v19;
	v20 =	vand.u32 $0x7, v20;
	_ =	swait.ge [sflag:s0], $0x2000  }
0x57: {  	v53 =	vand.u32 $0x7F, v41;
	v61 =	vshll.u32 v29, $0x6;
	v14 =	vshll.u32 v17, $0x4;
	[sflag:s0] =	ssyncset.done $0x0  }
0x58: {  	v13 =	vshll.u32 v33, $0x6;
	v22 =	vor.u32 v12, v33;
	v44 =	vshll.u32 v42, $0x6;
	[sflag:s0] =	ssyncadd.s32 $0xFFFFE000  }
0x59: {  	v16 =	vor.u32 v12, v42;
	v45 =	vshll.u32 v17, $0x6;
	v17 =	vor.u32 v12, v29;
	_ =	swait.ge [sflag:s0], $0x800  }
0x5a: {  	p1 =	seq.s32 s7, $0x0;
	v28 =	vor.u32 v12, v18;
	v50 =	vor.u32 v12, v36;
	v26 =	vor.u32 v0, v61;
	[sflag:s0] =	ssyncset.done $0x0  }
0x5b: {  	s5 =	simm.s32 @!p1 $0x5;
	v27 =	vor.u32 v0, v13;
	v38 =	vor.u32 v0, v44;
	v22 =	vand.u32 $0x3F8, v22;
	[sflag:s0] =	ssyncadd.s32 $0xFFFFF800  }
0x5c: {  	v40 =	vor.u32 v0, v45;
	v17 =	vand.u32 $0x3F8, v17;
	v8 =	vand.u32 $0x3F8, v50;
	_ =	swait.ge @!p1 [sflag:s5], $0x2800  }
0x5d: {  	v35 =	vor.u32 v25, v39;
	v25 =	vand.u32 $0x3F8, v16;
	v23 =	vor.u32 v23, v8;
	v8 =	vld [tilespmem:$0x1FFB0]  }
0x5e: {  	v20 =	vor.u32 v20, v17;
	v17 =	vand.u32 $0x3F8, v28;
	v28 =	vshll.u32 v36, $0x6;
	[sflag:s5] =	ssyncset.done @!p1 $0x0  }
0x5f: {  	v24 =	vor.u32 v24, v25;
	v25 =	vor.u32 v21, v22;
	v22 =	vshll.u32 v18, $0x6;
	[sflag:s5] =	ssyncadd.s32 @!p1 $0xFFFFD800  }
0x60: {  	v21 =	vor.u32 v31, v17;
	v17 =	vor.u32 v0, v28;
	v47 =	vor.u32 v1, v24;
	v38 =	vld.idx.msk [tilespmem:v38+s18+$0x0], $0xffff  }
0x61: {  	v56 =	vand.u32 $0x7, v41;
	v54 =	vor.u32 v1, v20;
	v55 =	vor.u32 v0, v22;
	v52 =	vld.idx.msk [tilespmem:v26+s18+$0x0], $0xffff  }
0x62: {  	v49 =	vor.u32 v12, v19;
	v57 =	vor.u32 v3, v61;
	v6 =	vor.u32 v8, v45  }
0x63: {  	v30 =	vshll.u32 v53, $0x6;
	v32 =	vor.u32 v12, v53;
	v48 =	vor.u32 v3, v44;
	v59 =	vld.idx.msk [tilespmem:v27+s18+$0x0], $0xffff;
	[tilespmem:$0x1FF20] =	vst v6  }
0x64: {  	v46 =	vor.u32 v3, v13;
	v51 =	vor.u32 v0, v30;
	v63 =	vand.u32 $0x3F8, v32;
	v32 =	vld.idx.msk [tilespmem:v40+s18+$0x0], $0xffff  }
0x65: {  	v60 =	vshll.u32 v19, $0x6;
	v49 =	vand.u32 $0x3F8, v49;
	v58 =	vor.u32 v1, v25;
	[tilespmem:v47+s3+$0x0] =	vst.idx.msk $0xffff, v38;
	v47 =	vld.idx.msk [tilespmem:v17+s18+$0x0], $0xffff  }
0x66: {  	v15 =	vor.u32 v5, v44;
	v41 =	vor.u32 v3, v60;
	[tilespmem:v54+s3+$0x0] =	vst.idx.msk $0xffff, v52;
	v55 =	vld.idx.msk [tilespmem:v55+s18+$0x0], $0xffff  }
0x67: {  	v16 =	vor.u32 v3, v30;
	v62 =	vor.u32 v1, v23;
	v38 =	vor.u32 v34, v49;
	v54 =	vld.idx.msk [tilespmem:v57+s18+$0x0], $0xffff  }
0x68: {  	v7 =	vor.u32 v3, v28;
	v57 =	vor.u32 v9, v20;
	v37 =	vld.idx.msk [tilespmem:v48+s18+$0x0], $0xffff;
	v6 =	vor.u32 v11, v38  }
0x69: {  	v50 =	vor.u32 v9, v24;
	v26 =	vor.u32 v5, v22;
	v52 =	vor.u32 v0, v60;
	v17 =	vld [tilespmem:$0x1FF50];
	[tilespmem:$0x1FF30] =	vst v6  }
0x6a: {  	v40 =	vshll.u32 v29, $0x4;
	v29 =	vor.u32 v56, v63;
	v56 =	vor.u32 v1, v21;
	[tilespmem:v58+s3+$0x0] =	vst.idx.msk $0xffff, v59  }
0x6b: {  	v48 =	vor.u32 v5, v28;
	v6 =	vor.u32 v11, v25;
	[tilespmem:v35+s3+$0x0] =	vst.idx.msk $0xffff, v32  }
0x6c: {  	v58 =	vor.u32 v3, v45;
	v59 =	vor.u32 v1, v29;
	v63 =	vld.idx.msk [tilespmem:v51+s18+$0x0], $0xffff;
	[tilespmem:$0x1FF40] =	vst v6  }
0x6d: {  	v43 =	vshll.u32 v33, $0x4;
	v51 =	vor.u32 v9, v29;
	v32 =	vor.u32 v5, v61;
	[tilespmem:v57+s3+$0x0] =	vst.idx.msk $0xffff, v54  }
0x6e: {  	v35 =	vor.u32 v2, v39;
	v49 =	vor.u32 v17, v24;
	v33 =	vld.idx.msk [tilespmem:v46+s18+$0x0], $0xffff;
	[tilespmem:v62+s3+$0x0] =	vst.idx.msk $0xffff, v47  }
0x6f: {  	v46 =	vor.u32 v9, v25;
	v57 =	vld.idx.msk [tilespmem:v52+s18+$0x0], $0xffff;
	v62 =	vor.u32 v1, v38;
	[tilespmem:v50+s3+$0x0] =	vst.idx.msk $0xffff, v37  }
0x70: {  	v37 =	vshll.u32 v42, $0x4;
	v50 =	vor.u32 v9, v23;
	[tilespmem:v56+s3+$0x0] =	vst.idx.msk $0xffff, v55;
	v42 =	vor.u32 v3, v22  }
0x71: {  	v31 =	vmovc v5;
	v56 =	vor.u32 v5, v13;
	v52 =	vor.u32 v8, v44;
	v54 =	vor.u32 v9, v21  }
0x72: {  	v47 =	vor.u32 v5, v60;
	v55 =	vor.u32 v5, v30;
	v44 =	vor.u32 v0, v14;
	v34 =	vld.idx.msk [tilespmem:v58+s18+$0x0], $0xffff  }
0x73: {  	v27 =	vshll.u32 v36, $0x4;
	[tilespmem:v59+s3+$0x0] =	vst.idx.msk $0xffff, v63;
	v63 =	vshll.u32 v53, $0x4;
	v53 =	vor.u32 v5, v45;
	v59 =	vld.idx.msk [tilespmem:v15+s18+$0x0], $0xffff  }
0x74: {  	v36 =	vshll.u32 v18, $0x4;
	v5 =	vmov v3;
	v58 =	vld.idx.msk [tilespmem:v32+s18+$0x0], $0xffff;
	v32 =	vor.u32 v0, v63;
	[tilespmem:v46+s3+$0x0] =	vst.idx.msk $0xffff, v33  }
0x75: {  	v3 =	vmov v12;
	v63 =	vor.u32 v17, v20;
	v33 =	vor.u32 v11, v24;
	[tilespmem:v62+s3+$0x0] =	vst.idx.msk $0xffff, v57  }
0x76: {  	v46 =	vor.u32 v0, v37;
	v62 =	vor.u32 v8, v61;
	v37 =	vor.u32 v0, v43;
	v61 =	vld.idx.msk [tilespmem:v42+s18+$0x0], $0xffff  }
0x77: {  	v57 =	vor.u32 v17, v25;
	v42 =	vor.u32 v8, v60;
	v60 =	vld.idx.msk [tilespmem:v16+s18+$0x0], $0xffff;
	v43 =	vor.u32 v4, v39  }
0x78: {  	s8 =	sshll.u32 s7, $0x9;
	s12 =	simm.s32 $0x8;
	v39 =	vor.u32 v8, v13;
	[tilespmem:v35+s3+$0x0] =	vst.idx.msk $0xffff, v34;
	v34 =	vor.u32 v10, v38;
	v35 =	vld.idx.msk [tilespmem:v7+s18+$0x0], $0xffff  }
.LBB2_3:
0x79: {  	_ = 	snop  }
0x7a: {  	v56 =	vld.idx.msk [tilespmem:v56+s18+$0x0], $0xffff  }
0x7b: {  	v13 =	vld [tilespmem:$0x1FF90]  }
0x7c: {  	v14 =	vld [tilespmem:$0x1FFA0]  }
0x7d: {  	[tilespmem:v63+s3+$0x0] =	vst.idx.msk $0xffff, v58  }
0x7e: {  	[tilespmem:v49+s3+$0x0] =	vst.idx.msk $0xffff, v59  }
0x7f: {  	v59 =	vor.u32 v10, v20;
	[tilespmem:v51+s3+$0x0] =	vst.idx.msk $0xffff, v60;
	v58 =	vld.idx.msk [tilespmem:v62+s18+$0x0], $0xffff  }
0x80: {  	v41 =	vld.idx.msk [tilespmem:v41+s18+$0x0], $0xffff;
	v51 =	vor.u32 v13, v38;
	[tilespmem:v57+s3+$0x0] =	vst.idx.msk $0xffff, v56  }
0x81: {  	v45 =	vor.u32 v0, v40;
	v25 =	vor.u32 v10, v25;
	v63 =	vor.u32 v14, v20;
	v20 =	vld.idx.msk [tilespmem:v39+s18+$0x0], $0xffff  }
0x82: {  	v2 =	vld [tilespmem:$0x1FF20];
	[tilespmem:v54+s3+$0x0] =	vst.idx.msk $0xffff, v61  }
0x83: {  	s5 =	smov.u32 s12;
	v9 =	vld [tilespmem:$0x1FFE0];
	[tilespmem:v50+s3+$0x0] =	vst.idx.msk $0xffff, v35  }
0x84: {  	v52 =	vld.idx.msk [tilespmem:v52+s18+$0x0], $0xffff;
	[tilespmem:v59+s3+$0x0] =	vst.idx.msk $0xffff, v58;
	v59 =	vadd.s32 s5, v0  }
0x85: {  	v50 =	vld.idx.msk [tilespmem:v26+s18+$0x0], $0xffff;
	[tilespmem:v51+s3+$0x0] =	vst.idx.msk $0xffff, v41;
	v51 =	vand.u32 $0x7F, v59  }
0x86: {  	v56 =	vld.idx.msk [tilespmem:v45+s19+$0x0], $0xffff;
	[tilespmem:v25+s3+$0x0] =	vst.idx.msk $0xffff, v20;
	v25 =	vor.u32 v3, v51  }
0x87: {  	v24 =	vor.u32 v10, v24;
	v6 =	vld.idx.msk [tilespmem:v37+s19+$0x0], $0xffff;
	v45 =	vand.u32 $0x3F8, v25  }
0x88: {  	v40 =	vor.u32 v0, v36;
	v61 =	vor.u32 v17, v21;
	v37 =	vor.u32 v9, v45;
	v9 =	vld [tilespmem:$0x1FF70]  }
0x89: {  	v30 =	vor.u32 v8, v30;
	v28 =	vor.u32 v8, v28;
	v12 =	vor.u32 v17, v29;
	v54 =	vld.idx.msk [tilespmem:v55+s18+$0x0], $0xffff  }
0x8a: {  	v53 =	vld.idx.msk [tilespmem:v53+s18+$0x0], $0xffff;
	v19 =	vshll.u32 v19, $0x4;
	v22 =	vor.u32 v8, v22;
	v27 =	vor.u32 v0, v27  }
0x8b: {  	v49 =	vor.u32 v17, v23;
	v60 =	vor.u32 v17, v38;
	v62 =	vor.u32 v0, v19;
	v19 =	vld.idx.msk [tilespmem:v48+s18+$0x0], $0xffff  }
0x8c: {  	v36 =	vor.u32 v14, v21;
	v7 =	vor.u32 v14, v29;
	[tilespmem:v24+s3+$0x0] =	vst.idx.msk $0xffff, v52  }
0x8d: {  	v38 =	vor.u32 v14, v23;
	[tilespmem:v61+s3+$0x0] =	vst.idx.msk $0xffff, v50;
	v50 =	vor.u32 v9, v45;
	v9 =	vld [tilespmem:$0x1FF10]  }
0x8e: {  	s10 =	sadd.s32 $0x5, s5;
	v23 =	vor.u32 v10, v23;
	v21 =	vor.u32 v10, v21;
	[tilespmem:v12+s3+$0x0] =	vst.idx.msk $0xffff, v54;
	v24 =	vld.idx.msk [tilespmem:v47+s18+$0x0], $0xffff  }
0x8f: {  	s16 =	sadd.s32 $0x7, s5;
	s28 =	sadd.s32 $0x1, s5;
	v29 =	vor.u32 v10, v29;
	v57 =	vadd.s32 s10, v0;
	[tilespmem:v43+s3+$0x0] =	vst.idx.msk $0xffff, v53;
	v30 =	vld.idx.msk [tilespmem:v30+s18+$0x0], $0xffff  }
0x90: {  	s9 =	sadd.s32 $0x4, s5;
	s11 =	sadd.s32 $0x2, s5;
	v48 =	vand.u32 $0x7, v57;
	v26 =	vld.idx.msk [tilespmem:v2+s18+$0x0], $0xffff;
	v41 =	vadd.s32 s16, v0;
	v54 =	vadd.s32 s28, v0;
	[tilespmem:v49+s3+$0x0] =	vst.idx.msk $0xffff, v19  }
0x91: {  	v52 =	vadd.s32 s9, v0;
	v12 =	vadd.s32 s11, v0;
	v53 =	vand.u32 $0x7F, v54;
	v20 =	vld.idx.msk [tilespmem:v28+s18+$0x0], $0xffff  }
0x92: {  	v1 =	vld [tilespmem:$0x1FFF0];
	s15 =	sadd.s32 $0x6, s5;
	s5 =	sadd.s32 $0x3, s5;
	v47 =	vand.u32 $0x7F, v12;
	v58 =	vand.u32 $0x7, v41;
	v41 =	vand.u32 $0x7F, v41  }
0x93: {  	v2 =	vadd.s32 s5, v0;
	v4 =	vand.u32 $0x7, v52;
	v22 =	vld.idx.msk [tilespmem:v22+s18+$0x0], $0xffff;
	v52 =	vand.u32 $0x7F, v52;
	[tilespmem:v60+s3+$0x0] =	vst.idx.msk $0xffff, v24  }
0x94: {  	v19 =	vld.idx.msk [tilespmem:v46+s19+$0x0], $0xffff;
	v35 =	vshll.u32 v51, $0x4;
	v43 =	vshll.u32 v53, $0x6;
	v28 =	vor.u32 v3, v47;
	[tilespmem:v29+s3+$0x0] =	vst.idx.msk $0xffff, v30  }
0x95: {  	v39 =	vshll.u32 v47, $0x6;
	v60 =	vand.u32 $0x7F, v2;
	v25 =	vld.idx.msk [tilespmem:v42+s18+$0x0], $0xffff;
	[tilespmem:v9+s3+$0x0] =	vst.idx.msk $0xffff, v26;
	v26 =	vor.u32 v3, v53  }
0x96: {  	v49 =	vor.u32 v0, v43;
	[tilespmem:v23+s3+$0x0] =	vst.idx.msk $0xffff, v20;
	v46 =	vshll.u32 v60, $0x6;
	v20 =	vand.u32 $0x3F8, v26;
	v26 =	vld.idx.msk [tilespmem:v32+s19+$0x0], $0xffff  }
0x97: {  	v59 =	vor.u32 v0, v39;
	v28 =	vand.u32 $0x3F8, v28;
	v61 =	vor.u32 v0, v46;
	v9 =	vld [tilespmem:$0x1FF60]  }
0x98: {  	v2 =	vand.u32 $0x7, v2;
	v30 =	vand.u32 $0x7, v12;
	v12 =	vor.u32 v3, v52;
	[tilespmem:v21+s3+$0x0] =	vst.idx.msk $0xffff, v22  }
0x99: {  	[tilespmem:v33+s3+$0x0] =	vst.idx.msk $0xffff, v19;
	v19 =	vand.u32 $0x7F, v57;
	v23 =	vand.u32 $0x7, v54;
	v24 =	vor.u32 v3, v60;
	v40 =	vld.idx.msk [tilespmem:v40+s19+$0x0], $0xffff  }
0x9a: {  	v33 =	vor.u32 v5, v39;
	v22 =	vshll.u32 v52, $0x6;
	v24 =	vand.u32 $0x3F8, v24;
	[tilespmem:v34+s3+$0x0] =	vst.idx.msk $0xffff, v25;
	v34 =	vld.idx.msk [tilespmem:v27+s19+$0x0], $0xffff  }
0x9b: {  	v42 =	vshll.u32 v51, $0x6;
	v21 =	vand.u32 $0x3F8, v12;
	v24 =	vor.u32 v2, v24;
	[tilespmem:v7+s3+$0x0] =	vst.idx.msk $0xffff, v26;
	v7 =	vld [tilespmem:$0x1FF40]  }
0x9c: {  	v12 =	vor.u32 v3, v41;
	v61 =	vld.idx.msk [tilespmem:v61+s18+$0x0], $0xffff;
	v32 =	vor.u32 v1, v24;
	v9 =	vor.u32 v9, v45  }
0x9d: {  	v29 =	vor.u32 v0, v42;
	v54 =	vor.u32 v5, v46;
	v2 =	vadd.s32 s15, v0;
	[tilespmem:$0x1FF10] =	vst v9;
	v9 =	vld [tilespmem:$0x1FF00]  }
0x9e: {  	v21 =	vor.u32 v4, v21;
	v55 =	vand.u32 $0x7F, v2;
	v2 =	vand.u32 $0x7, v2  }
0x9f: {  	[tilespmem:v63+s3+$0x0] =	vst.idx.msk $0xffff, v56;
	v17 =	vor.u32 v3, v55;
	v25 =	vor.u32 v30, v28;
	v30 =	vshll.u32 v55, $0x6  }
0xa0: {  	v28 =	vshll.u32 v41, $0x6;
	[tilespmem:v36+s3+$0x0] =	vst.idx.msk $0xffff, v40;
	v36 =	vshll.u32 v52, $0x4;
	v52 =	vor.u32 v8, v46;
	v51 =	vld.idx.msk [tilespmem:v44+s19+$0x0], $0xffff  }
0xa1: {  	v27 =	vld.idx.msk [tilespmem:v62+s19+$0x0], $0xffff;
	v4 =	vor.u32 v0, v30;
	v56 =	vor.u32 v0, v28;
	[tilespmem:v32+s3+$0x0] =	vst.idx.msk $0xffff, v61  }
0xa2: {  	v62 =	vor.u32 v13, v24;
	v15 =	vor.u32 v5, v28;
	[tilespmem:v38+s3+$0x0] =	vst.idx.msk $0xffff, v34;
	v61 =	vld.idx.msk [tilespmem:v54+s18+$0x0], $0xffff  }
0xa3: {  	v40 =	vshll.u32 v53, $0x4;
	v16 =	vor.u32 v5, v30;
	v20 =	vor.u32 v23, v20;
	[tilespmem:v7+s3+$0x0] =	vst.idx.msk $0xffff, v6;
	v7 =	vld [tilespmem:$0x1FF30]  }
0xa4: {  	v34 =	vor.u32 v5, v43;
	v23 =	vor.u32 v3, v19;
	v18 =	vor.u32 v1, v20  }
0xa5: {  	v57 =	vand.u32 $0x3F8, v23;
	[tilespmem:v9+s3+$0x0] =	vst.idx.msk $0xffff, v51;
	v9 =	vmov v50;
	v50 =	vor.u32 v0, v22;
	v6 =	vld.idx.msk [tilespmem:v49+s18+$0x0], $0xffff  }
0xa6: {  	v53 =	vor.u32 v5, v42;
	v44 =	vshll.u32 v19, $0x6;
	v38 =	vor.u32 v48, v57;
	v57 =	vld.idx.msk [tilespmem:v56+s18+$0x0], $0xffff  }
0xa7: {  	v10 =	vor.u32 v0, v44;
	v48 =	vor.u32 v31, v28;
	v4 =	vld.idx.msk [tilespmem:v4+s18+$0x0], $0xffff;
	v51 =	vand.u32 $0x3F8, v12  }
0xa8: {  	[tilespmem:v62+s3+$0x0] =	vst.idx.msk $0xffff, v61;
	v23 =	vor.u32 v58, v51;
	v51 =	vld.idx.msk [tilespmem:v59+s18+$0x0], $0xffff;
	v58 =	vor.u32 v1, v25  }
0xa9: {  	v17 =	vand.u32 $0x3F8, v17;
	v56 =	vor.u32 v31, v39;
	v39 =	vor.u32 v8, v39;
	[tilespmem:$0x1FF00] =	vst v9;
	v9 =	vld.idx.msk [tilespmem:v29+s18+$0x0], $0xffff  }
0xaa: {  	v29 =	vor.u32 v2, v17;
	v63 =	vor.u32 v1, v23;
	[tilespmem:v18+s3+$0x0] =	vst.idx.msk $0xffff, v6;
	v2 =	vld.idx.msk [tilespmem:v50+s18+$0x0], $0xffff  }
0xab: {  	v6 =	vor.u32 v1, v21;
	v34 =	vld.idx.msk [tilespmem:v34+s18+$0x0], $0xffff;
	[tilespmem:v7+s3+$0x0] =	vst.idx.msk $0xffff, v27;
	v7 =	vor.u32 v8, v42  }
0xac: {  	v26 =	vor.u32 v31, v22;
	v17 =	vshll.u32 v47, $0x4;
	v47 =	vor.u32 v13, v20;
	[tilespmem:$0x1FF20] =	vst v7;
	v7 =	vld [tilespmem:$0x1FF50]  }
0xad: {  	v32 =	vshll.u32 v55, $0x4;
	v55 =	vor.u32 v31, v43;
	v54 =	vor.u32 v13, v21;
	[tilespmem:v58+s3+$0x0] =	vst.idx.msk $0xffff, v51;
	v58 =	vld [tilespmem:$0x1FFC0]  }
0xae: {  	v32 =	vor.u32 v0, v32;
	[tilespmem:v37+s3+$0x0] =	vst.idx.msk $0xffff, v9;
	v37 =	vor.u32 v0, v17;
	v17 =	vld [tilespmem:$0x1FF50]  }
0xaf: {  	v62 =	vor.u32 v8, v43;
	[tilespmem:v63+s3+$0x0] =	vst.idx.msk $0xffff, v57;
	v9 =	vld.idx.msk [tilespmem:v10+s18+$0x0], $0xffff;
	v10 =	vor.u32 v1, v38  }
0xb0: {  	v59 =	vor.u32 v31, v46;
	v11 =	vor.u32 v1, v29;
	v18 =	vld.idx.msk [tilespmem:v33+s18+$0x0], $0xffff;
	[tilespmem:v6+s3+$0x0] =	vst.idx.msk $0xffff, v2  }
0xb1: {  	v60 =	vshll.u32 v60, $0x4;
	v63 =	vld [tilespmem:$0x1FF50];
	[tilespmem:v47+s3+$0x0] =	vst.idx.msk $0xffff, v34;
	v49 =	vor.u32 v7, v24;
	v7 =	vor.u32 v14, v38  }
0xb2: {  	v12 =	vor.u32 v5, v22;
	v46 =	vor.u32 v0, v60;
	v2 =	vld [tilespmem:$0x1FFD0];
	[tilespmem:$0x1FF30] =	vst v7;
	v7 =	vor.u32 v14, v25  }
0xb3: {  	v50 =	vor.u32 v13, v23;
	v34 =	vld.idx.msk [tilespmem:v53+s18+$0x0], $0xffff;
	[tilespmem:$0x1FF40] =	vst v7;
	v7 =	vor.u32 v13, v25  }
0xb4: {  	p0 =	slt.u32 s12, $0x78;
	v51 =	vor.u32 v13, v29;
	[tilespmem:v10+s3+$0x0] =	vst.idx.msk $0xffff, v9;
	v10 =	vld [tilespmem:$0x1FF80];
	v13 =	vor.u32 v58, v45  }
.Ltmp2:
0xb5: {  	v59 =	vld.idx.msk [tilespmem:v59+s18+$0x0], $0xffff;
	v33 =	vor.u32 v14, v24;
	[tilespmem:v11+s3+$0x0] =	vst.idx.msk $0xffff, v4;
	v27 =	vshll.u32 v41, $0x4;
	(pc) =	sbr.rel @p0 .LBB2_3-.Ltmp2, $4  }
0xb6: {  	v41 =	vor.u32 v5, v44;
	v60 =	vld.idx.msk [tilespmem:v16+s18+$0x0], $0xffff;
	v47 =	vor.u32 v31, v44;
	v53 =	vor.u32 v31, v42  }
0xb7: {  	v61 =	vld.idx.msk [tilespmem:v12+s18+$0x0], $0xffff;
	v57 =	vor.u32 v17, v25;
	v42 =	vor.u32 v8, v44;
	v44 =	vor.u32 v0, v35  }
0xb8: {  	v35 =	vld.idx.msk [tilespmem:v15+s18+$0x0], $0xffff;
	v63 =	vor.u32 v63, v20;
	v43 =	vor.u32 v2, v45;
	[tilespmem:v7+s3+$0x0] =	vst.idx.msk $0xffff, v18  }
0xb9: {  	s12 =	sadd.s32 $0x8, s12;
	v58 =	vld.idx.msk [tilespmem:v55+s18+$0x0], $0xffff;
	v55 =	vor.u32 v31, v30;
	[tilespmem:v13+s3+$0x0] =	vst.idx.msk $0xffff, v34;
	v34 =	vor.u32 v10, v38  }
0xba: {  	_ =	sdelay $0x3  }
0xbb: {  	[tilespmem:v49+s3+$0x0] =	vst.idx.msk $0xffff, v59  }
0xbc: {  	[tilespmem:v54+s3+$0x0] =	vst.idx.msk $0xffff, v61  }
0xbd: {  	[tilespmem:v63+s3+$0x0] =	vst.idx.msk $0xffff, v58  }
0xbe: {  	v59 =	vld [tilespmem:$0x1FF90]  }
0xbf: {  	v11 =	vld [tilespmem:$0x1FF80];
	_ =	sdelay $0x1  }
0xc0: {  	v2 =	vld.idx.msk [tilespmem:v56+s18+$0x0], $0xffff  }
0xc1: {  	v6 =	vor.u32 v10, v20;
	v4 =	vld.idx.msk [tilespmem:v62+s18+$0x0], $0xffff  }
0xc2: {  	v7 =	vld.idx.msk [tilespmem:v41+s18+$0x0], $0xffff;
	v9 =	vor.u32 v59, v38  }
0xc3: {  	v10 =	vld.idx.msk [tilespmem:v52+s18+$0x0], $0xffff;
	[tilespmem:v51+s3+$0x0] =	vst.idx.msk $0xffff, v60;
	v11 =	vor.u32 v11, v24  }
0xc4: {  	v12 =	vld.idx.msk [tilespmem:v53+s18+$0x0], $0xffff;
	[tilespmem:v50+s3+$0x0] =	vst.idx.msk $0xffff, v35  }
0xc5: {  	v15 =	vor.u32 v17, v29;
	[tilespmem:v57+s3+$0x0] =	vst.idx.msk $0xffff, v2;
	v13 =	vld.idx.msk [tilespmem:v55+s18+$0x0], $0xffff  }
0xc6: {  	[tilespmem:v6+s3+$0x0] =	vst.idx.msk $0xffff, v4  }
0xc7: {  	v4 =	vld [tilespmem:$0x1FF80];
	[tilespmem:v9+s3+$0x0] =	vst.idx.msk $0xffff, v7  }
0xc8: {  	v14 =	vld [tilespmem:$0x1FF50];
	[tilespmem:v11+s3+$0x0] =	vst.idx.msk $0xffff, v10  }
0xc9: {  	v10 =	vld [tilespmem:$0x1FF50];
	[tilespmem:v43+s3+$0x0] =	vst.idx.msk $0xffff, v12  }
0xca: {  	v16 =	vor.u32 v17, v23;
	v17 =	vld.idx.msk [tilespmem:v48+s18+$0x0], $0xffff;
	[tilespmem:v15+s3+$0x0] =	vst.idx.msk $0xffff, v13  }
0xcb: {  	v2 =	vor.u32 v8, v30;
	v7 =	vor.u32 v8, v28;
	v11 =	vor.u32 v8, v22;
	v8 =	vld [tilespmem:$0x1FF20]  }
0xcc: {  	v6 =	vld.idx.msk [tilespmem:v39+s18+$0x0], $0xffff;
	v4 =	vor.u32 v4, v25;
	_ =	sdelay $0x1  }
0xcd: {  	v9 =	vld.idx.msk [tilespmem:v26+s18+$0x0], $0xffff;
	v18 =	vor.u32 v14, v21  }
0xce: {  	v22 =	vld.idx.msk [tilespmem:v47+s18+$0x0], $0xffff;
	v10 =	vor.u32 v10, v38  }
0xcf: {  	v13 =	vld [tilespmem:$0x1FF80];
	[tilespmem:v16+s3+$0x0] =	vst.idx.msk $0xffff, v17  }
0xd0: {  	[tilespmem:v4+s3+$0x0] =	vst.idx.msk $0xffff, v6  }
0xd1: {  	v6 =	vld [tilespmem:$0x1FF80]  }
0xd2: {  	v12 =	vld.idx.msk [tilespmem:v8+s18+$0x0], $0xffff;
	[tilespmem:v18+s3+$0x0] =	vst.idx.msk $0xffff, v9  }
0xd3: {  	v9 =	vld [tilespmem:$0x1FF80];
	[tilespmem:v10+s3+$0x0] =	vst.idx.msk $0xffff, v22  }
0xd4: {  	v8 =	vld [tilespmem:$0x1FF10];
	_ =	sdelay $0x1  }
0xd5: {  	v2 =	vld.idx.msk [tilespmem:v2+s18+$0x0], $0xffff;
	v13 =	vor.u32 v13, v29;
	_ =	sdelay $0x1  }
0xd6: {  	v4 =	vld.idx.msk [tilespmem:v46+s19+$0x0], $0xffff  }
0xd7: {  	v7 =	vld.idx.msk [tilespmem:v7+s18+$0x0], $0xffff;
	v6 =	vor.u32 v6, v23  }
0xd8: {  	v10 =	vld.idx.msk [tilespmem:v11+s18+$0x0], $0xffff;
	v9 =	vor.u32 v9, v21  }
0xd9: {  	v11 =	vor.u32 v0, v36;
	v17 =	vld.idx.msk [tilespmem:v42+s18+$0x0], $0xffff;
	[tilespmem:v13+s3+$0x0] =	vst.idx.msk $0xffff, v2  }
0xda: {  	[tilespmem:v8+s3+$0x0] =	vst.idx.msk $0xffff, v12  }
0xdb: {  	v8 =	vld [tilespmem:$0x1FFA0];
	[tilespmem:v33+s3+$0x0] =	vst.idx.msk $0xffff, v4  }
0xdc: {  	[tilespmem:v6+s3+$0x0] =	vst.idx.msk $0xffff, v7  }
0xdd: {  	[tilespmem:v9+s3+$0x0] =	vst.idx.msk $0xffff, v10  }
0xde: {  	v56 =	vor.u32 v0, v40;
	[tilespmem:v34+s3+$0x0] =	vst.idx.msk $0xffff, v17;
	v10 =	vld.idx.msk [tilespmem:v11+s19+$0x0], $0xffff  }
0xdf: {  	v11 =	vld [tilespmem:$0x1FF00];
	_ =	sdelay $0x1  }
0xe0: {  	v16 =	vshll.u32 v19, $0x4  }
0xe1: {  	v57 =	vor.u32 v0, v16;
	v16 =	vld.idx.msk [tilespmem:v44+s19+$0x0], $0xffff  }
0xe2: {  	v58 =	vld.idx.msk [tilespmem:v56+s19+$0x0], $0xffff;
	v2 =	vor.u32 v8, v20  }
0xe3: {  	v6 =	vld.idx.msk [tilespmem:v32+s19+$0x0], $0xffff;
	v4 =	vor.u32 v8, v29;
	_ =	sdelay $0x2  }
0xe4: {  	[tilespmem:v11+s3+$0x0] =	vst.idx.msk $0xffff, v16  }
0xe5: {  	[tilespmem:v2+s3+$0x0] =	vst.idx.msk $0xffff, v58  }
0xe6: {  	[tilespmem:v4+s3+$0x0] =	vst.idx.msk $0xffff, v6  }
0xe7: {  	v4 =	vld [tilespmem:$0x1FF40];
	_ =	sdelay $0x1  }
0xe8: {  	v9 =	vor.u32 v8, v21  }
0xe9: {  	v7 =	vld.idx.msk [tilespmem:v37+s19+$0x0], $0xffff;
	_ =	sdelay $0x2  }
0xea: {  	v60 =	vor.u32 v0, v27  }
0xeb: {  	[tilespmem:v9+s3+$0x0] =	vst.idx.msk $0xffff, v10  }
0xec: {  	[tilespmem:v4+s3+$0x0] =	vst.idx.msk $0xffff, v7  }
0xed: {  	v10 =	vld [tilespmem:$0x1FF30];
	_ =	sdelay $0x1  }
0xee: {  	v15 =	vld.idx.msk [tilespmem:v60+s19+$0x0], $0xffff;
	v61 =	vor.u32 v8, v23  }
0xef: {  	v11 =	vld.idx.msk [tilespmem:v57+s19+$0x0], $0xffff;
	_ =	sdelay $0x3  }
0xf0: {  	s11 =	rddreg [dreg:$0x5];
	[tilespmem:v61+s3+$0x0] =	vst.idx.msk $0xffff, v15  }
0xf1: {  	[tilespmem:v10+s3+$0x0] =	vst.idx.msk $0xffff, v11  }
0xf2: {  	s5 =	simm.s32 $0x0;
	v11 =	vld [tilespmem:$0x1FF70]  }
0xf3: {  	v2 =	vadd.s32 s5, v0  }
0xf4: {  	s12 =	smul.u32 $0x140000, s7;
	v2 =	vand.u32 $0x7F, v2  }
0xf5: {  	v62 =	vor.u32 v3, v2  }
0xf6: {  	s9 =	simm.s32 $0x7;
	s17 =	simm.s32 $0x4;
	v38 =	vand.u32 $0x3F8, v62;
	s11 =	sor.u32 s11, s12  }
0xf7: {  	s10 =	simm.s32 $0x5;
	s28 =	simm.s32 $0x1;
	s16 =	sshrl.u32 s11, $0x3;
	v11 =	vor.u32 v11, v38  }
0xf8: {  	p0 =	seq.s32 s7, $0x31;
	v6 =	vadd.s32 s17, v0;
	s17 =	simm.s32 $0x3;
	s5 =	sadd.s32 s1, s16;
	[tilespmem:$0x1FEB0] =	vst v11;
	v11 =	vld [tilespmem:$0x1FF60]  }
0xf9: {  	[hbm4b:s5+s13] =	stream.strided.scatter [tilespmem:s3], [sflag:$0x5], $0x2800, s14, s13, $0x38;
	[tilespmem:$0x1B800] =	vst v63  }
0xfa: {  	v4 =	vadd.s32 s9, v0;
	v7 =	vadd.s32 s10, v0;
	s9 =	sadd.s32 @!p0 $0x200, s8;
	s10 =	simm.s32 @!p0 $0x80;
	s11 =	simm.s32 @!p0 $0xC800  }
0xfb: {  	v9 =	vadd.s32 s28, v0;
	[tilespmem:s11], [sflag:$0x1] =	stream.indirect.gather @!p0 [hbm4b:s4+s10], $0x40, s9, s10, $0xb8;
	[tilespmem:$0x1B800] =	vst v63  }
0xfc: {  	v20 =	vadd.s32 s17, v0;
	v21 =	vand.u32 $0x7, v6;
	v6 =	vand.u32 $0x7F, v6;
	s5 =	sadd.s32 @!p0 $0x6600, s8;
	s9 =	simm.s32 @!p0 $0xE800  }
0xfd: {  	v13 =	vand.u32 $0x7F, v9;
	v34 =	vshll.u32 v2, $0x4;
	[tilespmem:s9], [sflag:$0x1] =	stream.indirect.gather @!p0 [hbm4b:s6+s10], $0x10, s5, s10, $0xb8;
	v11 =	vor.u32 v11, v38;
	[tilespmem:$0x1B800] =	vst v63  }
0xfe: {  	v32 =	vand.u32 $0x7F, v20;
	v20 =	vand.u32 $0x7, v20;
	v2 =	vshll.u32 v2, $0x6;
	[tilespmem:$0x1FEC0] =	vst v11  }
0xff: {  	v28 =	vor.u32 v3, v6;
	v9 =	vand.u32 $0x7, v9;
	v37 =	vshll.u32 v13, $0x6;
	v63 =	vld [tilespmem:$0x1FFE0];
	_ =	swait.ge [sflag:s21], $0x2000  }
0x100: {  	v41 =	vshll.u32 v32, $0x6;
	v16 =	vor.u32 v3, v32;
	v25 =	vor.u32 v3, v13;
	[sflag:s21] =	ssyncset.done $0x0  }
0x101: {  	v29 =	vor.u32 v0, v2;
	v18 =	vor.u32 v0, v37;
	v23 =	vor.u32 v0, v41;
	[sflag:s21] =	ssyncadd.s32 $0xFFFFE000  }
0x102: {  	s15 =	simm.s32 $0x2;
	v22 =	vand.u32 $0x3F8, v16;
	v44 =	vor.u32 v5, v41;
	v14 =	vor.u32 v5, v37;
	_ =	swait.ge [sflag:s21], $0x800  }
0x103: {  	v24 =	vor.u32 v20, v22;
	v20 =	vand.u32 $0x3F8, v25;
	v10 =	vadd.s32 s15, v0;
	[sflag:s21] =	ssyncset.done $0x0;
	v16 =	vld [tilespmem:$0x1FFF0]  }
0x104: {  	v22 =	vshll.u32 v6, $0x6;
	v20 =	vor.u32 v9, v20;
	v12 =	vand.u32 $0x7F, v10;
	s5 =	simm.s32 @!p1 $0x6;
	[sflag:s21] =	ssyncadd.s32 $0xFFFFF800  }
0x105: {  	v9 =	vand.u32 $0x3F8, v28;
	v47 =	vor.u32 v0, v22;
	v35 =	vshll.u32 v12, $0x6;
	_ =	swait.ge @!p1 [sflag:s5], $0x2800  }
0x106: {  	v21 =	vor.u32 v21, v9;
	v56 =	vor.u32 v59, v20;
	v26 =	vor.u32 v0, v35;
	[sflag:s5] =	ssyncset.done @!p1 $0x0  }
0x107: {  	v58 =	vand.u32 $0x7, v7;
	v17 =	vand.u32 $0x7, v4;
	v4 =	vand.u32 $0x7F, v4;
	[sflag:s5] =	ssyncadd.s32 @!p1 $0xFFFFD800  }
0x108: {  	v19 =	vor.u32 v3, v12;
	v11 =	vor.u32 v31, v22;
	v18 =	vld.idx.msk [tilespmem:v18+s20+$0x0], $0xffff;
	v40 =	vor.u32 v16, v20  }
0x109: {  	v1 =	vand.u32 $0x7F, v7;
	v10 =	vand.u32 $0x7, v10;
	v27 =	vand.u32 $0x3F8, v19;
	[tilespmem:$0x1FED0] =	vst v11  }
0x10a: {  	v28 =	vshll.u32 v4, $0x6;
	v25 =	vor.u32 v10, v27;
	v27 =	vor.u32 v3, v4;
	v60 =	vld.idx.msk [tilespmem:v23+s20+$0x0], $0xffff  }
0x10b: {  	s28 =	simm.s32 $0x6;
	v39 =	vor.u32 v0, v28;
	v27 =	vand.u32 $0x3F8, v27;
	v36 =	vor.u32 v16, v24;
	v62 =	vld.idx.msk [tilespmem:v26+s20+$0x0], $0xffff  }
0x10c: {  	v7 =	vadd.s32 s28, v0;
	v23 =	vor.u32 v17, v27;
	v27 =	vshll.u32 v4, $0x4;
	v4 =	vld [tilespmem:$0x1FFB0]  }
0x10d: {  	v46 =	vand.u32 $0x7F, v7;
	v33 =	vor.u32 v63, v38;
	v63 =	vld.idx.msk [tilespmem:v29+s20+$0x0], $0xffff;
	[tilespmem:v40+s23+$0x0] =	vst.idx.msk $0xffff, v18  }
0x10e: {  	v30 =	vshll.u32 v46, $0x6;
	v10 =	vor.u32 v3, v1;
	v61 =	vor.u32 v16, v25;
	v18 =	vld [tilespmem:$0x1FF50]  }
0x10f: {  	v9 =	vor.u32 v0, v30;
	v10 =	vand.u32 $0x3F8, v10;
	v17 =	vor.u32 v3, v46;
	v48 =	vld.idx.msk [tilespmem:v14+s20+$0x0], $0xffff  }
0x110: {  	v7 =	vand.u32 $0x7, v7;
	[tilespmem:v36+s23+$0x0] =	vst.idx.msk $0xffff, v60;
	v36 =	vshll.u32 v6, $0x4;
	v6 =	vld.idx.msk [tilespmem:v39+s20+$0x0], $0xffff;
	v39 =	vor.u32 v58, v10  }
0x111: {  	v26 =	vor.u32 v4, v2;
	v4 =	vand.u32 $0x3F8, v17;
	v10 =	vld.idx.msk [tilespmem:v47+s20+$0x0], $0xffff;
	v47 =	vor.u32 v8, v39  }
0x112: {  	v53 =	vor.u32 v16, v23;
	v29 =	vor.u32 v7, v4;
	v7 =	vld.idx.msk [tilespmem:v44+s20+$0x0], $0xffff;
	[tilespmem:$0x1FEE0] =	vst v47  }
0x113: {  	v50 =	vor.u32 v59, v24;
	[tilespmem:v61+s23+$0x0] =	vst.idx.msk $0xffff, v62  }
0x114: {  	v58 =	vor.u32 v8, v25;
	v4 =	vor.u32 v16, v21;
	[tilespmem:v33+s23+$0x0] =	vst.idx.msk $0xffff, v63  }
0x115: {  	v9 =	vld.idx.msk [tilespmem:v9+s20+$0x0], $0xffff;
	[tilespmem:$0x1FEF0] =	vst v58  }
0x116: {  	[tilespmem:v56+s23+$0x0] =	vst.idx.msk $0xffff, v48  }
0x117: {  	[tilespmem:v53+s23+$0x0] =	vst.idx.msk $0xffff, v6  }
0x118: {  	v45 =	vshll.u32 v1, $0x6;
	v43 =	vor.u32 v5, v35;
	[tilespmem:v50+s23+$0x0] =	vst.idx.msk $0xffff, v7  }
0x119: {  	v55 =	vor.u32 v0, v45;
	[tilespmem:v4+s23+$0x0] =	vst.idx.msk $0xffff, v10  }
0x11a: {  	v40 =	vshll.u32 v13, $0x4;
	v13 =	vor.u32 v5, v2;
	v10 =	vld [tilespmem:$0x1FFC0];
	_ =	sdelay $0x1  }
0x11b: {  	v44 =	vor.u32 v16, v29  }
0x11c: {  	v62 =	vor.u32 v59, v25;
	v61 =	vld.idx.msk [tilespmem:v43+s20+$0x0], $0xffff  }
0x11d: {  	v63 =	vor.u32 v16, v39;
	v6 =	vld.idx.msk [tilespmem:v55+s20+$0x0], $0xffff  }
0x11e: {  	v13 =	vld.idx.msk [tilespmem:v13+s20+$0x0], $0xffff;
	v10 =	vor.u32 v10, v38;
	_ =	sdelay $0x1  }
0x11f: {  	[tilespmem:v44+s23+$0x0] =	vst.idx.msk $0xffff, v9  }
0x120: {  	v9 =	vld [tilespmem:$0x1FFB0];
	[tilespmem:v62+s23+$0x0] =	vst.idx.msk $0xffff, v61  }
0x121: {  	v33 =	vor.u32 v8, v24;
	v8 =	vld [tilespmem:$0x1FFB0];
	[tilespmem:v63+s23+$0x0] =	vst.idx.msk $0xffff, v6  }
0x122: {  	[tilespmem:v10+s23+$0x0] =	vst.idx.msk $0xffff, v13  }
0x123: {  	v53 =	vor.u32 v31, v2;
	v2 =	vld [tilespmem:$0x1FFD0]  }
0x124: {  	v57 =	vor.u32 v31, v41;
	v54 =	vor.u32 v59, v21  }
0x125: {  	v42 =	vor.u32 v5, v45;
	v12 =	vshll.u32 v12, $0x4;
	v58 =	vor.u32 v31, v37  }
0x126: {  	v11 =	vor.u32 v5, v28;
	v60 =	vor.u32 v5, v30;
	v51 =	vor.u32 v59, v29  }
0x127: {  	v47 =	vor.u32 v31, v45;
	v49 =	vor.u32 v18, v24;
	v4 =	vor.u32 v5, v22  }
0x128: {  	v48 =	vor.u32 v31, v28;
	v52 =	vor.u32 v9, v41;
	v41 =	vor.u32 v2, v38;
	v2 =	vld [tilespmem:$0x1FF80]  }
0x129: {  	v56 =	vor.u32 v31, v35;
	v55 =	vor.u32 v31, v30;
	v50 =	vor.u32 v59, v23;
	v59 =	vld.idx.msk [tilespmem:v57+s20+$0x0], $0xffff  }
0x12a: {  	v7 =	vshll.u32 v32, $0x4;
	v57 =	vor.u32 v18, v25;
	v44 =	vor.u32 v0, v34;
	v58 =	vld.idx.msk [tilespmem:v58+s20+$0x0], $0xffff  }
0x12b: {  	v60 =	vld.idx.msk [tilespmem:v60+s20+$0x0], $0xffff;
	v63 =	vor.u32 v18, v20;
	v9 =	vshll.u32 v46, $0x4;
	v46 =	vor.u32 v0, v7  }
0x12c: {  	v61 =	vld.idx.msk [tilespmem:v4+s20+$0x0], $0xffff;
	v32 =	vor.u32 v0, v9;
	v62 =	vor.u32 v8, v37;
	v37 =	vor.u32 v0, v12  }
0x12d: {  	s15 =	simm.s32 $0x8;
	v43 =	vor.u32 v8, v45;
	v38 =	vor.u32 v8, v35;
	v35 =	vld.idx.msk [tilespmem:v11+s20+$0x0], $0xffff;
	v34 =	vor.u32 v2, v39  }
.LBB2_5:
0x12e: {  	v4 =	vld.idx.msk [tilespmem:v56+s20+$0x0], $0xffff  }
0x12f: {  	v10 =	vld [tilespmem:$0x1FF80]  }
0x130: {  	v13 =	vld [tilespmem:$0x1FF80]  }
0x131: {  	v14 =	vld [tilespmem:$0x1FF80]  }
0x132: {  	v45 =	vld.idx.msk [tilespmem:v53+s20+$0x0], $0xffff  }
0x133: {  	v19 =	vshll.u32 v1, $0x4;
	v1 =	vld [tilespmem:$0x1FED0]  }
0x134: {  	v15 =	vld [tilespmem:$0x1FF80]  }
0x135: {  	[tilespmem:v63+s23+$0x0] =	vst.idx.msk $0xffff, v58;
	v63 =	vld [tilespmem:$0x1FFA0]  }
0x136: {  	[tilespmem:v49+s23+$0x0] =	vst.idx.msk $0xffff, v59;
	v59 =	vld [tilespmem:$0x1FF80]  }
0x137: {  	[tilespmem:v51+s23+$0x0] =	vst.idx.msk $0xffff, v60;
	v60 =	vld [tilespmem:$0x1FF80]  }
0x138: {  	v2 =	vor.u32 v0, v40;
	v6 =	vld.idx.msk [tilespmem:v62+s20+$0x0], $0xffff  }
0x139: {  	v40 =	vor.u32 v0, v36;
	[tilespmem:v54+s23+$0x0] =	vst.idx.msk $0xffff, v61;
	v10 =	vor.u32 v10, v20;
	v62 =	vld [tilespmem:$0x1FF90]  }
0x13a: {  	s5 =	smov.u32 s15;
	v7 =	vor.u32 v8, v30;
	v56 =	vor.u32 v18, v29;
	[tilespmem:v50+s23+$0x0] =	vst.idx.msk $0xffff, v35;
	v30 =	vld.idx.msk [tilespmem:v55+s20+$0x0], $0xffff  }
0x13b: {  	v9 =	vor.u32 v18, v23;
	v12 =	vor.u32 v8, v28;
	s9 =	sadd.s32 $0x7, s5;
	[tilespmem:v57+s23+$0x0] =	vst.idx.msk $0xffff, v4;
	v4 =	vld.idx.msk [tilespmem:v48+s20+$0x0], $0xffff  }
0x13c: {  	s10 =	sadd.s32 $0x4, s5;
	s11 =	sadd.s32 $0x5, s5;
	s16 =	sadd.s32 $0x6, s5;
	v58 =	vor.u32 v18, v39;
	v51 =	vor.u32 v18, v21;
	v11 =	vld.idx.msk [tilespmem:v52+s20+$0x0], $0xffff;
	v13 =	vor.u32 v13, v24  }
0x13d: {  	s28 =	sadd.s32 $0x1, s5;
	s17 =	sadd.s32 $0x2, s5;
	v24 =	vld.idx.msk [tilespmem:v42+s20+$0x0], $0xffff;
	v25 =	vor.u32 v14, v25;
	v52 =	vor.u32 v0, v19;
	v19 =	vadd.s32 s5, v0;
	s5 =	sadd.s32 $0x3, s5  }
0x13e: {  	v19 =	vand.u32 $0x7F, v19;
	v61 =	vadd.s32 s5, v0;
	v50 =	vld.idx.msk [tilespmem:v1+s20+$0x0], $0xffff;
	v36 =	vor.u32 v63, v21;
	[tilespmem:v10+s23+$0x0] =	vst.idx.msk $0xffff, v6  }
0x13f: {  	v53 =	vor.u32 v63, v20;
	v28 =	vor.u32 v62, v39;
	v6 =	vld.idx.msk [tilespmem:v38+s20+$0x0], $0xffff;
	[tilespmem:v56+s23+$0x0] =	vst.idx.msk $0xffff, v30  }
0x140: {  	v20 =	vor.u32 v15, v23;
	v39 =	vor.u32 v63, v23;
	[tilespmem:v9+s23+$0x0] =	vst.idx.msk $0xffff, v4;
	v7 =	vld.idx.msk [tilespmem:v7+s20+$0x0], $0xffff  }
0x141: {  	v35 =	vshll.u32 v19, $0x4;
	v23 =	vadd.s32 s9, v0;
	[tilespmem:v13+s23+$0x0] =	vst.idx.msk $0xffff, v11;
	v13 =	vor.u32 v60, v29;
	v4 =	vld.idx.msk [tilespmem:v12+s20+$0x0], $0xffff  }
0x142: {  	[tilespmem:v41+s23+$0x0] =	vst.idx.msk $0xffff, v45;
	v14 =	vor.u32 v63, v29;
	v42 =	vand.u32 $0x7, v23;
	v12 =	vand.u32 $0x7F, v23;
	v23 =	vld.idx.msk [tilespmem:v46+s22+$0x0], $0xffff  }
0x143: {  	v55 =	vand.u32 $0x7, v61;
	v21 =	vor.u32 v59, v21;
	v10 =	vor.u32 v8, v22;
	[tilespmem:v51+s23+$0x0] =	vst.idx.msk $0xffff, v50  }
0x144: {  	v59 =	vld [tilespmem:$0x1FFE0];
	v22 =	vor.u32 v0, v27;
	v27 =	vadd.s32 s11, v0;
	v29 =	vadd.s32 s17, v0;
	[tilespmem:v28+s23+$0x0] =	vst.idx.msk $0xffff, v24  }
0x145: {  	v48 =	vand.u32 $0x7, v27;
	v24 =	vadd.s32 s10, v0;
	v28 =	vadd.s32 s28, v0;
	[tilespmem:v25+s23+$0x0] =	vst.idx.msk $0xffff, v6;
	v11 =	vld.idx.msk [tilespmem:v47+s20+$0x0], $0xffff  }
0x146: {  	v60 =	vld [tilespmem:$0x1FF70];
	v25 =	vor.u32 v3, v19;
	v54 =	vand.u32 $0x7F, v28;
	v47 =	vand.u32 $0x7F, v29;
	[tilespmem:v13+s23+$0x0] =	vst.idx.msk $0xffff, v7  }
0x147: {  	v2 =	vld.idx.msk [tilespmem:v2+s22+$0x0], $0xffff;
	v45 =	vand.u32 $0x3F8, v25;
	v49 =	vand.u32 $0x7, v24;
	v13 =	vand.u32 $0x7, v29;
	[tilespmem:v33+s23+$0x0] =	vst.idx.msk $0xffff, v23  }
0x148: {  	v10 =	vld.idx.msk [tilespmem:v10+s20+$0x0], $0xffff;
	v33 =	vand.u32 $0x7F, v27;
	v23 =	vadd.s32 s16, v0;
	[tilespmem:v20+s23+$0x0] =	vst.idx.msk $0xffff, v4;
	v20 =	vand.u32 $0x7, v28  }
0x149: {  	v56 =	vld.idx.msk [tilespmem:v37+s22+$0x0], $0xffff;
	v28 =	vshll.u32 v12, $0x6;
	v41 =	vshll.u32 v54, $0x6;
	v38 =	vshll.u32 v47, $0x6  }
0x14a: {  	v30 =	vor.u32 v3, v47;
	v37 =	vor.u32 v59, v45;
	[tilespmem:v58+s23+$0x0] =	vst.idx.msk $0xffff, v11;
	v11 =	vand.u32 $0x7F, v61;
	v61 =	vld [tilespmem:$0x1FEC0]  }
0x14b: {  	v50 =	vor.u32 v60, v45;
	v60 =	vand.u32 $0x7F, v23;
	v27 =	vor.u32 v3, v33;
	v57 =	vld.idx.msk [tilespmem:v43+s20+$0x0], $0xffff  }
0x14c: {  	v1 =	vld [tilespmem:$0x1FFF0];
	v6 =	vor.u32 v0, v41;
	v9 =	vor.u32 v0, v38;
	v30 =	vand.u32 $0x3F8, v30  }
0x14d: {  	v16 =	vor.u32 v5, v38;
	v46 =	vshll.u32 v11, $0x6;
	v25 =	vor.u32 v3, v11;
	v43 =	vld [tilespmem:$0x1FF60]  }
0x14e: {  	v26 =	vld.idx.msk [tilespmem:v26+s20+$0x0], $0xffff;
	[tilespmem:v53+s23+$0x0] =	vst.idx.msk $0xffff, v2;
	v58 =	vand.u32 $0x7F, v24;
	v51 =	vor.u32 v0, v46;
	v25 =	vand.u32 $0x3F8, v25  }
0x14f: {  	[tilespmem:v21+s23+$0x0] =	vst.idx.msk $0xffff, v10;
	v10 =	vld.idx.msk [tilespmem:v32+s22+$0x0], $0xffff;
	v29 =	vor.u32 v3, v58;
	v24 =	vor.u32 v55, v25  }
0x150: {  	v55 =	vor.u32 v5, v46;
	v25 =	vor.u32 v13, v30;
	v30 =	vshll.u32 v60, $0x6;
	[tilespmem:v34+s23+$0x0] =	vst.idx.msk $0xffff, v57;
	v57 =	vld [tilespmem:$0x1FEB0]  }
0x151: {  	v32 =	vor.u32 v1, v24;
	v2 =	vor.u32 v0, v30;
	v17 =	vor.u32 v62, v25;
	v34 =	vld [tilespmem:$0x1FEF0]  }
0x152: {  	v15 =	vor.u32 v43, v45;
	v43 =	vshll.u32 v19, $0x6;
	v19 =	vshll.u32 v12, $0x4;
	v13 =	vld.idx.msk [tilespmem:v52+s22+$0x0], $0xffff  }
0x153: {  	v7 =	vor.u32 v0, v43;
	v52 =	vor.u32 v1, v25;
	v51 =	vld.idx.msk [tilespmem:v51+s20+$0x0], $0xffff;
	[tilespmem:v61+s23+$0x0] =	vst.idx.msk $0xffff, v26  }
0x154: {  	[tilespmem:$0x1FEC0] =	vst v15;
	v15 =	vor.u32 v5, v28;
	v26 =	vor.u32 v3, v54;
	v61 =	vmov v50;
	v59 =	vld.idx.msk [tilespmem:v44+s22+$0x0], $0xffff  }
0x155: {  	v4 =	vand.u32 $0x3F8, v26;
	v44 =	vshll.u32 v33, $0x6;
	v26 =	vld.idx.msk [tilespmem:v40+s22+$0x0], $0xffff;
	[tilespmem:$0x1FEB0] =	vst v61;
	v61 =	vor.u32 v5, v41  }
0x156: {  	[tilespmem:v14+s23+$0x0] =	vst.idx.msk $0xffff, v10;
	v20 =	vor.u32 v20, v4;
	v4 =	vand.u32 $0x3F8, v29;
	v29 =	vld.idx.msk [tilespmem:v22+s22+$0x0], $0xffff;
	v22 =	vshll.u32 v58, $0x6  }
0x157: {  	v40 =	vld [tilespmem:$0x1FEE0];
	v53 =	vor.u32 v0, v44;
	v21 =	vor.u32 v49, v4;
	v10 =	vor.u32 v31, v22  }
0x158: {  	v4 =	vor.u32 v0, v28;
	v49 =	vor.u32 v0, v22;
	v18 =	vor.u32 v1, v20;
	[tilespmem:$0x1FED0] =	vst v10  }
0x159: {  	v6 =	vld.idx.msk [tilespmem:v6+s20+$0x0], $0xffff;
	v10 =	vand.u32 $0x3F8, v27;
	v27 =	vor.u32 v8, v43;
	[tilespmem:v32+s23+$0x0] =	vst.idx.msk $0xffff, v51;
	v32 =	vshll.u32 v60, $0x4  }
0x15a: {  	v2 =	vld.idx.msk [tilespmem:v2+s20+$0x0], $0xffff;
	v32 =	vor.u32 v0, v32;
	[tilespmem:v57+s23+$0x0] =	vst.idx.msk $0xffff, v59;
	v59 =	vor.u32 v3, v12  }
0x15b: {  	v55 =	vld.idx.msk [tilespmem:v55+s20+$0x0], $0xffff;
	[tilespmem:v34+s23+$0x0] =	vst.idx.msk $0xffff, v56;
	v34 =	vor.u32 v62, v24;
	v57 =	vor.u32 v31, v46  }
0x15c: {  	[tilespmem:v36+s23+$0x0] =	vst.idx.msk $0xffff, v26;
	v36 =	vshll.u32 v58, $0x4;
	v58 =	vor.u32 v5, v43;
	v56 =	vor.u32 v31, v38;
	v26 =	vld [tilespmem:$0x1FFC0]  }
0x15d: {  	v50 =	vand.u32 $0x7, v23;
	v38 =	vor.u32 v8, v38;
	v23 =	vand.u32 $0x3F8, v59;
	v9 =	vld.idx.msk [tilespmem:v9+s20+$0x0], $0xffff;
	[tilespmem:v39+s23+$0x0] =	vst.idx.msk $0xffff, v29  }
0x15e: {  	v7 =	vld.idx.msk [tilespmem:v7+s20+$0x0], $0xffff;
	v39 =	vor.u32 v48, v10;
	v48 =	vor.u32 v31, v28;
	[tilespmem:v18+s23+$0x0] =	vst.idx.msk $0xffff, v6  }
0x15f: {  	v23 =	vor.u32 v42, v23;
	v42 =	vor.u32 v3, v60;
	v4 =	vld.idx.msk [tilespmem:v4+s20+$0x0], $0xffff;
	[tilespmem:v40+s23+$0x0] =	vst.idx.msk $0xffff, v13  }
0x160: {  	v59 =	vor.u32 v1, v23;
	v13 =	vand.u32 $0x3F8, v42;
	v12 =	vld.idx.msk [tilespmem:v61+s20+$0x0], $0xffff;
	v61 =	vor.u32 v63, v25  }
0x161: {  	v6 =	vld.idx.msk [tilespmem:v49+s20+$0x0], $0xffff;
	v29 =	vor.u32 v50, v13;
	v13 =	vor.u32 v1, v21;
	[tilespmem:$0x1FEF0] =	vst v61  }
0x162: {  	v10 =	vld [tilespmem:$0x1FF50];
	v60 =	vor.u32 v31, v41;
	v18 =	vor.u32 v1, v29;
	[tilespmem:v52+s23+$0x0] =	vst.idx.msk $0xffff, v9  }
0x163: {  	v14 =	vor.u32 v1, v39;
	v42 =	vor.u32 v5, v44;
	[tilespmem:v37+s23+$0x0] =	vst.idx.msk $0xffff, v7;
	v7 =	vld.idx.msk [tilespmem:v53+s20+$0x0], $0xffff  }
0x164: {  	[tilespmem:v34+s23+$0x0] =	vst.idx.msk $0xffff, v55;
	v9 =	vshll.u32 v47, $0x4;
	v47 =	vor.u32 v62, v20;
	v16 =	vld.idx.msk [tilespmem:v16+s20+$0x0], $0xffff  }
0x165: {  	v40 =	vshll.u32 v54, $0x4;
	v54 =	vor.u32 v62, v21;
	v50 =	vor.u32 v62, v23;
	[tilespmem:v59+s23+$0x0] =	vst.idx.msk $0xffff, v4;
	v4 =	vld [tilespmem:$0x1FF50]  }
0x166: {  	v11 =	vshll.u32 v11, $0x4;
	v61 =	vor.u32 v5, v22;
	v51 =	vor.u32 v62, v29;
	[tilespmem:v13+s23+$0x0] =	vst.idx.msk $0xffff, v6;
	v6 =	vld [tilespmem:$0x1FF80]  }
0x167: {  	v1 =	vmov v33;
	v49 =	vor.u32 v10, v24;
	v10 =	vor.u32 v63, v39;
	[tilespmem:v18+s23+$0x0] =	vst.idx.msk $0xffff, v2;
	v18 =	vld [tilespmem:$0x1FF50]  }
0x168: {  	v26 =	vor.u32 v26, v45;
	v33 =	vor.u32 v63, v24;
	v55 =	vor.u32 v31, v30;
	[tilespmem:$0x1FEE0] =	vst v10;
	v2 =	vld [tilespmem:$0x1FFD0]  }
0x169: {  	p1 =	slt.u32 s15, $0x78;
	v52 =	vor.u32 v8, v46;
	v10 =	vor.u32 v5, v30;
	[tilespmem:v47+s23+$0x0] =	vst.idx.msk $0xffff, v12;
	v12 =	vld.idx.msk [tilespmem:v58+s20+$0x0], $0xffff  }
.Ltmp3:
0x16a: {  	v53 =	vor.u32 v31, v43;
	v46 =	vor.u32 v0, v11;
	v62 =	vor.u32 v8, v41;
	v59 =	vld.idx.msk [tilespmem:v57+s20+$0x0], $0xffff;
	(pc) =	sbr.rel @p1 .LBB2_5-.Ltmp3, $4  }
0x16b: {  	v43 =	vor.u32 v8, v44;
	v37 =	vor.u32 v0, v9;
	v61 =	vld.idx.msk [tilespmem:v61+s20+$0x0], $0xffff;
	[tilespmem:v14+s23+$0x0] =	vst.idx.msk $0xffff, v7  }
0x16c: {  	v47 =	vor.u32 v31, v44;
	v44 =	vor.u32 v0, v35;
	v35 =	vld.idx.msk [tilespmem:v15+s20+$0x0], $0xffff;
	[tilespmem:v17+s23+$0x0] =	vst.idx.msk $0xffff, v16  }
0x16d: {  	v58 =	vld.idx.msk [tilespmem:v60+s20+$0x0], $0xffff;
	v63 =	vor.u32 v4, v20;
	v34 =	vor.u32 v6, v39;
	v57 =	vor.u32 v18, v25  }
0x16e: {  	s15 =	sadd.s32 $0x8, s15;
	v60 =	vld.idx.msk [tilespmem:v10+s20+$0x0], $0xffff;
	v41 =	vor.u32 v2, v45;
	[tilespmem:v26+s23+$0x0] =	vst.idx.msk $0xffff, v12;
	v26 =	vmov v27;
	v27 =	vmov v19  }
0x16f: {  	_ =	sdelay $0x3  }
0x170: {  	[tilespmem:v49+s23+$0x0] =	vst.idx.msk $0xffff, v59  }
0x171: {  	[tilespmem:v54+s23+$0x0] =	vst.idx.msk $0xffff, v61  }
0x172: {  	[tilespmem:v63+s23+$0x0] =	vst.idx.msk $0xffff, v58  }
0x173: {  	v58 =	vld [tilespmem:$0x1FF90];
	_ =	sdelay $0x2  }
0x174: {  	v2 =	vld.idx.msk [tilespmem:v56+s20+$0x0], $0xffff  }
0x175: {  	v6 =	vor.u32 v6, v20;
	v4 =	vld.idx.msk [tilespmem:v62+s20+$0x0], $0xffff  }
0x176: {  	v7 =	vld.idx.msk [tilespmem:v42+s20+$0x0], $0xffff;
	v9 =	vor.u32 v58, v39  }
0x177: {  	v11 =	vld [tilespmem:$0x1FF80];
	[tilespmem:v51+s23+$0x0] =	vst.idx.msk $0xffff, v60  }
0x178: {  	[tilespmem:v50+s23+$0x0] =	vst.idx.msk $0xffff, v35  }
0x179: {  	[tilespmem:v57+s23+$0x0] =	vst.idx.msk $0xffff, v2  }
0x17a: {  	[tilespmem:v6+s23+$0x0] =	vst.idx.msk $0xffff, v4  }
0x17b: {  	v4 =	vld [tilespmem:$0x1FF80];
	[tilespmem:v9+s23+$0x0] =	vst.idx.msk $0xffff, v7  }
0x17c: {  	v9 =	vld [tilespmem:$0x1FED0];
	_ =	sdelay $0x2  }
0x17d: {  	v10 =	vld.idx.msk [tilespmem:v52+s20+$0x0], $0xffff;
	v11 =	vor.u32 v11, v24  }
0x17e: {  	v12 =	vld.idx.msk [tilespmem:v53+s20+$0x0], $0xffff  }
0x17f: {  	v14 =	vor.u32 v18, v29;
	v13 =	vld.idx.msk [tilespmem:v55+s20+$0x0], $0xffff  }
0x180: {  	v15 =	vor.u32 v18, v23;
	v16 =	vld.idx.msk [tilespmem:v48+s20+$0x0], $0xffff  }
0x181: {  	v6 =	vld.idx.msk [tilespmem:v38+s20+$0x0], $0xffff;
	v4 =	vor.u32 v4, v25  }
0x182: {  	v17 =	vor.u32 v18, v21;
	[tilespmem:v11+s23+$0x0] =	vst.idx.msk $0xffff, v10;
	v9 =	vld.idx.msk [tilespmem:v9+s20+$0x0], $0xffff  }
0x183: {  	v10 =	vor.u32 v18, v39;
	v18 =	vld.idx.msk [tilespmem:v47+s20+$0x0], $0xffff;
	[tilespmem:v41+s23+$0x0] =	vst.idx.msk $0xffff, v12  }
0x184: {  	[tilespmem:v14+s23+$0x0] =	vst.idx.msk $0xffff, v13  }
0x185: {  	v13 =	vld [tilespmem:$0x1FF80];
	[tilespmem:v15+s23+$0x0] =	vst.idx.msk $0xffff, v16  }
0x186: {  	v2 =	vor.u32 v8, v30;
	[tilespmem:v4+s23+$0x0] =	vst.idx.msk $0xffff, v6  }
0x187: {  	v6 =	vld [tilespmem:$0x1FF80];
	[tilespmem:v17+s23+$0x0] =	vst.idx.msk $0xffff, v9  }
0x188: {  	v9 =	vld [tilespmem:$0x1FF80];
	[tilespmem:v10+s23+$0x0] =	vst.idx.msk $0xffff, v18  }
0x189: {  	v7 =	vor.u32 v8, v28;
	v11 =	vor.u32 v8, v22;
	v8 =	vld [tilespmem:$0x1FEC0];
	_ =	sdelay $0x1  }
0x18a: {  	v2 =	vld.idx.msk [tilespmem:v2+s20+$0x0], $0xffff;
	v13 =	vor.u32 v13, v29  }
0x18b: {  	v12 =	vld.idx.msk [tilespmem:v26+s20+$0x0], $0xffff  }
0x18c: {  	v4 =	vld.idx.msk [tilespmem:v46+s22+$0x0], $0xffff  }
0x18d: {  	v7 =	vld.idx.msk [tilespmem:v7+s20+$0x0], $0xffff;
	v6 =	vor.u32 v6, v23  }
0x18e: {  	v10 =	vld.idx.msk [tilespmem:v11+s20+$0x0], $0xffff;
	v9 =	vor.u32 v9, v21  }
0x18f: {  	v11 =	vor.u32 v0, v36;
	v16 =	vld.idx.msk [tilespmem:v43+s20+$0x0], $0xffff;
	[tilespmem:v13+s23+$0x0] =	vst.idx.msk $0xffff, v2  }
0x190: {  	[tilespmem:v8+s23+$0x0] =	vst.idx.msk $0xffff, v12  }
0x191: {  	v8 =	vld [tilespmem:$0x1FFA0];
	[tilespmem:v33+s23+$0x0] =	vst.idx.msk $0xffff, v4  }
0x192: {  	[tilespmem:v6+s23+$0x0] =	vst.idx.msk $0xffff, v7  }
0x193: {  	[tilespmem:v9+s23+$0x0] =	vst.idx.msk $0xffff, v10  }
0x194: {  	v45 =	vor.u32 v0, v40;
	[tilespmem:v34+s23+$0x0] =	vst.idx.msk $0xffff, v16;
	v10 =	vld.idx.msk [tilespmem:v11+s22+$0x0], $0xffff  }
0x195: {  	v11 =	vld [tilespmem:$0x1FEB0];
	_ =	sdelay $0x2  }
0x196: {  	v48 =	vld.idx.msk [tilespmem:v44+s22+$0x0], $0xffff  }
0x197: {  	v49 =	vld.idx.msk [tilespmem:v45+s22+$0x0], $0xffff;
	v2 =	vor.u32 v8, v20  }
0x198: {  	v6 =	vld.idx.msk [tilespmem:v32+s22+$0x0], $0xffff;
	v4 =	vor.u32 v8, v29;
	_ =	sdelay $0x2  }
0x199: {  	[tilespmem:v11+s23+$0x0] =	vst.idx.msk $0xffff, v48  }
0x19a: {  	[tilespmem:v2+s23+$0x0] =	vst.idx.msk $0xffff, v49  }
0x19b: {  	[tilespmem:v4+s23+$0x0] =	vst.idx.msk $0xffff, v6  }
0x19c: {  	v4 =	vld [tilespmem:$0x1FEF0];
	_ =	sdelay $0x1  }
0x19d: {  	v9 =	vor.u32 v8, v21  }
0x19e: {  	v7 =	vld.idx.msk [tilespmem:v37+s22+$0x0], $0xffff;
	_ =	sdelay $0x2  }
0x19f: {  	v50 =	vor.u32 v0, v27;
	v46 =	vshll.u32 v1, $0x4  }
0x1a0: {  	v47 =	vor.u32 v0, v46;
	[tilespmem:v9+s23+$0x0] =	vst.idx.msk $0xffff, v10  }
0x1a1: {  	[tilespmem:v4+s23+$0x0] =	vst.idx.msk $0xffff, v7  }
0x1a2: {  	v10 =	vld [tilespmem:$0x1FEE0];
	_ =	sdelay $0x1  }
0x1a3: {  	v14 =	vld.idx.msk [tilespmem:v50+s22+$0x0], $0xffff;
	v51 =	vor.u32 v8, v23  }
0x1a4: {  	v11 =	vld.idx.msk [tilespmem:v47+s22+$0x0], $0xffff;
	_ =	sdelay $0x3  }
0x1a5: {  	s11 =	rddreg [dreg:$0x8];
	[tilespmem:v51+s23+$0x0] =	vst.idx.msk $0xffff, v14  }
0x1a6: {  	[tilespmem:v10+s23+$0x0] =	vst.idx.msk $0xffff, v11  }
0x1a7: {  	s5 =	simm.s32 $0x0;
	v11 =	vld [tilespmem:$0x1FFE0]  }
0x1a8: {  	v2 =	vadd.s32 s5, v0  }
0x1a9: {  	v2 =	vand.u32 $0x7F, v2  }
0x1aa: {  	v59 =	vor.u32 v3, v2  }
0x1ab: {  	v39 =	vand.u32 $0x3F8, v59  }
0x1ac: {  	v33 =	vor.u32 v11, v39;
	v11 =	vld [tilespmem:$0x1FF70];
	_ =	sdelay $0x3  }
0x1ad: {  	s11 =	sadd.s32 s11, s12  }
0x1ae: {  	s9 =	simm.s32 $0x7;
	s17 =	simm.s32 $0x4;
	s11 =	sshrl.u32 s11, $0x3;
	v11 =	vor.u32 v11, v39  }
0x1af: {  	s10 =	simm.s32 $0x5;
	s28 =	simm.s32 $0x1;
	s5 =	sadd.s32 s1, s11;
	[tilespmem:$0x1FE60] =	vst v11;
	v11 =	vld [tilespmem:$0x1FF60]  }
0x1b0: {  	[hbm4b:s5+s13] =	stream.strided.scatter [tilespmem:s23], [sflag:$0x6], $0x2800, s14, s13, $0x38;
	[tilespmem:$0x1B800] =	vst v63  }
0x1b1: {  	v6 =	vadd.s32 s17, v0;
	v4 =	vadd.s32 s9, v0;
	v7 =	vadd.s32 s10, v0;
	s9 =	sadd.s32 @!p0 $0x280, s8;
	s10 =	simm.s32 @!p0 $0x80;
	s11 =	simm.s32 @!p0 $0xF000  }
0x1b2: {  	v9 =	vadd.s32 s28, v0;
	v21 =	vand.u32 $0x7, v6;
	v6 =	vand.u32 $0x7F, v6;
	[tilespmem:s11], [sflag:$0x2] =	stream.indirect.gather @!p0 [hbm4b:s4+s10], $0x40, s9, s10, $0xb8;
	[tilespmem:$0x1B800] =	vst v63  }
0x1b3: {  	v13 =	vand.u32 $0x7F, v9;
	v34 =	vshll.u32 v2, $0x4;
	v2 =	vshll.u32 v2, $0x6;
	s5 =	sadd.s32 @!p0 $0x6680, s8;
	s9 =	simm.s32 @!p0 $0x11000  }
0x1b4: {  	v27 =	vor.u32 v3, v6;
	v9 =	vand.u32 $0x7, v9;
	[tilespmem:s9], [sflag:$0x2] =	stream.indirect.gather @!p0 [hbm4b:s6+s10], $0x10, s5, s10, $0xb8;
	v11 =	vor.u32 v11, v39;
	[tilespmem:$0x1B800] =	vst v63  }
0x1b5: {  	s15 =	simm.s32 $0x2;
	v38 =	vshll.u32 v13, $0x6;
	v25 =	vor.u32 v3, v13;
	v29 =	vor.u32 v0, v2;
	[tilespmem:$0x1FE70] =	vst v11  }
0x1b6: {  	v17 =	vor.u32 v0, v38;
	v48 =	vor.u32 v5, v38;
	v10 =	vadd.s32 s15, v0;
	s15 =	simm.s32 $0x3;
	_ =	swait.ge [sflag:s25], $0x2000  }
0x1b7: {  	s16 =	simm.s32 $0x6;
	v55 =	vand.u32 $0x7, v7;
	v57 =	vand.u32 $0x7, v4;
	v20 =	vadd.s32 s15, v0;
	[sflag:s25] =	ssyncset.done $0x0  }
0x1b8: {  	v1 =	vand.u32 $0x7F, v7;
	v7 =	vadd.s32 s16, v0;
	v32 =	vand.u32 $0x7F, v20;
	[sflag:s25] =	ssyncadd.s32 $0xFFFFE000  }
0x1b9: {  	v4 =	vand.u32 $0x7F, v4;
	v46 =	vand.u32 $0x7F, v7;
	v16 =	vor.u32 v3, v32;
	_ =	swait.ge [sflag:s25], $0x800  }
0x1ba: {  	v28 =	vshll.u32 v4, $0x6;
	v30 =	vshll.u32 v46, $0x6;
	v22 =	vand.u32 $0x3F8, v16;
	v16 =	vld [tilespmem:$0x1FFF0];
	[sflag:s25] =	ssyncset.done $0x0  }
0x1bb: {  	s17 =	simm.s32 $0x5;
	v12 =	vand.u32 $0x7F, v10;
	v10 =	vand.u32 $0x7, v10;
	v42 =	vshll.u32 v32, $0x6;
	[sflag:s25] =	ssyncadd.s32 $0xFFFFF800  }
0x1bc: {  	v35 =	vshll.u32 v12, $0x6;
	v20 =	vand.u32 $0x7, v20;
	v23 =	vor.u32 v0, v42;
	_ =	swait.ge [sflag:s17], $0x2800  }
0x1bd: {  	v19 =	vor.u32 v3, v12;
	v24 =	vor.u32 v20, v22;
	v20 =	vand.u32 $0x3F8, v25;
	[sflag:s17] =	ssyncset.done $0x0  }
0x1be: {  	v18 =	vor.u32 v0, v35;
	v22 =	vshll.u32 v6, $0x6;
	v20 =	vor.u32 v9, v20;
	[sflag:s17] =	ssyncadd.s32 $0xFFFFD800  }
0x1bf: {  	v26 =	vand.u32 $0x3F8, v19;
	v11 =	vor.u32 v31, v22;
	v17 =	vld.idx.msk [tilespmem:v17+s24+$0x0], $0xffff;
	v40 =	vor.u32 v16, v20  }
0x1c0: {  	v37 =	vor.u32 v0, v28;
	v62 =	vor.u32 v3, v46;
	v25 =	vor.u32 v10, v26;
	[tilespmem:$0x1FE80] =	vst v11  }
0x1c1: {  	v10 =	vor.u32 v3, v1;
	v26 =	vor.u32 v3, v4;
	v36 =	vor.u32 v16, v24;
	v60 =	vld.idx.msk [tilespmem:v23+s24+$0x0], $0xffff  }
0x1c2: {  	v9 =	vand.u32 $0x3F8, v27;
	v47 =	vor.u32 v0, v22;
	v27 =	vshll.u32 v4, $0x4;
	v4 =	vld [tilespmem:$0x1FFB0]  }
0x1c3: {  	v44 =	vor.u32 v5, v42;
	v26 =	vand.u32 $0x3F8, v26;
	v10 =	vand.u32 $0x3F8, v10;
	v18 =	vld.idx.msk [tilespmem:v18+s24+$0x0], $0xffff  }
0x1c4: {  	v21 =	vor.u32 v21, v9;
	v61 =	vor.u32 v16, v25;
	v63 =	vld.idx.msk [tilespmem:v29+s24+$0x0], $0xffff;
	[tilespmem:v40+s3+$0x0] =	vst.idx.msk $0xffff, v17  }
0x1c5: {  	v9 =	vor.u32 v0, v30;
	v54 =	vor.u32 v58, v20;
	v23 =	vor.u32 v57, v26;
	v48 =	vld.idx.msk [tilespmem:v48+s24+$0x0], $0xffff  }
0x1c6: {  	v7 =	vand.u32 $0x7, v7;
	[tilespmem:v36+s3+$0x0] =	vst.idx.msk $0xffff, v60;
	v36 =	vshll.u32 v6, $0x4;
	v6 =	vld.idx.msk [tilespmem:v37+s24+$0x0], $0xffff;
	v37 =	vor.u32 v55, v10  }
0x1c7: {  	v26 =	vor.u32 v4, v2;
	v4 =	vand.u32 $0x3F8, v62;
	v10 =	vld.idx.msk [tilespmem:v47+s24+$0x0], $0xffff;
	v56 =	vor.u32 v8, v37  }
0x1c8: {  	v51 =	vor.u32 v16, v23;
	v29 =	vor.u32 v7, v4;
	v7 =	vld.idx.msk [tilespmem:v44+s24+$0x0], $0xffff;
	[tilespmem:$0x1FE90] =	vst v56  }
0x1c9: {  	v14 =	vor.u32 v58, v24;
	v55 =	vld [tilespmem:$0x1FF50];
	[tilespmem:v61+s3+$0x0] =	vst.idx.msk $0xffff, v18  }
0x1ca: {  	v59 =	vor.u32 v8, v25;
	v4 =	vor.u32 v16, v21;
	v18 =	vld [tilespmem:$0x1FF50];
	[tilespmem:v33+s3+$0x0] =	vst.idx.msk $0xffff, v63  }
0x1cb: {  	v9 =	vld.idx.msk [tilespmem:v9+s24+$0x0], $0xffff;
	[tilespmem:$0x1FEA0] =	vst v59  }
0x1cc: {  	[tilespmem:v54+s3+$0x0] =	vst.idx.msk $0xffff, v48  }
0x1cd: {  	[tilespmem:v51+s3+$0x0] =	vst.idx.msk $0xffff, v6  }
0x1ce: {  	v45 =	vshll.u32 v1, $0x6;
	v43 =	vor.u32 v5, v35;
	[tilespmem:v14+s3+$0x0] =	vst.idx.msk $0xffff, v7  }
0x1cf: {  	v53 =	vor.u32 v0, v45;
	[tilespmem:v4+s3+$0x0] =	vst.idx.msk $0xffff, v10  }
0x1d0: {  	v40 =	vshll.u32 v13, $0x4;
	v13 =	vor.u32 v5, v2;
	v10 =	vld [tilespmem:$0x1FFC0];
	_ =	sdelay $0x1  }
0x1d1: {  	v44 =	vor.u32 v16, v29  }
0x1d2: {  	v62 =	vor.u32 v58, v25;
	v60 =	vld.idx.msk [tilespmem:v43+s24+$0x0], $0xffff  }
0x1d3: {  	v63 =	vor.u32 v16, v37;
	v6 =	vld.idx.msk [tilespmem:v53+s24+$0x0], $0xffff  }
0x1d4: {  	v13 =	vld.idx.msk [tilespmem:v13+s24+$0x0], $0xffff;
	v10 =	vor.u32 v10, v39;
	_ =	sdelay $0x1  }
0x1d5: {  	[tilespmem:v44+s3+$0x0] =	vst.idx.msk $0xffff, v9  }
0x1d6: {  	v9 =	vld [tilespmem:$0x1FFB0];
	[tilespmem:v62+s3+$0x0] =	vst.idx.msk $0xffff, v60  }
0x1d7: {  	v33 =	vor.u32 v8, v24;
	v8 =	vld [tilespmem:$0x1FFB0];
	[tilespmem:v63+s3+$0x0] =	vst.idx.msk $0xffff, v6  }
0x1d8: {  	s28 =	rddreg [dreg:$0x9];
	[tilespmem:v10+s3+$0x0] =	vst.idx.msk $0xffff, v13  }
0x1d9: {  	v53 =	vor.u32 v31, v2;
	v2 =	vld [tilespmem:$0x1FFD0]  }
0x1da: {  	v41 =	vor.u32 v5, v45;
	v57 =	vor.u32 v31, v42  }
0x1db: {  	v12 =	vshll.u32 v12, $0x4;
	v49 =	vor.u32 v55, v24;
	v55 =	vor.u32 v31, v38  }
0x1dc: {  	v11 =	vor.u32 v5, v28;
	v50 =	vor.u32 v58, v23;
	v61 =	vor.u32 v5, v30  }
0x1dd: {  	v47 =	vor.u32 v31, v45;
	v56 =	vor.u32 v31, v35;
	v4 =	vor.u32 v5, v22  }
0x1de: {  	v51 =	vor.u32 v58, v29;
	v7 =	vshll.u32 v32, $0x4;
	v43 =	vor.u32 v2, v39;
	v2 =	vld [tilespmem:$0x1FF80]  }
0x1df: {  	v48 =	vor.u32 v31, v28;
	v54 =	vor.u32 v58, v21;
	v59 =	vld.idx.msk [tilespmem:v57+s24+$0x0], $0xffff;
	v44 =	vor.u32 v0, v34  }
0x1e0: {  	v57 =	vor.u32 v18, v25;
	v58 =	vld.idx.msk [tilespmem:v55+s24+$0x0], $0xffff;
	v55 =	vor.u32 v31, v30;
	v62 =	vor.u32 v18, v20  }
0x1e1: {  	v61 =	vld.idx.msk [tilespmem:v61+s24+$0x0], $0xffff;
	v52 =	vor.u32 v9, v42;
	v9 =	vshll.u32 v46, $0x4;
	v46 =	vor.u32 v0, v7;
	s5 =	sadd.s32 s28, s12  }
0x1e2: {  	v60 =	vld.idx.msk [tilespmem:v4+s24+$0x0], $0xffff;
	v32 =	vor.u32 v0, v9;
	s5 =	sshrl.u32 s5, $0x3;
	v63 =	vor.u32 v8, v38;
	v38 =	vor.u32 v0, v12  }
0x1e3: {  	s16 =	simm.s32 $0x8;
	s15 =	sadd.s32 s1, s5;
	v42 =	vor.u32 v8, v45;
	v39 =	vor.u32 v8, v35;
	v35 =	vld.idx.msk [tilespmem:v11+s24+$0x0], $0xffff;
	v34 =	vor.u32 v2, v37  }
.LBB2_7:
0x1e4: {  	v4 =	vld.idx.msk [tilespmem:v56+s24+$0x0], $0xffff  }
0x1e5: {  	v10 =	vld [tilespmem:$0x1FF80]  }
0x1e6: {  	v13 =	vld [tilespmem:$0x1FF80]  }
0x1e7: {  	v7 =	vor.u32 v8, v30;
	v12 =	vor.u32 v8, v28;
	v8 =	vld [tilespmem:$0x1FFA0]  }
0x1e8: {  	v14 =	vld.idx.msk [tilespmem:v41+s24+$0x0], $0xffff  }
0x1e9: {  	v15 =	vld [tilespmem:$0x1FF80]  }
0x1ea: {  	v19 =	vshll.u32 v1, $0x4;
	v1 =	vld [tilespmem:$0x1FE80]  }
0x1eb: {  	v16 =	vld [tilespmem:$0x1FF80];
	[tilespmem:v62+s3+$0x0] =	vst.idx.msk $0xffff, v58  }
0x1ec: {  	v6 =	vld.idx.msk [tilespmem:v63+s24+$0x0], $0xffff  }
0x1ed: {  	v63 =	vld [tilespmem:$0x1FF90]  }
0x1ee: {  	[tilespmem:v49+s3+$0x0] =	vst.idx.msk $0xffff, v59;
	v59 =	vld.idx.msk [tilespmem:v53+s24+$0x0], $0xffff  }
0x1ef: {  	v62 =	vld [tilespmem:$0x1FF80]  }
0x1f0: {  	[tilespmem:v51+s3+$0x0] =	vst.idx.msk $0xffff, v61;
	v10 =	vor.u32 v10, v20;
	v11 =	vld.idx.msk [tilespmem:v52+s24+$0x0], $0xffff  }
0x1f1: {  	[tilespmem:v50+s3+$0x0] =	vst.idx.msk $0xffff, v35;
	v51 =	vor.u32 v0, v19;
	v13 =	vor.u32 v13, v24;
	v28 =	vld.idx.msk [tilespmem:v55+s24+$0x0], $0xffff  }
0x1f2: {  	s9 =	smov.u32 s16;
	v24 =	vor.u32 v15, v25;
	[tilespmem:v57+s3+$0x0] =	vst.idx.msk $0xffff, v4;
	v4 =	vld.idx.msk [tilespmem:v48+s24+$0x0], $0xffff;
	v25 =	vor.u32 v63, v37  }
0x1f3: {  	[tilespmem:v54+s3+$0x0] =	vst.idx.msk $0xffff, v60;
	v19 =	vadd.s32 s9, v0;
	v52 =	vor.u32 v8, v20;
	v20 =	vor.u32 v16, v23;
	v16 =	vld [tilespmem:$0x1FF80]  }
0x1f4: {  	v19 =	vand.u32 $0x7F, v19;
	v60 =	vld.idx.msk [tilespmem:v1+s24+$0x0], $0xffff  }
0x1f5: {  	v2 =	vor.u32 v0, v40;
	v30 =	vor.u32 v18, v29;
	v1 =	vshll.u32 v19, $0x4;
	[tilespmem:v10+s3+$0x0] =	vst.idx.msk $0xffff, v6;
	v10 =	vld [tilespmem:$0x1FFB0]  }
0x1f6: {  	v9 =	vor.u32 v18, v23;
	[tilespmem:$0x1FE50] =	vst v1;
	v1 =	vld [tilespmem:$0x1FFF0]  }
0x1f7: {  	v6 =	vld.idx.msk [tilespmem:v39+s24+$0x0], $0xffff;
	[tilespmem:v25+s3+$0x0] =	vst.idx.msk $0xffff, v14  }
0x1f8: {  	v40 =	vor.u32 v0, v36;
	v45 =	vor.u32 v18, v37;
	[tilespmem:v13+s3+$0x0] =	vst.idx.msk $0xffff, v11;
	v11 =	vld.idx.msk [tilespmem:v47+s24+$0x0], $0xffff  }
0x1f9: {  	v61 =	vor.u32 v18, v21;
	v36 =	vor.u32 v8, v21;
	v21 =	vor.u32 v16, v21;
	v16 =	vld [tilespmem:$0x1FFE0]  }
0x1fa: {  	v15 =	vor.u32 v8, v29;
	[tilespmem:v30+s3+$0x0] =	vst.idx.msk $0xffff, v28;
	v2 =	vld.idx.msk [tilespmem:v2+s26+$0x0], $0xffff;
	v10 =	vor.u32 v10, v22  }
0x1fb: {  	s11 =	sadd.s32 $0x4, s9;
	v37 =	vor.u32 v8, v23;
	v13 =	vor.u32 v62, v29;
	[tilespmem:v9+s3+$0x0] =	vst.idx.msk $0xffff, v4;
	v7 =	vld.idx.msk [tilespmem:v7+s24+$0x0], $0xffff  }
0x1fc: {  	s28 =	sadd.s32 $0x2, s9;
	v23 =	vadd.s32 s11, v0;
	v4 =	vld.idx.msk [tilespmem:v12+s24+$0x0], $0xffff;
	[tilespmem:v24+s3+$0x0] =	vst.idx.msk $0xffff, v6;
	v24 =	vor.u32 v3, v19  }
0x1fd: {  	s10 =	sadd.s32 $0x7, s9;
	v28 =	vadd.s32 s28, v0;
	v54 =	vand.u32 $0x7, v23;
	v55 =	vld.idx.msk [tilespmem:v38+s26+$0x0], $0xffff;
	[tilespmem:v45+s3+$0x0] =	vst.idx.msk $0xffff, v11;
	v45 =	vand.u32 $0x3F8, v24  }
0x1fe: {  	s17 =	sadd.s32 $0x5, s9;
	v57 =	vand.u32 $0x7F, v23;
	[tilespmem:v61+s3+$0x0] =	vst.idx.msk $0xffff, v60;
	v22 =	vadd.s32 s10, v0;
	s10 =	sadd.s32 $0x1, s9;
	v38 =	vor.u32 v16, v45;
	v16 =	vld [tilespmem:$0x1FF70]  }
0x1ff: {  	[tilespmem:v43+s3+$0x0] =	vst.idx.msk $0xffff, v59;
	v14 =	vor.u32 v0, v27;
	v25 =	vadd.s32 s17, v0;
	v27 =	vadd.s32 s10, v0;
	v10 =	vld.idx.msk [tilespmem:v10+s24+$0x0], $0xffff  }
0x200: {  	s5 =	sadd.s32 $0x6, s9;
	v26 =	vld.idx.msk [tilespmem:v26+s24+$0x0], $0xffff;
	s9 =	sadd.s32 $0x3, s9;
	v47 =	vand.u32 $0x7F, v28;
	v41 =	vand.u32 $0x7, v22;
	v12 =	vand.u32 $0x7F, v22;
	[tilespmem:v13+s3+$0x0] =	vst.idx.msk $0xffff, v7  }
0x201: {  	v22 =	vld.idx.msk [tilespmem:v46+s26+$0x0], $0xffff;
	v35 =	vadd.s32 s9, v0;
	v13 =	vand.u32 $0x7, v28;
	[tilespmem:v20+s3+$0x0] =	vst.idx.msk $0xffff, v4;
	v29 =	vand.u32 $0x7F, v27  }
0x202: {  	v28 =	vor.u32 v3, v57;
	[tilespmem:v52+s3+$0x0] =	vst.idx.msk $0xffff, v2;
	v52 =	vld [tilespmem:$0x1FFB0];
	v39 =	vshll.u32 v47, $0x6;
	v43 =	vshll.u32 v29, $0x6  }
0x203: {  	v30 =	vor.u32 v3, v47;
	v6 =	vor.u32 v0, v43;
	v49 =	vor.u32 v16, v45;
	v16 =	vld [tilespmem:$0x1FE70]  }
0x204: {  	v53 =	vand.u32 $0x7, v35;
	v20 =	vand.u32 $0x7, v27;
	v23 =	vor.u32 v3, v29;
	v56 =	vld.idx.msk [tilespmem:v42+s24+$0x0], $0xffff;
	[tilespmem:v21+s3+$0x0] =	vst.idx.msk $0xffff, v10  }
0x205: {  	v9 =	vor.u32 v0, v39;
	v17 =	vor.u32 v5, v39;
	v4 =	vand.u32 $0x3F8, v23;
	v27 =	vld.idx.msk [tilespmem:v40+s26+$0x0], $0xffff  }
0x206: {  	v20 =	vor.u32 v20, v4;
	v4 =	vand.u32 $0x3F8, v28;
	v28 =	vshll.u32 v12, $0x6;
	v40 =	vld [tilespmem:$0x1FEA0]  }
0x207: {  	v14 =	vld.idx.msk [tilespmem:v14+s26+$0x0], $0xffff;
	v11 =	vand.u32 $0x7F, v35;
	[tilespmem:v33+s3+$0x0] =	vst.idx.msk $0xffff, v22;
	v22 =	vshll.u32 v57, $0x6;
	v18 =	vor.u32 v1, v20  }
0x208: {  	v46 =	vshll.u32 v11, $0x6;
	v6 =	vld.idx.msk [tilespmem:v6+s24+$0x0], $0xffff;
	v21 =	vor.u32 v54, v4;
	v4 =	vor.u32 v0, v28  }
0x209: {  	v24 =	vor.u32 v3, v11;
	v42 =	vshll.u32 v19, $0x6;
	v50 =	vor.u32 v0, v46;
	[tilespmem:v34+s3+$0x0] =	vst.idx.msk $0xffff, v56;
	v56 =	vld [tilespmem:$0x1FE60]  }
0x20a: {  	v24 =	vand.u32 $0x3F8, v24;
	v7 =	vor.u32 v0, v42;
	v59 =	vor.u32 v5, v46;
	v10 =	vld.idx.msk [tilespmem:v32+s26+$0x0], $0xffff  }
0x20b: {  	v61 =	vor.u32 v31, v46;
	v24 =	vor.u32 v53, v24;
	v53 =	vand.u32 $0x7F, v25;
	[tilespmem:v16+s3+$0x0] =	vst.idx.msk $0xffff, v26;
	v16 =	vld [tilespmem:$0x1FF60]  }
0x20c: {  	v23 =	vor.u32 v3, v53;
	[tilespmem:v37+s3+$0x0] =	vst.idx.msk $0xffff, v14;
	v54 =	vor.u32 v5, v43;
	v58 =	vld.idx.msk [tilespmem:v44+s26+$0x0], $0xffff  }
0x20d: {  	v48 =	vand.u32 $0x7, v25;
	v34 =	vor.u32 v0, v22;
	v4 =	vld.idx.msk [tilespmem:v4+s24+$0x0], $0xffff;
	[tilespmem:v36+s3+$0x0] =	vst.idx.msk $0xffff, v27;
	v26 =	vand.u32 $0x3F8, v30  }
0x20e: {  	v33 =	vadd.s32 s5, v0;
	v27 =	vld [tilespmem:$0x1FFC0];
	[tilespmem:v40+s3+$0x0] =	vst.idx.msk $0xffff, v55;
	v25 =	vor.u32 v13, v26;
	v26 =	vor.u32 v3, v12  }
0x20f: {  	v60 =	vand.u32 $0x7F, v33;
	[tilespmem:v15+s3+$0x0] =	vst.idx.msk $0xffff, v10;
	v10 =	vor.u32 v31, v22;
	v9 =	vld.idx.msk [tilespmem:v9+s24+$0x0], $0xffff;
	v26 =	vand.u32 $0x3F8, v26  }
0x210: {  	[tilespmem:$0x1FE80] =	vst v10;
	v10 =	vand.u32 $0x3F8, v23;
	v23 =	vor.u32 v41, v26;
	v41 =	vld [tilespmem:$0x1FE90];
	v16 =	vor.u32 v16, v45  }
0x211: {  	v19 =	vor.u32 v52, v42;
	[tilespmem:v56+s3+$0x0] =	vst.idx.msk $0xffff, v58;
	v58 =	vld.idx.msk [tilespmem:v51+s26+$0x0], $0xffff;
	v51 =	vor.u32 v1, v25  }
0x212: {  	v33 =	vand.u32 $0x7, v33;
	v32 =	vor.u32 v1, v24;
	[tilespmem:v18+s3+$0x0] =	vst.idx.msk $0xffff, v6;
	v6 =	vld.idx.msk [tilespmem:v34+s24+$0x0], $0xffff;
	v30 =	vshll.u32 v60, $0x6  }
0x213: {  	v2 =	vor.u32 v0, v30;
	[tilespmem:$0x1FE70] =	vst v16;
	v56 =	vld.idx.msk [tilespmem:v50+s24+$0x0], $0xffff;
	v16 =	vmov v49;
	v49 =	vor.u32 v3, v60  }
0x214: {  	v35 =	vmovc v3;
	v15 =	vor.u32 v5, v28;
	v40 =	vshll.u32 v29, $0x4;
	v7 =	vld.idx.msk [tilespmem:v7+s24+$0x0], $0xffff;
	v13 =	vand.u32 $0x3F8, v49  }
0x215: {  	v3 =	vshll.u32 v12, $0x4;
	v12 =	vld.idx.msk [tilespmem:v54+s24+$0x0], $0xffff;
	[tilespmem:$0x1FE60] =	vst v16;
	v16 =	vor.u32 v8, v25;
	v29 =	vor.u32 v33, v13  }
0x216: {  	v26 =	vld [tilespmem:$0x1FFB0];
	v33 =	vor.u32 v5, v42;
	[tilespmem:v51+s3+$0x0] =	vst.idx.msk $0xffff, v9;
	v9 =	vshll.u32 v47, $0x4;
	v47 =	vor.u32 v63, v20  }
0x217: {  	v37 =	vor.u32 v48, v10;
	v10 =	vld [tilespmem:$0x1FF50];
	v48 =	vor.u32 v31, v28;
	v55 =	vor.u32 v63, v24;
	[tilespmem:$0x1FEA0] =	vst v16  }
0x218: {  	v36 =	vshll.u32 v57, $0x4;
	v44 =	vshll.u32 v53, $0x6;
	v2 =	vld.idx.msk [tilespmem:v2+s24+$0x0], $0xffff;
	[tilespmem:v32+s3+$0x0] =	vst.idx.msk $0xffff, v56;
	v18 =	vor.u32 v1, v29  }
0x219: {  	v27 =	vor.u32 v27, v45;
	v62 =	vor.u32 v0, v44;
	[tilespmem:v41+s3+$0x0] =	vst.idx.msk $0xffff, v58;
	v57 =	vld.idx.msk [tilespmem:v59+s24+$0x0], $0xffff  }
0x21a: {  	v50 =	vor.u32 v63, v23;
	v13 =	vor.u32 v1, v21;
	v16 =	vld.idx.msk [tilespmem:v17+s24+$0x0], $0xffff;
	[tilespmem:v38+s3+$0x0] =	vst.idx.msk $0xffff, v7  }
0x21b: {  	v52 =	vor.u32 v26, v46;
	v58 =	vor.u32 v1, v23;
	[tilespmem:v47+s3+$0x0] =	vst.idx.msk $0xffff, v12;
	v12 =	vld.idx.msk [tilespmem:v33+s24+$0x0], $0xffff  }
0x21c: {  	v49 =	vor.u32 v10, v24;
	v10 =	vor.u32 v8, v37;
	v33 =	vor.u32 v8, v24;
	v8 =	vld [tilespmem:$0x1FFB0]  }
0x21d: {  	v14 =	vshll.u32 v60, $0x4;
	v60 =	vor.u32 v5, v22;
	v54 =	vor.u32 v63, v21;
	[tilespmem:v18+s3+$0x0] =	vst.idx.msk $0xffff, v2;
	v2 =	vld [tilespmem:$0x1FFD0]  }
0x21e: {  	v11 =	vshll.u32 v11, $0x4;
	v26 =	vor.u32 v1, v37;
	[tilespmem:$0x1FE90] =	vst v10;
	v17 =	vor.u32 v63, v25;
	v7 =	vld.idx.msk [tilespmem:v62+s24+$0x0], $0xffff  }
0x21f: {  	v46 =	vor.u32 v0, v11;
	v32 =	vor.u32 v31, v43;
	[tilespmem:v13+s3+$0x0] =	vst.idx.msk $0xffff, v6;
	v6 =	vld [tilespmem:$0x1FF80]  }
0x220: {  	v10 =	vor.u32 v5, v30;
	v41 =	vor.u32 v5, v44;
	[tilespmem:v58+s3+$0x0] =	vst.idx.msk $0xffff, v4;
	v4 =	vld [tilespmem:$0x1FF50]  }
0x221: {  	v51 =	vor.u32 v63, v29;
	v56 =	vor.u32 v31, v39;
	v1 =	vmovc v53;
	v53 =	vor.u32 v31, v42;
	v18 =	vld [tilespmem:$0x1FF50]  }
0x222: {  	p1 =	slt.u32 s16, $0x78;
	[tilespmem:v55+s3+$0x0] =	vst.idx.msk $0xffff, v57;
	v63 =	vor.u32 v8, v43;
	v43 =	vor.u32 v2, v45;
	v2 =	vld [tilespmem:$0x1FE50]  }
.Ltmp4:
0x223: {  	v38 =	vor.u32 v0, v9;
	v47 =	vor.u32 v31, v44;
	v60 =	vld.idx.msk [tilespmem:v60+s24+$0x0], $0xffff;
	[tilespmem:v17+s3+$0x0] =	vst.idx.msk $0xffff, v16;
	(pc) =	sbr.rel @p1 .LBB2_7-.Ltmp4, $4  }
0x224: {  	v58 =	vld.idx.msk [tilespmem:v32+s24+$0x0], $0xffff;
	v55 =	vor.u32 v31, v30;
	v32 =	vor.u32 v0, v14;
	[tilespmem:v26+s3+$0x0] =	vst.idx.msk $0xffff, v7  }
0x225: {  	v26 =	vmov v19;
	v59 =	vld.idx.msk [tilespmem:v61+s24+$0x0], $0xffff;
	v34 =	vor.u32 v6, v37;
	v62 =	vor.u32 v4, v20  }
0x226: {  	v61 =	vld.idx.msk [tilespmem:v10+s24+$0x0], $0xffff;
	v57 =	vor.u32 v18, v25;
	v42 =	vor.u32 v8, v44;
	v39 =	vor.u32 v8, v39  }
0x227: {  	s16 =	sadd.s32 $0x8, s16;
	[tilespmem:v27+s3+$0x0] =	vst.idx.msk $0xffff, v12;
	v27 =	vmov v3;
	v3 =	vmov v35;
	v35 =	vld.idx.msk [tilespmem:v15+s24+$0x0], $0xffff;
	v44 =	vor.u32 v0, v2  }
0x228: {  	_ =	sdelay $0x3  }
0x229: {  	[tilespmem:v54+s3+$0x0] =	vst.idx.msk $0xffff, v60  }
0x22a: {  	[tilespmem:v62+s3+$0x0] =	vst.idx.msk $0xffff, v58  }
0x22b: {  	[tilespmem:v49+s3+$0x0] =	vst.idx.msk $0xffff, v59  }
0x22c: {  	v58 =	vld [tilespmem:$0x1FF90];
	_ =	sdelay $0x2  }
0x22d: {  	v2 =	vld.idx.msk [tilespmem:v56+s24+$0x0], $0xffff  }
0x22e: {  	v6 =	vor.u32 v6, v20;
	v4 =	vld.idx.msk [tilespmem:v63+s24+$0x0], $0xffff  }
0x22f: {  	v7 =	vld.idx.msk [tilespmem:v41+s24+$0x0], $0xffff;
	v9 =	vor.u32 v58, v37  }
0x230: {  	v11 =	vld [tilespmem:$0x1FF80];
	[tilespmem:v51+s3+$0x0] =	vst.idx.msk $0xffff, v61  }
0x231: {  	[tilespmem:v50+s3+$0x0] =	vst.idx.msk $0xffff, v35  }
0x232: {  	[tilespmem:v57+s3+$0x0] =	vst.idx.msk $0xffff, v2  }
0x233: {  	[tilespmem:v6+s3+$0x0] =	vst.idx.msk $0xffff, v4  }
0x234: {  	v4 =	vld [tilespmem:$0x1FF80];
	[tilespmem:v9+s3+$0x0] =	vst.idx.msk $0xffff, v7  }
0x235: {  	v9 =	vld [tilespmem:$0x1FE80];
	_ =	sdelay $0x2  }
0x236: {  	v10 =	vld.idx.msk [tilespmem:v52+s24+$0x0], $0xffff;
	v11 =	vor.u32 v11, v24  }
0x237: {  	v12 =	vld.idx.msk [tilespmem:v53+s24+$0x0], $0xffff  }
0x238: {  	v14 =	vor.u32 v18, v29;
	v13 =	vld.idx.msk [tilespmem:v55+s24+$0x0], $0xffff  }
0x239: {  	v15 =	vor.u32 v18, v23;
	v16 =	vld.idx.msk [tilespmem:v48+s24+$0x0], $0xffff  }
0x23a: {  	v6 =	vld.idx.msk [tilespmem:v39+s24+$0x0], $0xffff;
	v4 =	vor.u32 v4, v25  }
0x23b: {  	v17 =	vor.u32 v18, v21;
	[tilespmem:v11+s3+$0x0] =	vst.idx.msk $0xffff, v10;
	v9 =	vld.idx.msk [tilespmem:v9+s24+$0x0], $0xffff  }
0x23c: {  	v10 =	vor.u32 v18, v37;
	v18 =	vld.idx.msk [tilespmem:v47+s24+$0x0], $0xffff;
	[tilespmem:v43+s3+$0x0] =	vst.idx.msk $0xffff, v12  }
0x23d: {  	[tilespmem:v14+s3+$0x0] =	vst.idx.msk $0xffff, v13  }
0x23e: {  	v13 =	vld [tilespmem:$0x1FF80];
	[tilespmem:v15+s3+$0x0] =	vst.idx.msk $0xffff, v16  }
0x23f: {  	v2 =	vor.u32 v8, v30;
	[tilespmem:v4+s3+$0x0] =	vst.idx.msk $0xffff, v6  }
0x240: {  	v6 =	vld [tilespmem:$0x1FF80];
	[tilespmem:v17+s3+$0x0] =	vst.idx.msk $0xffff, v9  }
0x241: {  	v9 =	vld [tilespmem:$0x1FF80];
	[tilespmem:v10+s3+$0x0] =	vst.idx.msk $0xffff, v18  }
0x242: {  	v7 =	vor.u32 v8, v28;
	v11 =	vor.u32 v8, v22;
	v8 =	vld [tilespmem:$0x1FE70];
	_ =	sdelay $0x1  }
0x243: {  	v2 =	vld.idx.msk [tilespmem:v2+s24+$0x0], $0xffff;
	v13 =	vor.u32 v13, v29  }
0x244: {  	v12 =	vld.idx.msk [tilespmem:v26+s24+$0x0], $0xffff  }
0x245: {  	v4 =	vld.idx.msk [tilespmem:v46+s26+$0x0], $0xffff  }
0x246: {  	v7 =	vld.idx.msk [tilespmem:v7+s24+$0x0], $0xffff;
	v6 =	vor.u32 v6, v23  }
0x247: {  	v10 =	vld.idx.msk [tilespmem:v11+s24+$0x0], $0xffff;
	v9 =	vor.u32 v9, v21  }
0x248: {  	v11 =	vor.u32 v0, v36;
	v16 =	vld.idx.msk [tilespmem:v42+s24+$0x0], $0xffff;
	[tilespmem:v13+s3+$0x0] =	vst.idx.msk $0xffff, v2  }
0x249: {  	[tilespmem:v8+s3+$0x0] =	vst.idx.msk $0xffff, v12  }
0x24a: {  	v8 =	vld [tilespmem:$0x1FFA0];
	[tilespmem:v33+s3+$0x0] =	vst.idx.msk $0xffff, v4  }
0x24b: {  	[tilespmem:v6+s3+$0x0] =	vst.idx.msk $0xffff, v7  }
0x24c: {  	[tilespmem:v9+s3+$0x0] =	vst.idx.msk $0xffff, v10  }
0x24d: {  	v45 =	vor.u32 v0, v40;
	[tilespmem:v34+s3+$0x0] =	vst.idx.msk $0xffff, v16;
	v10 =	vld.idx.msk [tilespmem:v11+s26+$0x0], $0xffff  }
0x24e: {  	v11 =	vld [tilespmem:$0x1FE60];
	_ =	sdelay $0x2  }
0x24f: {  	v48 =	vld.idx.msk [tilespmem:v44+s26+$0x0], $0xffff  }
0x250: {  	v49 =	vld.idx.msk [tilespmem:v45+s26+$0x0], $0xffff;
	v2 =	vor.u32 v8, v20  }
0x251: {  	v6 =	vld.idx.msk [tilespmem:v32+s26+$0x0], $0xffff;
	v4 =	vor.u32 v8, v29;
	_ =	sdelay $0x2  }
0x252: {  	[tilespmem:v11+s3+$0x0] =	vst.idx.msk $0xffff, v48  }
0x253: {  	[tilespmem:v2+s3+$0x0] =	vst.idx.msk $0xffff, v49  }
0x254: {  	[tilespmem:v4+s3+$0x0] =	vst.idx.msk $0xffff, v6  }
0x255: {  	v4 =	vld [tilespmem:$0x1FEA0];
	_ =	sdelay $0x1  }
0x256: {  	v9 =	vor.u32 v8, v21  }
0x257: {  	v7 =	vld.idx.msk [tilespmem:v38+s26+$0x0], $0xffff;
	_ =	sdelay $0x2  }
0x258: {  	v50 =	vor.u32 v0, v27;
	v46 =	vshll.u32 v1, $0x4  }
0x259: {  	v47 =	vor.u32 v0, v46;
	[tilespmem:v9+s3+$0x0] =	vst.idx.msk $0xffff, v10  }
0x25a: {  	[tilespmem:v4+s3+$0x0] =	vst.idx.msk $0xffff, v7  }
0x25b: {  	v10 =	vld [tilespmem:$0x1FE90];
	_ =	sdelay $0x1  }
0x25c: {  	v14 =	vld.idx.msk [tilespmem:v50+s26+$0x0], $0xffff;
	v51 =	vor.u32 v8, v23  }
0x25d: {  	v11 =	vld.idx.msk [tilespmem:v47+s26+$0x0], $0xffff;
	_ =	sdelay $0x3  }
0x25e: {  	[tilespmem:v51+s3+$0x0] =	vst.idx.msk $0xffff, v14  }
0x25f: {  	[tilespmem:v10+s3+$0x0] =	vst.idx.msk $0xffff, v11  }
0x260: {  	s5 =	simm.s32 $0x0;
	v11 =	vld [tilespmem:$0x1FFE0]  }
0x261: {  	v2 =	vadd.s32 s5, v0  }
0x262: {  	v2 =	vand.u32 $0x7F, v2  }
0x263: {  	v59 =	vor.u32 v3, v2  }
0x264: {  	v39 =	vand.u32 $0x3F8, v59  }
0x265: {  	v33 =	vor.u32 v11, v39;
	v11 =	vld [tilespmem:$0x1FF70];
	_ =	sdelay $0x4  }
0x266: {  	v11 =	vor.u32 v11, v39  }
0x267: {  	s9 =	simm.s32 $0x7;
	s10 =	simm.s32 $0x5;
	s11 =	simm.s32 $0x2;
	[tilespmem:$0x1FDE0] =	vst v11;
	v11 =	vld [tilespmem:$0x1FF60]  }
0x268: {  	[hbm4b:s15+s13] =	stream.strided.scatter [tilespmem:s3], [sflag:$0x5], $0x2800, s14, s13, $0x38;
	[tilespmem:$0x1B800] =	vst v63  }
0x269: {  	v4 =	vadd.s32 s9, v0;
	v7 =	vadd.s32 s10, v0;
	s9 =	sadd.s32 @!p0 $0x300, s8;
	s10 =	simm.s32 @!p0 $0x80;
	v10 =	vadd.s32 s11, v0;
	s11 =	simm.s32 @!p0 $0x11800  }
0x26a: {  	[tilespmem:s11], [sflag:$0x3] =	stream.indirect.gather @!p0 [hbm4b:s4+s10], $0x40, s9, s10, $0xb8;
	[tilespmem:$0x1B800] =	vst v63  }
0x26b: {  	s5 =	sadd.s32 @!p0 $0x6700, s8;
	s9 =	simm.s32 @!p0 $0x13800  }
0x26c: {  	[tilespmem:s9], [sflag:$0x3] =	stream.indirect.gather @!p0 [hbm4b:s6+s10], $0x10, s5, s10, $0xb8;
	v11 =	vor.u32 v11, v39;
	[tilespmem:$0x1B800] =	vst v63  }
0x26d: {  	[tilespmem:$0x1FDF0] =	vst v11  }
0x26e: {  	s28 =	simm.s32 $0x1;
	s16 =	simm.s32 $0x3;
	_ =	swait.ge [sflag:s30], $0x2000  }
0x26f: {  	v20 =	vadd.s32 s16, v0;
	v9 =	vadd.s32 s28, v0;
	[sflag:s30] =	ssyncset.done $0x0  }
0x270: {  	v32 =	vand.u32 $0x7F, v20;
	v20 =	vand.u32 $0x7, v20;
	v13 =	vand.u32 $0x7F, v9;
	[sflag:s30] =	ssyncadd.s32 $0xFFFFE000  }
0x271: {  	v42 =	vshll.u32 v32, $0x6;
	v16 =	vor.u32 v3, v32;
	v38 =	vshll.u32 v13, $0x6;
	_ =	swait.ge [sflag:s30], $0x800  }
0x272: {  	s17 =	simm.s32 $0x4;
	v23 =	vor.u32 v0, v42;
	v17 =	vor.u32 v0, v38;
	v12 =	vand.u32 $0x7F, v10;
	[sflag:s30] =	ssyncset.done $0x0  }
0x273: {  	v22 =	vand.u32 $0x3F8, v16;
	v6 =	vadd.s32 s17, v0;
	v35 =	vshll.u32 v12, $0x6;
	[sflag:s30] =	ssyncadd.s32 $0xFFFFF800  }
0x274: {  	v21 =	vand.u32 $0x7, v6;
	v6 =	vand.u32 $0x7F, v6;
	v18 =	vor.u32 v0, v35;
	v1 =	vld [tilespmem:$0x1FFF0];
	_ =	swait.ge [sflag:s2], $0x2800  }
0x275: {  	v24 =	vor.u32 v20, v22;
	v22 =	vshll.u32 v6, $0x6;
	v25 =	vor.u32 v3, v13;
	[sflag:s2] =	ssyncset.done $0x0  }
0x276: {  	v44 =	vor.u32 v5, v42;
	v20 =	vand.u32 $0x3F8, v25;
	v11 =	vor.u32 v31, v22;
	[sflag:s2] =	ssyncadd.s32 $0xFFFFD800  }
0x277: {  	v57 =	vand.u32 $0x7, v4;
	v4 =	vand.u32 $0x7F, v4;
	v19 =	vor.u32 v3, v12;
	v17 =	vld.idx.msk [tilespmem:v17+s29+$0x0], $0xffff;
	[tilespmem:$0x1FE00] =	vst v11  }
0x278: {  	v28 =	vshll.u32 v4, $0x6;
	v10 =	vand.u32 $0x7, v10;
	v26 =	vand.u32 $0x3F8, v19;
	v60 =	vld.idx.msk [tilespmem:v23+s29+$0x0], $0xffff  }
0x279: {  	v25 =	vor.u32 v10, v26;
	v26 =	vor.u32 v3, v4;
	v4 =	vshll.u32 v4, $0x4;
	v18 =	vld.idx.msk [tilespmem:v18+s29+$0x0], $0xffff  }
0x27a: {  	v34 =	vshll.u32 v2, $0x4;
	v2 =	vshll.u32 v2, $0x6;
	v27 =	vor.u32 v3, v6;
	[tilespmem:$0x1FE10] =	vst v4;
	v4 =	vld [tilespmem:$0x1FFB0]  }
0x27b: {  	v9 =	vand.u32 $0x7, v9;
	v29 =	vor.u32 v0, v2;
	v47 =	vor.u32 v0, v22  }
0x27c: {  	v48 =	vor.u32 v5, v38;
	v20 =	vor.u32 v9, v20;
	v9 =	vand.u32 $0x3F8, v27  }
0x27d: {  	v21 =	vor.u32 v21, v9;
	v37 =	vor.u32 v0, v28;
	v36 =	vor.u32 v1, v24  }
0x27e: {  	s17 =	simm.s32 $0x6;
	v54 =	vor.u32 v58, v20;
	v55 =	vand.u32 $0x7, v7;
	v40 =	vor.u32 v1, v20  }
0x27f: {  	v19 =	vand.u32 $0x7F, v7;
	v7 =	vadd.s32 s17, v0;
	v4 =	vor.u32 v4, v2  }
0x280: {  	v46 =	vand.u32 $0x7F, v7;
	v10 =	vor.u32 v3, v19;
	v7 =	vand.u32 $0x7, v7;
	[tilespmem:$0x1FE20] =	vst v4  }
0x281: {  	v30 =	vshll.u32 v46, $0x6;
	v26 =	vand.u32 $0x3F8, v26;
	v61 =	vor.u32 v1, v25;
	v63 =	vld.idx.msk [tilespmem:v29+s29+$0x0], $0xffff  }
0x282: {  	v10 =	vand.u32 $0x3F8, v10;
	v62 =	vor.u32 v3, v46;
	[tilespmem:v36+s23+$0x0] =	vst.idx.msk $0xffff, v60;
	v36 =	vshll.u32 v6, $0x4;
	v6 =	vld.idx.msk [tilespmem:v37+s29+$0x0], $0xffff  }
0x283: {  	v9 =	vor.u32 v0, v30;
	[tilespmem:v40+s23+$0x0] =	vst.idx.msk $0xffff, v17;
	v37 =	vor.u32 v55, v10;
	v10 =	vld.idx.msk [tilespmem:v47+s29+$0x0], $0xffff  }
0x284: {  	v23 =	vor.u32 v57, v26;
	v4 =	vand.u32 $0x3F8, v62;
	v48 =	vld.idx.msk [tilespmem:v48+s29+$0x0], $0xffff;
	v56 =	vor.u32 v8, v37  }
0x285: {  	v51 =	vor.u32 v1, v23;
	v29 =	vor.u32 v7, v4;
	v7 =	vld.idx.msk [tilespmem:v44+s29+$0x0], $0xffff;
	[tilespmem:$0x1FE30] =	vst v56  }
0x286: {  	v14 =	vor.u32 v58, v24;
	v55 =	vld [tilespmem:$0x1FF50];
	[tilespmem:v61+s23+$0x0] =	vst.idx.msk $0xffff, v18  }
0x287: {  	v59 =	vor.u32 v8, v25;
	v4 =	vor.u32 v1, v21;
	v18 =	vld [tilespmem:$0x1FF50];
	[tilespmem:v33+s23+$0x0] =	vst.idx.msk $0xffff, v63  }
0x288: {  	v9 =	vld.idx.msk [tilespmem:v9+s29+$0x0], $0xffff;
	[tilespmem:$0x1FE40] =	vst v59  }
0x289: {  	[tilespmem:v54+s23+$0x0] =	vst.idx.msk $0xffff, v48  }
0x28a: {  	[tilespmem:v51+s23+$0x0] =	vst.idx.msk $0xffff, v6  }
0x28b: {  	v43 =	vor.u32 v5, v35;
	v45 =	vshll.u32 v19, $0x6;
	[tilespmem:v14+s23+$0x0] =	vst.idx.msk $0xffff, v7  }
0x28c: {  	v53 =	vor.u32 v0, v45;
	[tilespmem:v4+s23+$0x0] =	vst.idx.msk $0xffff, v10  }
0x28d: {  	v40 =	vshll.u32 v13, $0x4;
	v13 =	vor.u32 v5, v2;
	v10 =	vld [tilespmem:$0x1FFC0];
	_ =	sdelay $0x1  }
0x28e: {  	v44 =	vor.u32 v1, v29  }
0x28f: {  	v62 =	vor.u32 v58, v25;
	v60 =	vld.idx.msk [tilespmem:v43+s29+$0x0], $0xffff  }
0x290: {  	v63 =	vor.u32 v1, v37;
	v6 =	vld.idx.msk [tilespmem:v53+s29+$0x0], $0xffff  }
0x291: {  	v13 =	vld.idx.msk [tilespmem:v13+s29+$0x0], $0xffff;
	v10 =	vor.u32 v10, v39;
	_ =	sdelay $0x1  }
0x292: {  	[tilespmem:v44+s23+$0x0] =	vst.idx.msk $0xffff, v9  }
0x293: {  	v9 =	vld [tilespmem:$0x1FFB0];
	[tilespmem:v62+s23+$0x0] =	vst.idx.msk $0xffff, v60  }
0x294: {  	v33 =	vor.u32 v8, v24;
	v8 =	vld [tilespmem:$0x1FFB0];
	[tilespmem:v63+s23+$0x0] =	vst.idx.msk $0xffff, v6  }
0x295: {  	s28 =	rddreg [dreg:$0xa];
	[tilespmem:v10+s23+$0x0] =	vst.idx.msk $0xffff, v13  }
0x296: {  	v53 =	vor.u32 v31, v2;
	v2 =	vld [tilespmem:$0x1FFD0]  }
0x297: {  	v12 =	vshll.u32 v12, $0x4;
	v57 =	vor.u32 v31, v42  }
0x298: {  	v41 =	vor.u32 v5, v45;
	v49 =	vor.u32 v55, v24;
	v55 =	vor.u32 v31, v38  }
0x299: {  	v11 =	vor.u32 v5, v28;
	v50 =	vor.u32 v58, v23;
	v61 =	vor.u32 v5, v30  }
0x29a: {  	v47 =	vor.u32 v31, v45;
	v56 =	vor.u32 v31, v35;
	v4 =	vor.u32 v5, v22  }
0x29b: {  	v51 =	vor.u32 v58, v29;
	v7 =	vshll.u32 v32, $0x4;
	v43 =	vor.u32 v2, v39;
	v2 =	vld [tilespmem:$0x1FF80]  }
0x29c: {  	v48 =	vor.u32 v31, v28;
	v54 =	vor.u32 v58, v21;
	v59 =	vld.idx.msk [tilespmem:v57+s29+$0x0], $0xffff;
	v44 =	vor.u32 v0, v34  }
0x29d: {  	v57 =	vor.u32 v18, v25;
	v58 =	vld.idx.msk [tilespmem:v55+s29+$0x0], $0xffff;
	v55 =	vor.u32 v31, v30;
	v62 =	vor.u32 v18, v20  }
0x29e: {  	v61 =	vld.idx.msk [tilespmem:v61+s29+$0x0], $0xffff;
	v52 =	vor.u32 v9, v42;
	v9 =	vshll.u32 v46, $0x4;
	v46 =	vor.u32 v0, v7;
	s5 =	sadd.s32 s28, s12  }
0x29f: {  	v60 =	vld.idx.msk [tilespmem:v4+s29+$0x0], $0xffff;
	v32 =	vor.u32 v0, v9;
	s5 =	sshrl.u32 s5, $0x3;
	v63 =	vor.u32 v8, v38;
	v38 =	vor.u32 v0, v12  }
0x2a0: {  	s15 =	simm.s32 $0x8;
	s12 =	sadd.s32 s1, s5;
	v42 =	vor.u32 v8, v45;
	v39 =	vor.u32 v8, v35;
	v35 =	vld.idx.msk [tilespmem:v11+s29+$0x0], $0xffff;
	v34 =	vor.u32 v2, v37  }
.LBB2_9:
0x2a1: {  	v4 =	vld.idx.msk [tilespmem:v56+s29+$0x0], $0xffff  }
0x2a2: {  	v10 =	vld [tilespmem:$0x1FF80]  }
0x2a3: {  	v13 =	vld [tilespmem:$0x1FF80]  }
0x2a4: {  	v7 =	vor.u32 v8, v30;
	v12 =	vor.u32 v8, v28;
	v8 =	vld [tilespmem:$0x1FFA0]  }
0x2a5: {  	v16 =	vld [tilespmem:$0x1FF80]  }
0x2a6: {  	v15 =	vld [tilespmem:$0x1FF80]  }
0x2a7: {  	[tilespmem:v49+s23+$0x0] =	vst.idx.msk $0xffff, v59;
	v56 =	vld [tilespmem:$0x1FE00]  }
0x2a8: {  	v11 =	vld.idx.msk [tilespmem:v52+s29+$0x0], $0xffff;
	[tilespmem:v62+s23+$0x0] =	vst.idx.msk $0xffff, v58  }
0x2a9: {  	v6 =	vld.idx.msk [tilespmem:v63+s29+$0x0], $0xffff  }
0x2aa: {  	v10 =	vor.u32 v10, v20;
	v52 =	vor.u32 v8, v20;
	v20 =	vor.u32 v16, v23;
	v16 =	vld [tilespmem:$0x1FF80]  }
0x2ab: {  	v63 =	vld [tilespmem:$0x1FF90]  }
0x2ac: {  	v14 =	vld.idx.msk [tilespmem:v41+s29+$0x0], $0xffff  }
0x2ad: {  	[tilespmem:v51+s23+$0x0] =	vst.idx.msk $0xffff, v61;
	v61 =	vld [tilespmem:$0x1FF80]  }
0x2ae: {  	v2 =	vor.u32 v0, v40;
	v40 =	vor.u32 v0, v36;
	v59 =	vor.u32 v18, v21;
	v62 =	vld.idx.msk [tilespmem:v53+s29+$0x0], $0xffff  }
0x2af: {  	[tilespmem:v54+s23+$0x0] =	vst.idx.msk $0xffff, v60;
	v36 =	vor.u32 v8, v21;
	v21 =	vor.u32 v16, v21;
	v16 =	vld [tilespmem:$0x1FE20]  }
0x2b0: {  	v28 =	vld.idx.msk [tilespmem:v55+s29+$0x0], $0xffff;
	v13 =	vor.u32 v13, v24;
	v24 =	vor.u32 v15, v25;
	v25 =	vor.u32 v63, v37  }
0x2b1: {  	[tilespmem:v50+s23+$0x0] =	vst.idx.msk $0xffff, v35;
	v60 =	vld [tilespmem:$0x1FE10]  }
0x2b2: {  	[tilespmem:v57+s23+$0x0] =	vst.idx.msk $0xffff, v4;
	v4 =	vld.idx.msk [tilespmem:v48+s29+$0x0], $0xffff  }
0x2b3: {  	v30 =	vor.u32 v18, v29;
	v58 =	vld.idx.msk [tilespmem:v56+s29+$0x0], $0xffff;
	[tilespmem:v43+s23+$0x0] =	vst.idx.msk $0xffff, v62  }
0x2b4: {  	v9 =	vor.u32 v18, v23;
	[tilespmem:v10+s23+$0x0] =	vst.idx.msk $0xffff, v6;
	v10 =	vld [tilespmem:$0x1FFB0]  }
0x2b5: {  	v6 =	vld.idx.msk [tilespmem:v39+s29+$0x0], $0xffff;
	[tilespmem:v25+s23+$0x0] =	vst.idx.msk $0xffff, v14  }
0x2b6: {  	s9 =	smov.u32 s15;
	v19 =	vshll.u32 v19, $0x4;
	[tilespmem:v13+s23+$0x0] =	vst.idx.msk $0xffff, v11;
	v11 =	vld.idx.msk [tilespmem:v47+s29+$0x0], $0xffff  }
0x2b7: {  	v45 =	vor.u32 v18, v37;
	v51 =	vor.u32 v0, v19;
	v19 =	vadd.s32 s9, v0;
	v26 =	vld.idx.msk [tilespmem:v16+s29+$0x0], $0xffff  }
0x2b8: {  	s28 =	sadd.s32 $0x1, s9;
	v19 =	vand.u32 $0x7F, v19;
	[tilespmem:v30+s23+$0x0] =	vst.idx.msk $0xffff, v28;
	v16 =	vld [tilespmem:$0x1FFE0]  }
0x2b9: {  	s17 =	sadd.s32 $0x2, s9;
	v27 =	vadd.s32 s28, v0;
	v35 =	vshll.u32 v19, $0x4;
	v7 =	vld.idx.msk [tilespmem:v7+s29+$0x0], $0xffff;
	[tilespmem:v9+s23+$0x0] =	vst.idx.msk $0xffff, v4;
	v10 =	vor.u32 v10, v22  }
0x2ba: {  	s10 =	sadd.s32 $0x7, s9;
	s11 =	sadd.s32 $0x4, s9;
	v15 =	vor.u32 v8, v29;
	v28 =	vadd.s32 s17, v0;
	v37 =	vor.u32 v8, v23;
	v4 =	vld.idx.msk [tilespmem:v12+s29+$0x0], $0xffff  }
0x2bb: {  	s16 =	sadd.s32 $0x5, s9;
	s5 =	sadd.s32 $0x6, s9;
	s9 =	sadd.s32 $0x3, s9;
	v13 =	vor.u32 v61, v29;
	v2 =	vld.idx.msk [tilespmem:v2+s31+$0x0], $0xffff;
	[tilespmem:v24+s23+$0x0] =	vst.idx.msk $0xffff, v6;
	v24 =	vor.u32 v3, v19  }
0x2bc: {  	v62 =	vadd.s32 s9, v0;
	v14 =	vor.u32 v0, v60;
	v55 =	vld.idx.msk [tilespmem:v38+s31+$0x0], $0xffff;
	[tilespmem:v45+s23+$0x0] =	vst.idx.msk $0xffff, v11;
	v45 =	vand.u32 $0x3F8, v24  }
0x2bd: {  	v23 =	vadd.s32 s11, v0;
	v29 =	vand.u32 $0x7F, v27;
	[tilespmem:v59+s23+$0x0] =	vst.idx.msk $0xffff, v58;
	v38 =	vor.u32 v16, v45;
	v16 =	vld [tilespmem:$0x1FF70]  }
0x2be: {  	v53 =	vand.u32 $0x7, v62;
	v43 =	vshll.u32 v29, $0x6;
	v22 =	vadd.s32 s10, v0;
	v10 =	vld.idx.msk [tilespmem:v10+s29+$0x0], $0xffff  }
0x2bf: {  	v54 =	vand.u32 $0x7, v23;
	v41 =	vand.u32 $0x7, v22;
	v12 =	vand.u32 $0x7F, v22;
	v22 =	vld.idx.msk [tilespmem:v46+s31+$0x0], $0xffff;
	[tilespmem:v20+s23+$0x0] =	vst.idx.msk $0xffff, v4  }
0x2c0: {  	v57 =	vand.u32 $0x7F, v23;
	v23 =	vor.u32 v3, v29;
	v6 =	vor.u32 v0, v43;
	[tilespmem:v52+s23+$0x0] =	vst.idx.msk $0xffff, v2;
	v52 =	vld [tilespmem:$0x1FFB0]  }
0x2c1: {  	[tilespmem:v13+s23+$0x0] =	vst.idx.msk $0xffff, v7;
	v13 =	vand.u32 $0x7, v28;
	v47 =	vand.u32 $0x7F, v28;
	v28 =	vor.u32 v3, v57;
	v14 =	vld.idx.msk [tilespmem:v14+s31+$0x0], $0xffff  }
0x2c2: {  	v4 =	vand.u32 $0x3F8, v23;
	v20 =	vand.u32 $0x7, v27;
	v49 =	vor.u32 v16, v45;
	v16 =	vld [tilespmem:$0x1FDF0]  }
0x2c3: {  	v20 =	vor.u32 v20, v4;
	v4 =	vand.u32 $0x3F8, v28;
	v28 =	vshll.u32 v12, $0x6;
	v56 =	vld.idx.msk [tilespmem:v42+s29+$0x0], $0xffff;
	[tilespmem:v21+s23+$0x0] =	vst.idx.msk $0xffff, v10  }
0x2c4: {  	v25 =	vadd.s32 s16, v0;
	v21 =	vor.u32 v54, v4;
	v4 =	vor.u32 v0, v28;
	v27 =	vld.idx.msk [tilespmem:v40+s31+$0x0], $0xffff  }
0x2c5: {  	v48 =	vand.u32 $0x7, v25;
	v39 =	vshll.u32 v47, $0x6;
	v30 =	vor.u32 v3, v47;
	v40 =	vld [tilespmem:$0x1FE40]  }
0x2c6: {  	v9 =	vor.u32 v0, v39;
	v18 =	vor.u32 v1, v20;
	v6 =	vld.idx.msk [tilespmem:v6+s29+$0x0], $0xffff;
	[tilespmem:v33+s23+$0x0] =	vst.idx.msk $0xffff, v22  }
0x2c7: {  	v11 =	vand.u32 $0x7F, v62;
	v33 =	vadd.s32 s5, v0;
	v22 =	vshll.u32 v57, $0x6;
	v10 =	vld.idx.msk [tilespmem:v32+s31+$0x0], $0xffff;
	[tilespmem:v37+s23+$0x0] =	vst.idx.msk $0xffff, v14  }
0x2c8: {  	v46 =	vshll.u32 v11, $0x6;
	v24 =	vor.u32 v3, v11;
	[tilespmem:v34+s23+$0x0] =	vst.idx.msk $0xffff, v56;
	v56 =	vld [tilespmem:$0x1FDE0];
	v34 =	vor.u32 v0, v22  }
0x2c9: {  	v42 =	vshll.u32 v19, $0x6;
	v19 =	vand.u32 $0x7F, v25;
	v50 =	vor.u32 v0, v46;
	v4 =	vld.idx.msk [tilespmem:v4+s29+$0x0], $0xffff  }
0x2ca: {  	v24 =	vand.u32 $0x3F8, v24;
	v7 =	vor.u32 v0, v42;
	v59 =	vor.u32 v5, v46;
	[tilespmem:v16+s23+$0x0] =	vst.idx.msk $0xffff, v26;
	v16 =	vld [tilespmem:$0x1FF60]  }
0x2cb: {  	v23 =	vor.u32 v3, v19;
	v24 =	vor.u32 v53, v24;
	[tilespmem:v18+s23+$0x0] =	vst.idx.msk $0xffff, v6;
	v58 =	vld.idx.msk [tilespmem:v44+s31+$0x0], $0xffff  }
0x2cc: {  	v32 =	vor.u32 v1, v24;
	v54 =	vor.u32 v5, v43;
	[tilespmem:v36+s23+$0x0] =	vst.idx.msk $0xffff, v27;
	v27 =	vld [tilespmem:$0x1FFC0];
	v26 =	vand.u32 $0x3F8, v30  }
0x2cd: {  	v6 =	vld.idx.msk [tilespmem:v34+s29+$0x0], $0xffff;
	[tilespmem:v40+s23+$0x0] =	vst.idx.msk $0xffff, v55;
	v25 =	vor.u32 v13, v26;
	v26 =	vor.u32 v3, v12  }
0x2ce: {  	v60 =	vand.u32 $0x7F, v33;
	[tilespmem:v15+s23+$0x0] =	vst.idx.msk $0xffff, v10;
	v10 =	vor.u32 v31, v22;
	v9 =	vld.idx.msk [tilespmem:v9+s29+$0x0], $0xffff;
	v26 =	vand.u32 $0x3F8, v26  }
0x2cf: {  	[tilespmem:$0x1FE00] =	vst v10;
	v10 =	vand.u32 $0x3F8, v23;
	v23 =	vor.u32 v41, v26;
	v41 =	vld [tilespmem:$0x1FE30];
	v16 =	vor.u32 v16, v45  }
0x2d0: {  	v30 =	vshll.u32 v60, $0x6;
	v12 =	vshll.u32 v12, $0x4;
	[tilespmem:v56+s23+$0x0] =	vst.idx.msk $0xffff, v58;
	v58 =	vld.idx.msk [tilespmem:v51+s31+$0x0], $0xffff;
	v51 =	vor.u32 v1, v25  }
0x2d1: {  	v37 =	vor.u32 v48, v10;
	v2 =	vor.u32 v0, v30;
	[tilespmem:$0x1FE10] =	vst v12;
	v56 =	vld.idx.msk [tilespmem:v50+s29+$0x0], $0xffff  }
0x2d2: {  	v33 =	vand.u32 $0x7, v33;
	v10 =	vld [tilespmem:$0x1FF50];
	v12 =	vor.u32 v52, v42;
	[tilespmem:$0x1FDF0] =	vst v16;
	v16 =	vmovc v49;
	v49 =	vor.u32 v3, v60  }
0x2d3: {  	v53 =	vor.u32 v5, v39;
	v44 =	vshll.u32 v19, $0x6;
	[tilespmem:$0x1FE20] =	vst v12;
	v12 =	vld.idx.msk [tilespmem:v54+s29+$0x0], $0xffff;
	v13 =	vand.u32 $0x3F8, v49  }
0x2d4: {  	v40 =	vshll.u32 v29, $0x4;
	v62 =	vor.u32 v0, v44;
	v7 =	vld.idx.msk [tilespmem:v7+s29+$0x0], $0xffff;
	[tilespmem:$0x1FDE0] =	vst v16;
	v29 =	vor.u32 v33, v13  }
0x2d5: {  	v26 =	vld [tilespmem:$0x1FFB0];
	v33 =	vor.u32 v5, v42;
	[tilespmem:v51+s23+$0x0] =	vst.idx.msk $0xffff, v9;
	v9 =	vshll.u32 v47, $0x4;
	v47 =	vor.u32 v63, v20  }
0x2d6: {  	v36 =	vshll.u32 v57, $0x4;
	v2 =	vld.idx.msk [tilespmem:v2+s29+$0x0], $0xffff;
	[tilespmem:v32+s23+$0x0] =	vst.idx.msk $0xffff, v56  }
0x2d7: {  	v16 =	vor.u32 v8, v25;
	[tilespmem:v41+s23+$0x0] =	vst.idx.msk $0xffff, v58;
	v58 =	vor.u32 v1, v23;
	v57 =	vld.idx.msk [tilespmem:v59+s29+$0x0], $0xffff  }
0x2d8: {  	v61 =	vor.u32 v31, v46;
	[tilespmem:$0x1FE40] =	vst v16;
	v18 =	vor.u32 v1, v29;
	v16 =	vld.idx.msk [tilespmem:v53+s29+$0x0], $0xffff  }
0x2d9: {  	v15 =	vor.u32 v5, v28;
	v55 =	vor.u32 v63, v24;
	[tilespmem:v38+s23+$0x0] =	vst.idx.msk $0xffff, v7;
	v7 =	vld.idx.msk [tilespmem:v62+s29+$0x0], $0xffff  }
0x2da: {  	v49 =	vor.u32 v10, v24;
	v10 =	vor.u32 v8, v37;
	[tilespmem:v47+s23+$0x0] =	vst.idx.msk $0xffff, v12;
	v12 =	vld.idx.msk [tilespmem:v33+s29+$0x0], $0xffff  }
0x2db: {  	v48 =	vor.u32 v31, v28;
	[tilespmem:$0x1FE30] =	vst v10;
	v10 =	vor.u32 v5, v30;
	v33 =	vor.u32 v8, v24;
	v8 =	vld [tilespmem:$0x1FFB0]  }
0x2dc: {  	v27 =	vor.u32 v27, v45;
	v13 =	vor.u32 v1, v21;
	[tilespmem:v58+s23+$0x0] =	vst.idx.msk $0xffff, v4;
	v4 =	vld [tilespmem:$0x1FF50]  }
0x2dd: {  	v11 =	vshll.u32 v11, $0x4;
	v17 =	vor.u32 v63, v25;
	v52 =	vor.u32 v26, v46;
	[tilespmem:v18+s23+$0x0] =	vst.idx.msk $0xffff, v2;
	v18 =	vld [tilespmem:$0x1FF50]  }
0x2de: {  	v14 =	vshll.u32 v60, $0x4;
	v26 =	vor.u32 v1, v37;
	v32 =	vor.u32 v31, v43;
	v2 =	vld [tilespmem:$0x1FFD0];
	[tilespmem:v55+s23+$0x0] =	vst.idx.msk $0xffff, v57  }
0x2df: {  	v54 =	vor.u32 v63, v21;
	v50 =	vor.u32 v63, v23;
	v60 =	vor.u32 v5, v22;
	v59 =	vld.idx.msk [tilespmem:v61+s29+$0x0], $0xffff  }
0x2e0: {  	v46 =	vor.u32 v0, v11;
	v41 =	vor.u32 v5, v44;
	v51 =	vor.u32 v63, v29;
	v61 =	vld.idx.msk [tilespmem:v10+s29+$0x0], $0xffff  }
0x2e1: {  	p1 =	slt.u32 s15, $0x78;
	v56 =	vor.u32 v31, v39;
	v53 =	vor.u32 v31, v42;
	[tilespmem:v13+s23+$0x0] =	vst.idx.msk $0xffff, v6;
	v10 =	vld [tilespmem:$0x1FF80]  }
.Ltmp5:
0x2e2: {  	v38 =	vor.u32 v0, v9;
	v47 =	vor.u32 v31, v44;
	[tilespmem:v17+s23+$0x0] =	vst.idx.msk $0xffff, v16;
	(pc) =	sbr.rel @p1 .LBB2_9-.Ltmp5, $4  }
0x2e3: {  	v58 =	vld.idx.msk [tilespmem:v32+s29+$0x0], $0xffff;
	v55 =	vor.u32 v31, v30;
	v32 =	vor.u32 v0, v14;
	[tilespmem:v26+s23+$0x0] =	vst.idx.msk $0xffff, v7  }
0x2e4: {  	v62 =	vor.u32 v4, v20;
	v63 =	vor.u32 v8, v43;
	v57 =	vor.u32 v18, v25  }
0x2e5: {  	v60 =	vld.idx.msk [tilespmem:v60+s29+$0x0], $0xffff;
	v42 =	vor.u32 v8, v44;
	v43 =	vor.u32 v2, v45;
	v39 =	vor.u32 v8, v39  }
0x2e6: {  	s15 =	sadd.s32 $0x8, s15;
	[tilespmem:v27+s23+$0x0] =	vst.idx.msk $0xffff, v12;
	v44 =	vor.u32 v0, v35;
	v35 =	vld.idx.msk [tilespmem:v15+s29+$0x0], $0xffff;
	v34 =	vor.u32 v10, v37  }
0x2e7: {  	_ =	sdelay $0x1  }
0x2e8: {  	v45 =	vld [tilespmem:$0x1FFD0]  }
0x2e9: {  	v27 =	vld [tilespmem:$0x1FFC0]  }
0x2ea: {  	v26 =	vld [tilespmem:$0x1FFE0];
	[tilespmem:v49+s23+$0x0] =	vst.idx.msk $0xffff, v59  }
0x2eb: {  	[tilespmem:v62+s23+$0x0] =	vst.idx.msk $0xffff, v58  }
0x2ec: {  	[tilespmem:v54+s23+$0x0] =	vst.idx.msk $0xffff, v60  }
0x2ed: {  	v49 =	vld [tilespmem:$0x1FF90];
	_ =	sdelay $0x2  }
0x2ee: {  	v2 =	vld.idx.msk [tilespmem:v56+s29+$0x0], $0xffff  }
0x2ef: {  	v6 =	vor.u32 v10, v20;
	v4 =	vld.idx.msk [tilespmem:v63+s29+$0x0], $0xffff  }
0x2f0: {  	v7 =	vld.idx.msk [tilespmem:v41+s29+$0x0], $0xffff;
	v9 =	vor.u32 v49, v37  }
0x2f1: {  	[tilespmem:v51+s23+$0x0] =	vst.idx.msk $0xffff, v61  }
0x2f2: {  	[tilespmem:v50+s23+$0x0] =	vst.idx.msk $0xffff, v35  }
0x2f3: {  	[tilespmem:v57+s23+$0x0] =	vst.idx.msk $0xffff, v2  }
0x2f4: {  	[tilespmem:v6+s23+$0x0] =	vst.idx.msk $0xffff, v4  }
0x2f5: {  	[tilespmem:v9+s23+$0x0] =	vst.idx.msk $0xffff, v7  }
0x2f6: {  	v63 =	vmov v10;
	v9 =	vld [tilespmem:$0x1FE00]  }
0x2f7: {  	v10 =	vld.idx.msk [tilespmem:v52+s29+$0x0], $0xffff;
	v11 =	vor.u32 v63, v24  }
0x2f8: {  	v12 =	vld.idx.msk [tilespmem:v53+s29+$0x0], $0xffff  }
0x2f9: {  	v14 =	vor.u32 v18, v29;
	v13 =	vld.idx.msk [tilespmem:v55+s29+$0x0], $0xffff;
	_ =	sdelay $0x1  }
0x2fa: {  	v15 =	vor.u32 v18, v23;
	v16 =	vld.idx.msk [tilespmem:v48+s29+$0x0], $0xffff  }
0x2fb: {  	v4 =	vor.u32 v63, v25;
	v6 =	vld.idx.msk [tilespmem:v39+s29+$0x0], $0xffff;
	[tilespmem:v11+s23+$0x0] =	vst.idx.msk $0xffff, v10  }
0x2fc: {  	v10 =	vor.u32 v18, v37;
	v54 =	vld.idx.msk [tilespmem:v47+s29+$0x0], $0xffff;
	[tilespmem:v43+s23+$0x0] =	vst.idx.msk $0xffff, v12  }
0x2fd: {  	v17 =	vor.u32 v18, v21;
	[tilespmem:v14+s23+$0x0] =	vst.idx.msk $0xffff, v13;
	v9 =	vld.idx.msk [tilespmem:v9+s29+$0x0], $0xffff  }
0x2fe: {  	v12 =	vld [tilespmem:$0x1FE20]  }
0x2ff: {  	[tilespmem:v15+s23+$0x0] =	vst.idx.msk $0xffff, v16  }
0x300: {  	v2 =	vor.u32 v8, v30;
	[tilespmem:v4+s23+$0x0] =	vst.idx.msk $0xffff, v6  }
0x301: {  	[tilespmem:v10+s23+$0x0] =	vst.idx.msk $0xffff, v54  }
0x302: {  	[tilespmem:v17+s23+$0x0] =	vst.idx.msk $0xffff, v9  }
0x303: {  	v17 =	vld [tilespmem:$0x1FDF0]  }
0x304: {  	v7 =	vor.u32 v8, v28  }
0x305: {  	v55 =	vor.u32 v63, v29;
	v11 =	vor.u32 v8, v22;
	v2 =	vld.idx.msk [tilespmem:v2+s29+$0x0], $0xffff  }
0x306: {  	v12 =	vld.idx.msk [tilespmem:v12+s29+$0x0], $0xffff;
	_ =	sdelay $0x1  }
0x307: {  	v4 =	vld.idx.msk [tilespmem:v46+s31+$0x0], $0xffff  }
0x308: {  	v6 =	vor.u32 v63, v23;
	v7 =	vld.idx.msk [tilespmem:v7+s29+$0x0], $0xffff  }
0x309: {  	v9 =	vor.u32 v63, v21;
	v10 =	vld.idx.msk [tilespmem:v11+s29+$0x0], $0xffff;
	[tilespmem:v55+s23+$0x0] =	vst.idx.msk $0xffff, v2  }
0x30a: {  	v58 =	vld.idx.msk [tilespmem:v42+s29+$0x0], $0xffff;
	v11 =	vor.u32 v0, v36;
	[tilespmem:v17+s23+$0x0] =	vst.idx.msk $0xffff, v12  }
0x30b: {  	v17 =	vld [tilespmem:$0x1FFA0]  }
0x30c: {  	v62 =	vld [tilespmem:$0x1FE10];
	[tilespmem:v33+s23+$0x0] =	vst.idx.msk $0xffff, v4  }
0x30d: {  	[tilespmem:v6+s23+$0x0] =	vst.idx.msk $0xffff, v7  }
0x30e: {  	[tilespmem:v9+s23+$0x0] =	vst.idx.msk $0xffff, v10  }
0x30f: {  	v56 =	vor.u32 v0, v40;
	[tilespmem:v34+s23+$0x0] =	vst.idx.msk $0xffff, v58;
	v10 =	vld.idx.msk [tilespmem:v11+s31+$0x0], $0xffff  }
0x310: {  	v11 =	vld [tilespmem:$0x1FDE0];
	_ =	sdelay $0x2  }
0x311: {  	v60 =	vld.idx.msk [tilespmem:v44+s31+$0x0], $0xffff  }
0x312: {  	v61 =	vld.idx.msk [tilespmem:v56+s31+$0x0], $0xffff;
	v2 =	vor.u32 v17, v20  }
0x313: {  	v6 =	vld.idx.msk [tilespmem:v32+s31+$0x0], $0xffff;
	v4 =	vor.u32 v17, v29;
	_ =	sdelay $0x2  }
0x314: {  	[tilespmem:v11+s23+$0x0] =	vst.idx.msk $0xffff, v60  }
0x315: {  	[tilespmem:v2+s23+$0x0] =	vst.idx.msk $0xffff, v61  }
0x316: {  	[tilespmem:v4+s23+$0x0] =	vst.idx.msk $0xffff, v6  }
0x317: {  	v2 =	vld [tilespmem:$0x1FE40];
	_ =	sdelay $0x1  }
0x318: {  	v9 =	vor.u32 v17, v21  }
0x319: {  	v7 =	vld.idx.msk [tilespmem:v38+s31+$0x0], $0xffff;
	_ =	sdelay $0x2  }
0x31a: {  	v57 =	vshll.u32 v19, $0x4;
	v14 =	vor.u32 v0, v62  }
0x31b: {  	v59 =	vor.u32 v0, v57;
	[tilespmem:v9+s23+$0x0] =	vst.idx.msk $0xffff, v10  }
0x31c: {  	[tilespmem:v2+s23+$0x0] =	vst.idx.msk $0xffff, v7  }
0x31d: {  	v2 =	vld [tilespmem:$0x1FE30];
	_ =	sdelay $0x1  }
0x31e: {  	v63 =	vor.u32 v17, v23;
	v14 =	vld.idx.msk [tilespmem:v14+s31+$0x0], $0xffff  }
0x31f: {  	v11 =	vld.idx.msk [tilespmem:v59+s31+$0x0], $0xffff;
	_ =	sdelay $0x1  }
.Ltmp6:
0x320: {  	_ = 	snop;
	(pc) =	sbr.rel @p0 .LBB2_12-.Ltmp6, $4  }
0x321: {  	_ = 	snop  }
0x322: {  	[tilespmem:v63+s23+$0x0] =	vst.idx.msk $0xffff, v14  }
0x323: {  	[tilespmem:v2+s23+$0x0] =	vst.idx.msk $0xffff, v11  }
0x324: {  	v9 =	vmov v49;
	v11 =	vmov v17;
	[hbm4b:s12+s13] =	stream.strided.scatter [tilespmem:s23], [sflag:$0x6], $0x2800, s14, s13, $0x38;
	[tilespmem:$0x1B800] =	vst v63  }
.Ltmp7:
0x325: {  	(pc) =	sbr.rel .LBB2_2-.Ltmp7, $4  }
0x326: {  	s5 =	sadd.s32 $0x380, s8;
	s9 =	simm.s32 $0x80  }
0x327: {  	v6 =	vld [tilespmem:$0x1FF60];
	[tilespmem:s29], [sflag:$0x4] =	stream.indirect.gather [hbm4b:s4+s9], $0x40, s5, s9, $0xb8  }
0x328: {  	s28 =	sadd.s32 $0x6780, s8;
	s7 =	sadd.s32 $0x1, s7;
	v25 =	vmov v26;
	v7 =	vld [tilespmem:$0x1FF70]  }
0x329: {  	v2 =	vmovc v27;
	v4 =	vmovc v45;
	v12 =	vmov v3;
	v3 =	vmov v5;
	v5 =	vmov v31;
	v10 =	vld [tilespmem:$0x1FF80];
	[tilespmem:s31], [sflag:$0x4] =	stream.indirect.gather [hbm4b:s6+s9], $0x10, s28, s9, $0xb8  }
.LBB2_13:
0x32a: {  	_ =	sfence.sel $0x180000  }
0x32b: {  	[bflag:$0x0] =	sbarrier.arrive $0xFFFF  }
0x32c: {  	_ =	strace $0x90000047  }
0x32d: {  	s0 =	stileid.u32;
	[bflag:$0x2] =	sbarrier.arrive $0xFFFF  }
0x32e: {  	p0 =	sne.s32 s0, $0x0;
	s0 =	rddreg [dreg:$0x4]  }
0x32f: {  	s0 =	sadd.s32 @!p0 $0x100000, s0  }
0x330: {  	[sflag:s0] =	ssyncadd.tile.s32 @!p0 $0x1;
	_ =	shalt  }
.Lfunc_end2:
_tile_overlayer_lowered:
.L_overlay_start_2:
0x331: {  	(tag) =	ssettag $0x2  }
0x332: {  	s0 =	rddreg [dreg:$0x0];
	s2 =	stileid.u32  }
0x333: {  	s1 =	rddreg [dreg:$0x1];
	p0 =	sne.s32 s2, $0x0  }
0x334: {  	s3 =	rddreg [dreg:$0x2];
	[bflag:$0x3] =	sbarrier.arrive $0xFFFF;
	s2 =	simm.s32 @!p0 $0x1C07  }
0x335: {  	[timem:s3], [sflag:s2] =	dma.local @!p0 [hbm:s0], s1  }
0x336: {  	s0 =	simm.s32 @!p0 $0x7  }
0x337: {  	_ =	swait.ge @!p0 [sflag:s0], s1  }
0x338: {  	s1 =	ssub.s32 @!p0 $0x0, s1;
	[sflag:s0] =	ssyncset.done @!p0 $0x0  }
0x339: {  	[sflag:s0] =	ssyncadd.s32 @!p0 s1  }
0x33a: {  	[bflag:$0x3] =	sbarrier.arrive $0xFFFF  }
0x33b: {  	_ =	shalt  }

</sc_bundles>
